<compile_context>
chip_gen: v7x
topology: tpu7x:2x2x1
jax: 0.10.2.dev20260603
libtpu: 0.0.44.dev20260713+nightly
codegen_flags: <defaults>
</compile_context>

<pallas_src>
import jax
import jax.numpy as jnp
from jax import lax
from jax.experimental import pallas as pl
from jax.experimental.pallas import tpu as pltpu
from jax.experimental.pallas import tpu_sc as plsc

B = 16384
D = 16
NC = 2
NS = 16
L = 16
NW = NC * NS
BPW = B // NW
CHUNK = 16
NCHUNK = BPW // CHUNK


def _cmf_body(uid_hbm, iid_hbm, utab_hbm, itab_hbm, out_hbm,
              uid_v, iid_v, ubuf_v, ibuf_v, out_v, sem_u, sem_i):
    wid = lax.axis_index("s") * NC + lax.axis_index("c")
    base = wid * BPW

    pltpu.sync_copy(uid_hbm.at[pl.ds(base, BPW)], uid_v)
    pltpu.sync_copy(iid_hbm.at[pl.ds(base, BPW)], iid_v)

    lane = lax.iota(jnp.int32, L)

    def chunk_body(b, carry):
        uvec = uid_v[pl.ds(b * CHUNK, CHUNK)]
        ivec = iid_v[pl.ds(b * CHUNK, CHUNK)]
        cu = jnp.right_shift(uvec, 7) * 128
        ci = jnp.right_shift(ivec, 7) * 128
        copies = []
        for j in range(CHUNK):
            cuj = pl.multiple_of(jnp.sum(jnp.where(lane == j, cu, 0)), 128)
            cij = pl.multiple_of(jnp.sum(jnp.where(lane == j, ci, 0)), 128)
            copies.append(pltpu.async_copy(
                utab_hbm.at[:, pl.ds(cuj, 128)], ubuf_v.at[j], sem_u))
            copies.append(pltpu.async_copy(
                itab_hbm.at[:, pl.ds(cij, 128)], ibuf_v.at[j], sem_i))
        for cp in copies:
            cp.wait()

        lu = jnp.bitwise_and(uvec, 127)
        li = jnp.bitwise_and(ivec, 127)
        acc = jnp.zeros((L,), jnp.float32)
        for d in range(D):
            dsplat = jnp.full((L,), d, jnp.int32)
            u = plsc.load_gather(ubuf_v, [lane, dsplat, lu])
            it = plsc.load_gather(ibuf_v, [lane, dsplat, li])
            acc = acc + u * it
        out_v[pl.ds(b * CHUNK, CHUNK)] = 1.0 / (1.0 + jnp.exp(-acc))
        return carry

    lax.fori_loop(0, NCHUNK, chunk_body, 0)
    pltpu.sync_copy(out_v, out_hbm.at[pl.ds(base, BPW)])


def kernel(user_ids, item_ids, source_user, source_item):
    mesh = plsc.VectorSubcoreMesh(
        core_axis_name="c", subcore_axis_name="s",
        num_cores=NC, num_subcores=NS)
    k = pl.kernel(
        _cmf_body,
        out_type=jax.ShapeDtypeStruct((B,), jnp.float32),
        mesh=mesh,
        compiler_params=pltpu.CompilerParams(
            needs_layout_passes=False, use_tc_tiling_on_sc=True),
        scratch_types=[
            pltpu.VMEM((BPW,), jnp.int32),
            pltpu.VMEM((BPW,), jnp.int32),
            pltpu.VMEM((CHUNK, D, 128), jnp.float32),
            pltpu.VMEM((CHUNK, D, 128), jnp.float32),
            pltpu.VMEM((BPW,), jnp.float32),
            pltpu.SemaphoreType.DMA,
            pltpu.SemaphoreType.DMA,
        ],
    )
    return k(user_ids.astype(jnp.int32), item_ids.astype(jnp.int32),
             source_user.T, source_item.T)

# --- scband reference (transcript-rebuilt; emitter-appended) ---
"""Pipeline reference for scband-cmf-58909771432124 (READ-ONLY COPY).

The authoritative reference and input builder live on the scoring server;
editing this copy changes nothing except your own understanding.
"""

import jax, jax.numpy as jnp
import numpy as np

B = 16384
N_USERS = 1000000
M_ITEMS = 1000000
EMBED_DIM = 16


def setup_inputs(seed: int = 0) -> dict:
    key = jax.random.key(seed)
    k1, k2, k3, k4 = jax.random.split(key, 4)
    user_ids = jax.random.randint(k1, (B,), 0, N_USERS, dtype=jnp.int64 if jax.config.jax_enable_x64 else jnp.int32)
    item_ids = jax.random.randint(k2, (B,), 0, M_ITEMS, dtype=jnp.int64 if jax.config.jax_enable_x64 else jnp.int32)
    source_user = jax.random.normal(k3, (N_USERS, EMBED_DIM), dtype=jnp.float32)
    source_item = jax.random.normal(k4, (M_ITEMS, EMBED_DIM), dtype=jnp.float32)
    return {
        "user_ids": user_ids,
        "item_ids": item_ids,
        "source_user": source_user,
        "source_item": source_item,
    }


def reference(user_ids, item_ids, source_user, source_item):
    # domain == 'source' (default in the torch module)
    user_emb = jnp.take(source_user, user_ids, axis=0)
    item_emb = jnp.take(source_item, item_ids, axis=0)
    preds = jnp.sum(user_emb * item_emb, axis=1)
    return jax.nn.sigmoid(preds)

if __name__ == "__main__":
    import jax
    _d = setup_inputs()
    print(jax.jit(kernel)(*tuple(_d.values())))

</pallas_src>

<mosaic_0001>
#map = affine_map<(d0, d1) -> (0)>
#map1 = affine_map<(d0, d1) -> (0, 0)>
module attributes {stable_mosaic.version = 14 : i64} {
  func.func @_cmf_body(%arg0: i32, %arg1: i32, %arg2: memref<16384xi32, #tpu.memory_space<hbm>>, %arg3: memref<16384xi32, #tpu.memory_space<hbm>>, %arg4: memref<16x1000000xf32, #tpu.memory_space<hbm>>, %arg5: memref<16x1000000xf32, #tpu.memory_space<hbm>>, %arg6: memref<16384xf32, #tpu.memory_space<hbm>>, %arg7: memref<512xi32, #tpu.memory_space<vmem>>, %arg8: memref<512xi32, #tpu.memory_space<vmem>>, %arg9: memref<16x16x128xf32, #tpu.memory_space<vmem>>, %arg10: memref<16x16x128xf32, #tpu.memory_space<vmem>>, %arg11: memref<512xf32, #tpu.memory_space<vmem>>, %arg12: memref<!tpu.dma_semaphore, #tpu.memory_space<semaphore_mem>>, %arg13: memref<!tpu.dma_semaphore, #tpu.memory_space<semaphore_mem>>) attributes {dimension_semantics = [#tpu.dimension_semantics<core_parallel>, #tpu.dimension_semantics<subcore_parallel>], iteration_bounds = array<i64: 2, 16>, scalar_prefetch = 0 : i64, scratch_operands = 7 : i64, tpu.core_type = #tpu.core_type<sc_vector_subcore>, window_params = [{transform_indices = #map}, {transform_indices = #map}, {transform_indices = #map1}, {transform_indices = #map1}, {transform_indices = #map}]} {
    %mul3A = arith.constant 2 : i32
    %mul3A_0 = arith.muli %arg1, %mul3A : i32
    %add3A = arith.addi %mul3A_0, %arg0 : i32
    %mul3A_1 = arith.constant 512 : i32
    %mul3A_2 = arith.muli %add3A, %mul3A_1 : i32
    "tpu.region"() ({
      %run_scoped3A = tpu.sem_alloc : memref<!tpu.dma_semaphore, #tpu.memory_space<semaphore_mem>>
      %dma_start3A = tpu.memref_slice %arg2[%mul3A_2] : memref<16384xi32, #tpu.memory_space<hbm>> -> memref<512xi32, #tpu.memory_space<hbm>>
      %dma_start3A_8 = tpu.memref_slice %arg2[%mul3A_2] : memref<16384xi32, #tpu.memory_space<hbm>> -> memref<512xi32, #tpu.memory_space<hbm>>
      tpu.enqueue_dma source(%dma_start3A_8 : memref<512xi32, #tpu.memory_space<hbm>>) target(%arg7 : memref<512xi32, #tpu.memory_space<vmem>>) target_semaphore(%run_scoped3A : memref<!tpu.dma_semaphore, #tpu.memory_space<semaphore_mem>>)
      %dma_wait3A = tpu.memref_slice %arg2[%mul3A_2] : memref<16384xi32, #tpu.memory_space<hbm>> -> memref<512xi32, #tpu.memory_space<hbm>>
      %dma_wait3A_9 = tpu.memref_slice %arg2[%mul3A_2] : memref<16384xi32, #tpu.memory_space<hbm>> -> memref<512xi32, #tpu.memory_space<hbm>>
      tpu.wait_dma2 semaphore(%run_scoped3A : memref<!tpu.dma_semaphore, #tpu.memory_space<semaphore_mem>>) src(%dma_wait3A_9 : memref<512xi32, #tpu.memory_space<hbm>>) dst(%arg7 : memref<512xi32, #tpu.memory_space<vmem>>)
      tpu.yield
    }) : () -> ()
    "tpu.region"() ({
      %run_scoped3A = tpu.sem_alloc : memref<!tpu.dma_semaphore, #tpu.memory_space<semaphore_mem>>
      %dma_start3A = tpu.memref_slice %arg3[%mul3A_2] : memref<16384xi32, #tpu.memory_space<hbm>> -> memref<512xi32, #tpu.memory_space<hbm>>
      %dma_start3A_8 = tpu.memref_slice %arg3[%mul3A_2] : memref<16384xi32, #tpu.memory_space<hbm>> -> memref<512xi32, #tpu.memory_space<hbm>>
      tpu.enqueue_dma source(%dma_start3A_8 : memref<512xi32, #tpu.memory_space<hbm>>) target(%arg8 : memref<512xi32, #tpu.memory_space<vmem>>) target_semaphore(%run_scoped3A : memref<!tpu.dma_semaphore, #tpu.memory_space<semaphore_mem>>)
      %dma_wait3A = tpu.memref_slice %arg3[%mul3A_2] : memref<16384xi32, #tpu.memory_space<hbm>> -> memref<512xi32, #tpu.memory_space<hbm>>
      %dma_wait3A_9 = tpu.memref_slice %arg3[%mul3A_2] : memref<16384xi32, #tpu.memory_space<hbm>> -> memref<512xi32, #tpu.memory_space<hbm>>
      tpu.wait_dma2 semaphore(%run_scoped3A : memref<!tpu.dma_semaphore, #tpu.memory_space<semaphore_mem>>) src(%dma_wait3A_9 : memref<512xi32, #tpu.memory_space<hbm>>) dst(%arg8 : memref<512xi32, #tpu.memory_space<vmem>>)
      tpu.yield
    }) : () -> ()
    %iota3A = tpu.iota {dimensions = array<i32: 0>} : vector<16xi32>
    %scan3A = arith.constant 0 : i32
    %scan3A_3 = arith.constant 0 : i32
    %scan3A_4 = arith.constant 32 : i32
    %scan3A_5 = arith.addi %scan3A_3, %scan3A_4 : i32
    %scan3A_6 = arith.constant 1 : i32
    scf.for %scan3A_8 = %scan3A_3 to %scan3A_5 step %scan3A_6  : i32 {
      %mul3A_9 = arith.constant 16 : i32
      %mul3A_10 = arith.muli %scan3A_8, %mul3A_9 : i32
      %get3A = arith.index_cast %mul3A_10 : i32 to index
      %get3A_11 = tpu.vector_load %arg7[%get3A] {strides = array<i32>} : memref<512xi32, #tpu.memory_space<vmem>>, vector<16xi32>,
      %mul3A_12 = arith.constant 16 : i32
      %mul3A_13 = arith.muli %scan3A_8, %mul3A_12 : i32
      %get3A_14 = arith.index_cast %mul3A_13 : i32 to index
      %get3A_15 = tpu.vector_load %arg8[%get3A_14] {strides = array<i32>} : memref<512xi32, #tpu.memory_space<vmem>>, vector<16xi32>,
      %shift_right_arithmetic3A = arith.constant 7 : i32
      %shift_right_arithmetic3A_16 = vector.broadcast %shift_right_arithmetic3A : i32 to vector<16xi32>
      %shift_right_arithmetic3A_17 = arith.shrsi %get3A_11, %shift_right_arithmetic3A_16 : vector<16xi32>
      %mul3A_18 = arith.constant 128 : i32
      %mul3A_19 = vector.broadcast %mul3A_18 : i32 to vector<16xi32>
      %mul3A_20 = arith.muli %shift_right_arithmetic3A_17, %mul3A_19 : vector<16xi32>
      %shift_right_arithmetic3A_21 = arith.constant 7 : i32
      %shift_right_arithmetic3A_22 = vector.broadcast %shift_right_arithmetic3A_21 : i32 to vector<16xi32>
      %shift_right_arithmetic3A_23 = arith.shrsi %get3A_15, %shift_right_arithmetic3A_22 : vector<16xi32>
      %mul3A_24 = arith.constant 128 : i32
      %mul3A_25 = vector.broadcast %mul3A_24 : i32 to vector<16xi32>
      %mul3A_26 = arith.muli %shift_right_arithmetic3A_23, %mul3A_25 : vector<16xi32>
      %eq3A = arith.constant 0 : i32
      %eq3A_27 = vector.broadcast %eq3A : i32 to vector<16xi32>
      %eq3A_28 = arith.cmpi eq, %iota3A, %eq3A_27 : vector<16xi32>
      %jit3A = arith.constant 0 : i32
      %broadcast_in_dim3A = vector.broadcast %jit3A : i32 to vector<16xi32>
      %select_n3A = arith.select %eq3A_28, %mul3A_20, %broadcast_in_dim3A : vector<16xi1>, vector<16xi32>
      %reduce_sum3A = arith.constant true
      %reduce_sum3A_29 = vector.broadcast %reduce_sum3A : i1 to vector<16xi1>
      %reduce_sum3A_30 = tpu.scan <sum>, %select_n3A masked %reduce_sum3A_29 : vector<16xi32>, vector<16xi1> -> vector<16xi32>
      %reduce_sum3A_31 = vector.extract %reduce_sum3A_30[15] : i32 from vector<16xi32>
      %multiple_of3A = tpu.assume_multiple %reduce_sum3A_31, 128 : i32
      %eq3A_32 = arith.constant 0 : i32
      %eq3A_33 = vector.broadcast %eq3A_32 : i32 to vector<16xi32>
      %eq3A_34 = arith.cmpi eq, %iota3A, %eq3A_33 : vector<16xi32>
      %jit3A_35 = arith.constant 0 : i32
      %broadcast_in_dim3A_36 = vector.broadcast %jit3A_35 : i32 to vector<16xi32>
      %select_n3A_37 = arith.select %eq3A_34, %mul3A_26, %broadcast_in_dim3A_36 : vector<16xi1>, vector<16xi32>
      %reduce_sum3A_38 = arith.constant true
      %reduce_sum3A_39 = vector.broadcast %reduce_sum3A_38 : i1 to vector<16xi1>
      %reduce_sum3A_40 = tpu.scan <sum>, %select_n3A_37 masked %reduce_sum3A_39 : vector<16xi32>, vector<16xi1> -> vector<16xi32>
      %reduce_sum3A_41 = vector.extract %reduce_sum3A_40[15] : i32 from vector<16xi32>
      %multiple_of3A_42 = tpu.assume_multiple %reduce_sum3A_41, 128 : i32
      %dma_start3A = arith.constant 0 : i32
      %dma_start3A_43 = arith.constant 0 : i32
      %dma_start3A_44 = arith.constant 0 : i32
      %dma_start3A_45 = tpu.memref_slice %arg9[%dma_start3A, %dma_start3A_43, %dma_start3A_44] : memref<16x16x128xf32, #tpu.memory_space<vmem>> -> memref<1x16x128xf32, #tpu.memory_space<vmem>>
      %dma_start3A_46 = tpu.memref_squeeze %dma_start3A_45 : memref<1x16x128xf32, #tpu.memory_space<vmem>> -> memref<16x128xf32, #tpu.memory_space<vmem>>
      %dma_start3A_47 = arith.constant 0 : i32
      %dma_start3A_48 = tpu.memref_slice %arg4[%dma_start3A_47, %multiple_of3A] : memref<16x1000000xf32, #tpu.memory_space<hbm>> -> memref<16x128xf32, #tpu.memory_space<hbm>>
      %dma_start3A_49 = arith.constant 0 : i32
      %dma_start3A_50 = arith.constant 0 : i32
      %dma_start3A_51 = tpu.memref_slice %arg9[%dma_start3A, %dma_start3A_49, %dma_start3A_50] : memref<16x16x128xf32, #tpu.memory_space<vmem>> -> memref<1x16x128xf32, #tpu.memory_space<vmem>>
      %dma_start3A_52 = tpu.memref_squeeze %dma_start3A_51 : memref<1x16x128xf32, #tpu.memory_space<vmem>> -> memref<16x128xf32, #tpu.memory_space<vmem>>
      %dma_start3A_53 = arith.constant 0 : i32
      %dma_start3A_54 = tpu.memref_slice %arg4[%dma_start3A_53, %multiple_of3A] : memref<16x1000000xf32, #tpu.memory_space<hbm>> -> memref<16x128xf32, #tpu.memory_space<hbm>>
      tpu.enqueue_dma source(%dma_start3A_54 : memref<16x128xf32, #tpu.memory_space<hbm>>) target(%dma_start3A_52 : memref<16x128xf32, #tpu.memory_space<vmem>>) target_semaphore(%arg12 : memref<!tpu.dma_semaphore, #tpu.memory_space<semaphore_mem>>)
      %dma_start3A_55 = arith.constant 0 : i32
      %dma_start3A_56 = arith.constant 0 : i32
      %dma_start3A_57 = arith.constant 0 : i32
      %dma_start3A_58 = tpu.memref_slice %arg10[%dma_start3A_55, %dma_start3A_56, %dma_start3A_57] : memref<16x16x128xf32, #tpu.memory_space<vmem>> -> memref<1x16x128xf32, #tpu.memory_space<vmem>>
      %dma_start3A_59 = tpu.memref_squeeze %dma_start3A_58 : memref<1x16x128xf32, #tpu.memory_space<vmem>> -> memref<16x128xf32, #tpu.memory_space<vmem>>
      %dma_start3A_60 = arith.constant 0 : i32
      %dma_start3A_61 = tpu.memref_slice %arg5[%dma_start3A_60, %multiple_of3A_42] : memref<16x1000000xf32, #tpu.memory_space<hbm>> -> memref<16x128xf32, #tpu.memory_space<hbm>>
      %dma_start3A_62 = arith.constant 0 : i32
      %dma_start3A_63 = arith.constant 0 : i32
      %dma_start3A_64 = tpu.memref_slice %arg10[%dma_start3A_55, %dma_start3A_62, %dma_start3A_63] : memref<16x16x128xf32, #tpu.memory_space<vmem>> -> memref<1x16x128xf32, #tpu.memory_space<vmem>>
      %dma_start3A_65 = tpu.memref_squeeze %dma_start3A_64 : memref<1x16x128xf32, #tpu.memory_space<vmem>> -> memref<16x128xf32, #tpu.memory_space<vmem>>
      %dma_start3A_66 = arith.constant 0 : i32
      %dma_start3A_67 = tpu.memref_slice %arg5[%dma_start3A_66, %multiple_of3A_42] : memref<16x1000000xf32, #tpu.memory_space<hbm>> -> memref<16x128xf32, #tpu.memory_space<hbm>>
      tpu.enqueue_dma source(%dma_start3A_67 : memref<16x128xf32, #tpu.memory_space<hbm>>) target(%dma_start3A_65 : memref<16x128xf32, #tpu.memory_space<vmem>>) target_semaphore(%arg13 : memref<!tpu.dma_semaphore, #tpu.memory_space<semaphore_mem>>)
      %eq3A_68 = arith.constant 1 : i32
      %eq3A_69 = vector.broadcast %eq3A_68 : i32 to vector<16xi32>
      %eq3A_70 = arith.cmpi eq, %iota3A, %eq3A_69 : vector<16xi32>
      %jit3A_71 = arith.constant 0 : i32
      %broadcast_in_dim3A_72 = vector.broadcast %jit3A_71 : i32 to vector<16xi32>
      %select_n3A_73 = arith.select %eq3A_70, %mul3A_20, %broadcast_in_dim3A_72 : vector<16xi1>, vector<16xi32>
      %reduce_sum3A_74 = arith.constant true
      %reduce_sum3A_75 = vector.broadcast %reduce_sum3A_74 : i1 to vector<16xi1>
      %reduce_sum3A_76 = tpu.scan <sum>, %select_n3A_73 masked %reduce_sum3A_75 : vector<16xi32>, vector<16xi1> -> vector<16xi32>
      %reduce_sum3A_77 = vector.extract %reduce_sum3A_76[15] : i32 from vector<16xi32>
      %multiple_of3A_78 = tpu.assume_multiple %reduce_sum3A_77, 128 : i32
      %eq3A_79 = arith.constant 1 : i32
      %eq3A_80 = vector.broadcast %eq3A_79 : i32 to vector<16xi32>
      %eq3A_81 = arith.cmpi eq, %iota3A, %eq3A_80 : vector<16xi32>
      %jit3A_82 = arith.constant 0 : i32
      %broadcast_in_dim3A_83 = vector.broadcast %jit3A_82 : i32 to vector<16xi32>
      %select_n3A_84 = arith.select %eq3A_81, %mul3A_26, %broadcast_in_dim3A_83 : vector<16xi1>, vector<16xi32>
      %reduce_sum3A_85 = arith.constant true
      %reduce_sum3A_86 = vector.broadcast %reduce_sum3A_85 : i1 to vector<16xi1>
      %reduce_sum3A_87 = tpu.scan <sum>, %select_n3A_84 masked %reduce_sum3A_86 : vector<16xi32>, vector<16xi1> -> vector<16xi32>
      %reduce_sum3A_88 = vector.extract %reduce_sum3A_87[15] : i32 from vector<16xi32>
      %multiple_of3A_89 = tpu.assume_multiple %reduce_sum3A_88, 128 : i32
      %dma_start3A_90 = arith.constant 1 : i32
      %dma_start3A_91 = arith.constant 0 : i32
      %dma_start3A_92 = arith.constant 0 : i32
      %dma_start3A_93 = tpu.memref_slice %arg9[%dma_start3A_90, %dma_start3A_91, %dma_start3A_92] : memref<16x16x128xf32, #tpu.memory_space<vmem>> -> memref<1x16x128xf32, #tpu.memory_space<vmem>>
      %dma_start3A_94 = tpu.memref_squeeze %dma_start3A_93 : memref<1x16x128xf32, #tpu.memory_space<vmem>> -> memref<16x128xf32, #tpu.memory_space<vmem>>
      %dma_start3A_95 = arith.constant 0 : i32
      %dma_start3A_96 = tpu.memref_slice %arg4[%dma_start3A_95, %multiple_of3A_78] : memref<16x1000000xf32, #tpu.memory_space<hbm>> -> memref<16x128xf32, #tpu.memory_space<hbm>>
      %dma_start3A_97 = arith.constant 0 : i32
      %dma_start3A_98 = arith.constant 0 : i32
      %dma_start3A_99 = tpu.memref_slice %arg9[%dma_start3A_90, %dma_start3A_97, %dma_start3A_98] : memref<16x16x128xf32, #tpu.memory_space<vmem>> -> memref<1x16x128xf32, #tpu.memory_space<vmem>>
      %dma_start3A_100 = tpu.memref_squeeze %dma_start3A_99 : memref<1x16x128xf32, #tpu.memory_space<vmem>> -> memref<16x128xf32, #tpu.memory_space<vmem>>
      %dma_start3A_101 = arith.constant 0 : i32
      %dma_start3A_102 = tpu.memref_slice %arg4[%dma_start3A_101, %multiple_of3A_78] : memref<16x1000000xf32, #tpu.memory_space<hbm>> -> memref<16x128xf32, #tpu.memory_space<hbm>>
      tpu.enqueue_dma source(%dma_start3A_102 : memref<16x128xf32, #tpu.memory_space<hbm>>) target(%dma_start3A_100 : memref<16x128xf32, #tpu.memory_space<vmem>>) target_semaphore(%arg12 : memref<!tpu.dma_semaphore, #tpu.memory_space<semaphore_mem>>)
      %dma_start3A_103 = arith.constant 1 : i32
      %dma_start3A_104 = arith.constant 0 : i32
      %dma_start3A_105 = arith.constant 0 : i32
      %dma_start3A_106 = tpu.memref_slice %arg10[%dma_start3A_103, %dma_start3A_104, %dma_start3A_105] : memref<16x16x128xf32, #tpu.memory_space<vmem>> -> memref<1x16x128xf32, #tpu.memory_space<vmem>>
      %dma_start3A_107 = tpu.memref_squeeze %dma_start3A_106 : memref<1x16x128xf32, #tpu.memory_space<vmem>> -> memref<16x128xf32, #tpu.memory_space<vmem>>
      %dma_start3A_108 = arith.constant 0 : i32
      %dma_start3A_109 = tpu.memref_slice %arg5[%dma_start3A_108, %multiple_of3A_89] : memref<16x1000000xf32, #tpu.memory_space<hbm>> -> memref<16x128xf32, #tpu.memory_space<hbm>>
      %dma_start3A_110 = arith.constant 0 : i32
      %dma_start3A_111 = arith.constant 0 : i32
      %dma_start3A_112 = tpu.memref_slice %arg10[%dma_start3A_103, %dma_start3A_110, %dma_start3A_111] : memref<16x16x128xf32, #tpu.memory_space<vmem>> -> memref<1x16x128xf32, #tpu.memory_space<vmem>>
      %dma_start3A_113 = tpu.memref_squeeze %dma_start3A_112 : memref<1x16x128xf32, #tpu.memory_space<vmem>> -> memref<16x128xf32, #tpu.memory_space<vmem>>
      %dma_start3A_114 = arith.constant 0 : i32
      %dma_start3A_115 = tpu.memref_slice %arg5[%dma_start3A_114, %multiple_of3A_89] : memref<16x1000000xf32, #tpu.memory_space<hbm>> -> memref<16x128xf32, #tpu.memory_space<hbm>>
      tpu.enqueue_dma source(%dma_start3A_115 : memref<16x128xf32, #tpu.memory_space<hbm>>) target(%dma_start3A_113 : memref<16x128xf32, #tpu.memory_space<vmem>>) target_semaphore(%arg13 : memref<!tpu.dma_semaphore, #tpu.memory_space<semaphore_mem>>)
      %eq3A_116 = arith.constant 2 : i32
      %eq3A_117 = vector.broadcast %eq3A_116 : i32 to vector<16xi32>
      %eq3A_118 = arith.cmpi eq, %iota3A, %eq3A_117 : vector<16xi32>
      %jit3A_119 = arith.constant 0 : i32
      %broadcast_in_dim3A_120 = vector.broadcast %jit3A_119 : i32 to vector<16xi32>
      %select_n3A_121 = arith.select %eq3A_118, %mul3A_20, %broadcast_in_dim3A_120 : vector<16xi1>, vector<16xi32>
      %reduce_sum3A_122 = arith.constant true
      %reduce_sum3A_123 = vector.broadcast %reduce_sum3A_122 : i1 to vector<16xi1>
      %reduce_sum3A_124 = tpu.scan <sum>, %select_n3A_121 masked %reduce_sum3A_123 : vector<16xi32>, vector<16xi1> -> vector<16xi32>
      %reduce_sum3A_125 = vector.extract %reduce_sum3A_124[15] : i32 from vector<16xi32>
      %multiple_of3A_126 = tpu.assume_multiple %reduce_sum3A_125, 128 : i32
      %eq3A_127 = arith.constant 2 : i32
      %eq3A_128 = vector.broadcast %eq3A_127 : i32 to vector<16xi32>
      %eq3A_129 = arith.cmpi eq, %iota3A, %eq3A_128 : vector<16xi32>
      %jit3A_130 = arith.constant 0 : i32
      %broadcast_in_dim3A_131 = vector.broadcast %jit3A_130 : i32 to vector<16xi32>
      %select_n3A_132 = arith.select %eq3A_129, %mul3A_26, %broadcast_in_dim3A_131 : vector<16xi1>, vector<16xi32>
      %reduce_sum3A_133 = arith.constant true
      %reduce_sum3A_134 = vector.broadcast %reduce_sum3A_133 : i1 to vector<16xi1>
      %reduce_sum3A_135 = tpu.scan <sum>, %select_n3A_132 masked %reduce_sum3A_134 : vector<16xi32>, vector<16xi1> -> vector<16xi32>
      %reduce_sum3A_136 = vector.extract %reduce_sum3A_135[15] : i32 from vector<16xi32>
      %multiple_of3A_137 = tpu.assume_multiple %reduce_sum3A_136, 128 : i32
      %dma_start3A_138 = arith.constant 2 : i32
      %dma_start3A_139 = arith.constant 0 : i32
      %dma_start3A_140 = arith.constant 0 : i32
      %dma_start3A_141 = tpu.memref_slice %arg9[%dma_start3A_138, %dma_start3A_139, %dma_start3A_140] : memref<16x16x128xf32, #tpu.memory_space<vmem>> -> memref<1x16x128xf32, #tpu.memory_space<vmem>>
      %dma_start3A_142 = tpu.memref_squeeze %dma_start3A_141 : memref<1x16x128xf32, #tpu.memory_space<vmem>> -> memref<16x128xf32, #tpu.memory_space<vmem>>
      %dma_start3A_143 = arith.constant 0 : i32
      %dma_start3A_144 = tpu.memref_slice %arg4[%dma_start3A_143, %multiple_of3A_126] : memref<16x1000000xf32, #tpu.memory_space<hbm>> -> memref<16x128xf32, #tpu.memory_space<hbm>>
      %dma_start3A_145 = arith.constant 0 : i32
      %dma_start3A_146 = arith.constant 0 : i32
      %dma_start3A_147 = tpu.memref_slice %arg9[%dma_start3A_138, %dma_start3A_145, %dma_start3A_146] : memref<16x16x128xf32, #tpu.memory_space<vmem>> -> memref<1x16x128xf32, #tpu.memory_space<vmem>>
      %dma_start3A_148 = tpu.memref_squeeze %dma_start3A_147 : memref<1x16x128xf32, #tpu.memory_space<vmem>> -> memref<16x128xf32, #tpu.memory_space<vmem>>
      %dma_start3A_149 = arith.constant 0 : i32
      %dma_start3A_150 = tpu.memref_slice %arg4[%dma_start3A_149, %multiple_of3A_126] : memref<16x1000000xf32, #tpu.memory_space<hbm>> -> memref<16x128xf32, #tpu.memory_space<hbm>>
      tpu.enqueue_dma source(%dma_start3A_150 : memref<16x128xf32, #tpu.memory_space<hbm>>) target(%dma_start3A_148 : memref<16x128xf32, #tpu.memory_space<vmem>>) target_semaphore(%arg12 : memref<!tpu.dma_semaphore, #tpu.memory_space<semaphore_mem>>)
      %dma_start3A_151 = arith.constant 2 : i32
      %dma_start3A_152 = arith.constant 0 : i32
      %dma_start3A_153 = arith.constant 0 : i32
      %dma_start3A_154 = tpu.memref_slice %arg10[%dma_start3A_151, %dma_start3A_152, %dma_start3A_153] : memref<16x16x128xf32, #tpu.memory_space<vmem>> -> memref<1x16x128xf32, #tpu.memory_space<vmem>>
      %dma_start3A_155 = tpu.memref_squeeze %dma_start3A_154 : memref<1x16x128xf32, #tpu.memory_space<vmem>> -> memref<16x128xf32, #tpu.memory_space<vmem>>
      %dma_start3A_156 = arith.constant 0 : i32
      %dma_start3A_157 = tpu.memref_slice %arg5[%dma_start3A_156, %multiple_of3A_137] : memref<16x1000000xf32, #tpu.memory_space<hbm>> -> memref<16x128xf32, #tpu.memory_space<hbm>>
      %dma_start3A_158 = arith.constant 0 : i32
      %dma_start3A_159 = arith.constant 0 : i32
      %dma_start3A_160 = tpu.memref_slice %arg10[%dma_start3A_151, %dma_start3A_158, %dma_start3A_159] : memref<16x16x128xf32, #tpu.memory_space<vmem>> -> memref<1x16x128xf32, #tpu.memory_space<vmem>>
      %dma_start3A_161 = tpu.memref_squeeze %dma_start3A_160 : memref<1x16x128xf32, #tpu.memory_space<vmem>> -> memref<16x128xf32, #tpu.memory_space<vmem>>
      %dma_start3A_162 = arith.constant 0 : i32
      %dma_start3A_163 = tpu.memref_slice %arg5[%dma_start3A_162, %multiple_of3A_137] : memref<16x1000000xf32, #tpu.memory_space<hbm>> -> memref<16x128xf32, #tpu.memory_space<hbm>>
      tpu.enqueue_dma source(%dma_start3A_163 : memref<16x128xf32, #tpu.memory_space<hbm>>) target(%dma_start3A_161 : memref<16x128xf32, #tpu.memory_space<vmem>>) target_semaphore(%arg13 : memref<!tpu.dma_semaphore, #tpu.memory_space<semaphore_mem>>)
      %eq3A_164 = arith.constant 3 : i32
      %eq3A_165 = vector.broadcast %eq3A_164 : i32 to vector<16xi32>
      %eq3A_166 = arith.cmpi eq, %iota3A, %eq3A_165 : vector<16xi32>
      %jit3A_167 = arith.constant 0 : i32
      %broadcast_in_dim3A_168 = vector.broadcast %jit3A_167 : i32 to vector<16xi32>
      %select_n3A_169 = arith.select %eq3A_166, %mul3A_20, %broadcast_in_dim3A_168 : vector<16xi1>, vector<16xi32>
      %reduce_sum3A_170 = arith.constant true
      %reduce_sum3A_171 = vector.broadcast %reduce_sum3A_170 : i1 to vector<16xi1>
      %reduce_sum3A_172 = tpu.scan <sum>, %select_n3A_169 masked %reduce_sum3A_171 : vector<16xi32>, vector<16xi1> -> vector<16xi32>
      %reduce_sum3A_173 = vector.extract %reduce_sum3A_172[15] : i32 from vector<16xi32>
      %multiple_of3A_174 = tpu.assume_multiple %reduce_sum3A_173, 128 : i32
      %eq3A_175 = arith.constant 3 : i32
      %eq3A_176 = vector.broadcast %eq3A_175 : i32 to vector<16xi32>
      %eq3A_177 = arith.cmpi eq, %iota3A, %eq3A_176 : vector<16xi32>
      %jit3A_178 = arith.constant 0 : i32
      %broadcast_in_dim3A_179 = vector.broadcast %jit3A_178 : i32 to vector<16xi32>
      %select_n3A_180 = arith.select %eq3A_177, %mul3A_26, %broadcast_in_dim3A_179 : vector<16xi1>, vector<16xi32>
      %reduce_sum3A_181 = arith.constant true
      %reduce_sum3A_182 = vector.broadcast %reduce_sum3A_181 : i1 to vector<16xi1>
      %reduce_sum3A_183 = tpu.scan <sum>, %select_n3A_180 masked %reduce_sum3A_182 : vector<16xi32>, vector<16xi1> -> vector<16xi32>
      %reduce_sum3A_184 = vector.extract %reduce_sum3A_183[15] : i32 from vector<16xi32>
      %multiple_of3A_185 = tpu.assume_multiple %reduce_sum3A_184, 128 : i32
      %dma_start3A_186 = arith.constant 3 : i32
      %dma_start3A_187 = arith.constant 0 : i32
      %dma_start3A_188 = arith.constant 0 : i32
      %dma_start3A_189 = tpu.memref_slice %arg9[%dma_start3A_186, %dma_start3A_187, %dma_start3A_188] : memref<16x16x128xf32, #tpu.memory_space<vmem>> -> memref<1x16x128xf32, #tpu.memory_space<vmem>>
      %dma_start3A_190 = tpu.memref_squeeze %dma_start3A_189 : memref<1x16x128xf32, #tpu.memory_space<vmem>> -> memref<16x128xf32, #tpu.memory_space<vmem>>
      %dma_start3A_191 = arith.constant 0 : i32
      %dma_start3A_192 = tpu.memref_slice %arg4[%dma_start3A_191, %multiple_of3A_174] : memref<16x1000000xf32, #tpu.memory_space<hbm>> -> memref<16x128xf32, #tpu.memory_space<hbm>>
      %dma_start3A_193 = arith.constant 0 : i32
      %dma_start3A_194 = arith.constant 0 : i32
      %dma_start3A_195 = tpu.memref_slice %arg9[%dma_start3A_186, %dma_start3A_193, %dma_start3A_194] : memref<16x16x128xf32, #tpu.memory_space<vmem>> -> memref<1x16x128xf32, #tpu.memory_space<vmem>>
      %dma_start3A_196 = tpu.memref_squeeze %dma_start3A_195 : memref<1x16x128xf32, #tpu.memory_space<vmem>> -> memref<16x128xf32, #tpu.memory_space<vmem>>
      %dma_start3A_197 = arith.constant 0 : i32
      %dma_start3A_198 = tpu.memref_slice %arg4[%dma_start3A_197, %multiple_of3A_174] : memref<16x1000000xf32, #tpu.memory_space<hbm>> -> memref<16x128xf32, #tpu.memory_space<hbm>>
      tpu.enqueue_dma source(%dma_start3A_198 : memref<16x128xf32, #tpu.memory_space<hbm>>) target(%dma_start3A_196 : memref<16x128xf32, #tpu.memory_space<vmem>>) target_semaphore(%arg12 : memref<!tpu.dma_semaphore, #tpu.memory_space<semaphore_mem>>)
      %dma_start3A_199 = arith.constant 3 : i32
      %dma_start3A_200 = arith.constant 0 : i32
      %dma_start3A_201 = arith.constant 0 : i32
      %dma_start3A_202 = tpu.memref_slice %arg10[%dma_start3A_199, %dma_start3A_200, %dma_start3A_201] : memref<16x16x128xf32, #tpu.memory_space<vmem>> -> memref<1x16x128xf32, #tpu.memory_space<vmem>>
      %dma_start3A_203 = tpu.memref_squeeze %dma_start3A_202 : memref<1x16x128xf32, #tpu.memory_space<vmem>> -> memref<16x128xf32, #tpu.memory_space<vmem>>
      %dma_start3A_204 = arith.constant 0 : i32
      %dma_start3A_205 = tpu.memref_slice %arg5[%dma_start3A_204, %multiple_of3A_185] : memref<16x1000000xf32, #tpu.memory_space<hbm>> -> memref<16x128xf32, #tpu.memory_space<hbm>>
      %dma_start3A_206 = arith.constant 0 : i32
      %dma_start3A_207 = arith.constant 0 : i32
      %dma_start3A_208 = tpu.memref_slice %arg10[%dma_start3A_199, %dma_start3A_206, %dma_start3A_207] : memref<16x16x128xf32, #tpu.memory_space<vmem>> -> memref<1x16x128xf32, #tpu.memory_space<vmem>>
      %dma_start3A_209 = tpu.memref_squeeze %dma_start3A_208 : memref<1x16x128xf32, #tpu.memory_space<vmem>> -> memref<16x128xf32, #tpu.memory_space<vmem>>
      %dma_start3A_210 = arith.constant 0 : i32
      %dma_start3A_211 = tpu.memref_slice %arg5[%dma_start3A_210, %multiple_of3A_185] : memref<16x1000000xf32, #tpu.memory_space<hbm>> -> memref<16x128xf32, #tpu.memory_space<hbm>>
      tpu.enqueue_dma source(%dma_start3A_211 : memref<16x128xf32, #tpu.memory_space<hbm>>) target(%dma_start3A_209 : memref<16x128xf32, #tpu.memory_space<vmem>>) target_semaphore(%arg13 : memref<!tpu.dma_semaphore, #tpu.memory_space<semaphore_mem>>)
      %eq3A_212 = arith.constant 4 : i32
      %eq3A_213 = vector.broadcast %eq3A_212 : i32 to vector<16xi32>
      %eq3A_214 = arith.cmpi eq, %iota3A, %eq3A_213 : vector<16xi32>
      %jit3A_215 = arith.constant 0 : i32
      %broadcast_in_dim3A_216 = vector.broadcast %jit3A_215 : i32 to vector<16xi32>
      %select_n3A_217 = arith.select %eq3A_214, %mul3A_20, %broadcast_in_dim3A_216 : vector<16xi1>, vector<16xi32>
      %reduce_sum3A_218 = arith.constant true
      %reduce_sum3A_219 = vector.broadcast %reduce_sum3A_218 : i1 to vector<16xi1>
      %reduce_sum3A_220 = tpu.scan <sum>, %select_n3A_217 masked %reduce_sum3A_219 : vector<16xi32>, vector<16xi1> -> vector<16xi32>
      %reduce_sum3A_221 = vector.extract %reduce_sum3A_220[15] : i32 from vector<16xi32>
      %multiple_of3A_222 = tpu.assume_multiple %reduce_sum3A_221, 128 : i32
      %eq3A_223 = arith.constant 4 : i32
      %eq3A_224 = vector.broadcast %eq3A_223 : i32 to vector<16xi32>
      %eq3A_225 = arith.cmpi eq, %iota3A, %eq3A_224 : vector<16xi32>
      %jit3A_226 = arith.constant 0 : i32
      %broadcast_in_dim3A_227 = vector.broadcast %jit3A_226 : i32 to vector<16xi32>
      %select_n3A_228 = arith.select %eq3A_225, %mul3A_26, %broadcast_in_dim3A_227 : vector<16xi1>, vector<16xi32>
      %reduce_sum3A_229 = arith.constant true
      %reduce_sum3A_230 = vector.broadcast %reduce_sum3A_229 : i1 to vector<16xi1>
      %reduce_sum3A_231 = tpu.scan <sum>, %select_n3A_228 masked %reduce_sum3A_230 : vector<16xi32>, vector<16xi1> -> vector<16xi32>
      %reduce_sum3A_232 = vector.extract %reduce_sum3A_231[15] : i32 from vector<16xi32>
      %multiple_of3A_233 = tpu.assume_multiple %reduce_sum3A_232, 128 : i32
      %dma_start3A_234 = arith.constant 4 : i32
      %dma_start3A_235 = arith.constant 0 : i32
      %dma_start3A_236 = arith.constant 0 : i32
      %dma_start3A_237 = tpu.memref_slice %arg9[%dma_start3A_234, %dma_start3A_235, %dma_start3A_236] : memref<16x16x128xf32, #tpu.memory_space<vmem>> -> memref<1x16x128xf32, #tpu.memory_space<vmem>>
      %dma_start3A_238 = tpu.memref_squeeze %dma_start3A_237 : memref<1x16x128xf32, #tpu.memory_space<vmem>> -> memref<16x128xf32, #tpu.memory_space<vmem>>
      %dma_start3A_239 = arith.constant 0 : i32
      %dma_start3A_240 = tpu.memref_slice %arg4[%dma_start3A_239, %multiple_of3A_222] : memref<16x1000000xf32, #tpu.memory_space<hbm>> -> memref<16x128xf32, #tpu.memory_space<hbm>>
      %dma_start3A_241 = arith.constant 0 : i32
      %dma_start3A_242 = arith.constant 0 : i32
      %dma_start3A_243 = tpu.memref_slice %arg9[%dma_start3A_234, %dma_start3A_241, %dma_start3A_242] : memref<16x16x128xf32, #tpu.memory_space<vmem>> -> memref<1x16x128xf32, #tpu.memory_space<vmem>>
      %dma_start3A_244 = tpu.memref_squeeze %dma_start3A_243 : memref<1x16x128xf32, #tpu.memory_space<vmem>> -> memref<16x128xf32, #tpu.memory_space<vmem>>
      %dma_start3A_245 = arith.constant 0 : i32
      %dma_start3A_246 = tpu.memref_slice %arg4[%dma_start3A_245, %multiple_of3A_222] : memref<16x1000000xf32, #tpu.memory_space<hbm>> -> memref<16x128xf32, #tpu.memory_space<hbm>>
      tpu.enqueue_dma source(%dma_start3A_246 : memref<16x128xf32, #tpu.memory_space<hbm>>) target(%dma_start3A_244 : memref<16x128xf32, #tpu.memory_space<vmem>>) target_semaphore(%arg12 : memref<!tpu.dma_semaphore, #tpu.memory_space<semaphore_mem>>)
      %dma_start3A_247 = arith.constant 4 : i32
      %dma_start3A_248 = arith.constant 0 : i32
      %dma_start3A_249 = arith.constant 0 : i32
      %dma_start3A_250 = tpu.memref_slice %arg10[%dma_start3A_247, %dma_start3A_248, %dma_start3A_249] : memref<16x16x128xf32, #tpu.memory_space<vmem>> -> memref<1x16x128xf32, #tpu.memory_space<vmem>>
      %dma_start3A_251 = tpu.memref_squeeze %dma_start3A_250 : memref<1x16x128xf32, #tpu.memory_space<vmem>> -> memref<16x128xf32, #tpu.memory_space<vmem>>
      %dma_start3A_252 = arith.constant 0 : i32
      %dma_start3A_253 = tpu.memref_slice %arg5[%dma_start3A_252, %multiple_of3A_233] : memref<16x1000000xf32, #tpu.memory_space<hbm>> -> memref<16x128xf32, #tpu.memory_space<hbm>>
      %dma_start3A_254 = arith.constant 0 : i32
      %dma_start3A_255 = arith.constant 0 : i32
      %dma_start3A_256 = tpu.memref_slice %arg10[%dma_start3A_247, %dma_start3A_254, %dma_start3A_255] : memref<16x16x128xf32, #tpu.memory_space<vmem>> -> memref<1x16x128xf32, #tpu.memory_space<vmem>>
      %dma_start3A_257 = tpu.memref_squeeze %dma_start3A_256 : memref<1x16x128xf32, #tpu.memory_space<vmem>> -> memref<16x128xf32, #tpu.memory_space<vmem>>
      %dma_start3A_258 = arith.constant 0 : i32
      %dma_start3A_259 = tpu.memref_slice %arg5[%dma_start3A_258, %multiple_of3A_233] : memref<16x1000000xf32, #tpu.memory_space<hbm>> -> memref<16x128xf32, #tpu.memory_space<hbm>>
      tpu.enqueue_dma source(%dma_start3A_259 : memref<16x128xf32, #tpu.memory_space<hbm>>) target(%dma_start3A_257 : memref<16x128xf32, #tpu.memory_space<vmem>>) target_semaphore(%arg13 : memref<!tpu.dma_semaphore, #tpu.memory_space<semaphore_mem>>)
      %eq3A_260 = arith.constant 5 : i32
      %eq3A_261 = vector.broadcast %eq3A_260 : i32 to vector<16xi32>
      %eq3A_262 = arith.cmpi eq, %iota3A, %eq3A_261 : vector<16xi32>
      %jit3A_263 = arith.constant 0 : i32
      %broadcast_in_dim3A_264 = vector.broadcast %jit3A_263 : i32 to vector<16xi32>
      %select_n3A_265 = arith.select %eq3A_262, %mul3A_20, %broadcast_in_dim3A_264 : vector<16xi1>, vector<16xi32>
      %reduce_sum3A_266 = arith.constant true
      %reduce_sum3A_267 = vector.broadcast %reduce_sum3A_266 : i1 to vector<16xi1>
      %reduce_sum3A_268 = tpu.scan <sum>, %select_n3A_265 masked %reduce_sum3A_267 : vector<16xi32>, vector<16xi1> -> vector<16xi32>
      %reduce_sum3A_269 = vector.extract %reduce_sum3A_268[15] : i32 from vector<16xi32>
      %multiple_of3A_270 = tpu.assume_multiple %reduce_sum3A_269, 128 : i32
      %eq3A_271 = arith.constant 5 : i32
      %eq3A_272 = vector.broadcast %eq3A_271 : i32 to vector<16xi32>
      %eq3A_273 = arith.cmpi eq, %iota3A, %eq3A_272 : vector<16xi32>
      %jit3A_274 = arith.constant 0 : i32
      %broadcast_in_dim3A_275 = vector.broadcast %jit3A_274 : i32 to vector<16xi32>
      %select_n3A_276 = arith.select %eq3A_273, %mul3A_26, %broadcast_in_dim3A_275 : vector<16xi1>, vector<16xi32>
      %reduce_sum3A_277 = arith.constant true
      %reduce_sum3A_278 = vector.broadcast %reduce_sum3A_277 : i1 to vector<16xi1>
      %reduce_sum3A_279 = tpu.scan <sum>, %select_n3A_276 masked %reduce_sum3A_278 : vector<16xi32>, vector<16xi1> -> vector<16xi32>
      %reduce_sum3A_280 = vector.extract %reduce_sum3A_279[15] : i32 from vector<16xi32>
      %multiple_of3A_281 = tpu.assume_multiple %reduce_sum3A_280, 128 : i32
      %dma_start3A_282 = arith.constant 5 : i32
      %dma_start3A_283 = arith.constant 0 : i32
      %dma_start3A_284 = arith.constant 0 : i32
      %dma_start3A_285 = tpu.memref_slice %arg9[%dma_start3A_282, %dma_start3A_283, %dma_start3A_284] : memref<16x16x128xf32, #tpu.memory_space<vmem>> -> memref<1x16x128xf32, #tpu.memory_space<vmem>>
      %dma_start3A_286 = tpu.memref_squeeze %dma_start3A_285 : memref<1x16x128xf32, #tpu.memory_space<vmem>> -> memref<16x128xf32, #tpu.memory_space<vmem>>
      %dma_start3A_287 = arith.constant 0 : i32
      %dma_start3A_288 = tpu.memref_slice %arg4[%dma_start3A_287, %multiple_of3A_270] : memref<16x1000000xf32, #tpu.memory_space<hbm>> -> memref<16x128xf32, #tpu.memory_space<hbm>>
      %dma_start3A_289 = arith.constant 0 : i32
      %dma_start3A_290 = arith.constant 0 : i32
      %dma_start3A_291 = tpu.memref_slice %arg9[%dma_start3A_282, %dma_start3A_289, %dma_start3A_290] : memref<16x16x128xf32, #tpu.memory_space<vmem>> -> memref<1x16x128xf32, #tpu.memory_space<vmem>>
      %dma_start3A_292 = tpu.memref_squeeze %dma_start3A_291 : memref<1x16x128xf32, #tpu.memory_space<vmem>> -> memref<16x128xf32, #tpu.memory_space<vmem>>
      %dma_start3A_293 = arith.constant 0 : i32
      %dma_start3A_294 = tpu.memref_slice %arg4[%dma_start3A_293, %multiple_of3A_270] : memref<16x1000000xf32, #tpu.memory_space<hbm>> -> memref<16x128xf32, #tpu.memory_space<hbm>>
      tpu.enqueue_dma source(%dma_start3A_294 : memref<16x128xf32, #tpu.memory_space<hbm>>) target(%dma_start3A_292 : memref<16x128xf32, #tpu.memory_space<vmem>>) target_semaphore(%arg12 : memref<!tpu.dma_semaphore, #tpu.memory_space<semaphore_mem>>)
      %dma_start3A_295 = arith.constant 5 : i32
      %dma_start3A_296 = arith.constant 0 : i32
      %dma_start3A_297 = arith.constant 0 : i32
      %dma_start3A_298 = tpu.memref_slice %arg10[%dma_start3A_295, %dma_start3A_296, %dma_start3A_297] : memref<16x16x128xf32, #tpu.memory_space<vmem>> -> memref<1x16x128xf32, #tpu.memory_space<vmem>>
      %dma_start3A_299 = tpu.memref_squeeze %dma_start3A_298 : memref<1x16x128xf32, #tpu.memory_space<vmem>> -> memref<16x128xf32, #tpu.memory_space<vmem>>
      %dma_start3A_300 = arith.constant 0 : i32
      %dma_start3A_301 = tpu.memref_slice %arg5[%dma_start3A_300, %multiple_of3A_281] : memref<16x1000000xf32, #tpu.memory_space<hbm>> -> memref<16x128xf32, #tpu.memory_space<hbm>>
      %dma_start3A_302 = arith.constant 0 : i32
      %dma_start3A_303 = arith.constant 0 : i32
      %dma_start3A_304 = tpu.memref_slice %arg10[%dma_start3A_295, %dma_start3A_302, %dma_start3A_303] : memref<16x16x128xf32, #tpu.memory_space<vmem>> -> memref<1x16x128xf32, #tpu.memory_space<vmem>>
      %dma_start3A_305 = tpu.memref_squeeze %dma_start3A_304 : memref<1x16x128xf32, #tpu.memory_space<vmem>> -> memref<16x128xf32, #tpu.memory_space<vmem>>
      %dma_start3A_306 = arith.constant 0 : i32
      %dma_start3A_307 = tpu.memref_slice %arg5[%dma_start3A_306, %multiple_of3A_281] : memref<16x1000000xf32, #tpu.memory_space<hbm>> -> memref<16x128xf32, #tpu.memory_space<hbm>>
      tpu.enqueue_dma source(%dma_start3A_307 : memref<16x128xf32, #tpu.memory_space<hbm>>) target(%dma_start3A_305 : memref<16x128xf32, #tpu.memory_space<vmem>>) target_semaphore(%arg13 : memref<!tpu.dma_semaphore, #tpu.memory_space<semaphore_mem>>)
      %eq3A_308 = arith.constant 6 : i32
      %eq3A_309 = vector.broadcast %eq3A_308 : i32 to vector<16xi32>
      %eq3A_310 = arith.cmpi eq, %iota3A, %eq3A_309 : vector<16xi32>
      %jit3A_311 = arith.constant 0 : i32
      %broadcast_in_dim3A_312 = vector.broadcast %jit3A_311 : i32 to vector<16xi32>
      %select_n3A_313 = arith.select %eq3A_310, %mul3A_20, %broadcast_in_dim3A_312 : vector<16xi1>, vector<16xi32>
      %reduce_sum3A_314 = arith.constant true
      %reduce_sum3A_315 = vector.broadcast %reduce_sum3A_314 : i1 to vector<16xi1>
      %reduce_sum3A_316 = tpu.scan <sum>, %select_n3A_313 masked %reduce_sum3A_315 : vector<16xi32>, vector<16xi1> -> vector<16xi32>
      %reduce_sum3A_317 = vector.extract %reduce_sum3A_316[15] : i32 from vector<16xi32>
      %multiple_of3A_318 = tpu.assume_multiple %reduce_sum3A_317, 128 : i32
      %eq3A_319 = arith.constant 6 : i32
      %eq3A_320 = vector.broadcast %eq3A_319 : i32 to vector<16xi32>
      %eq3A_321 = arith.cmpi eq, %iota3A, %eq3A_320 : vector<16xi32>
      %jit3A_322 = arith.constant 0 : i32
      %broadcast_in_dim3A_323 = vector.broadcast %jit3A_322 : i32 to vector<16xi32>
      %select_n3A_324 = arith.select %eq3A_321, %mul3A_26, %broadcast_in_dim3A_323 : vector<16xi1>, vector<16xi32>
      %reduce_sum3A_325 = arith.constant true
      %reduce_sum3A_326 = vector.broadcast %reduce_sum3A_325 : i1 to vector<16xi1>
      %reduce_sum3A_327 = tpu.scan <sum>, %select_n3A_324 masked %reduce_sum3A_326 : vector<16xi32>, vector<16xi1> -> vector<16xi32>
      %reduce_sum3A_328 = vector.extract %reduce_sum3A_327[15] : i32 from vector<16xi32>
      %multiple_of3A_329 = tpu.assume_multiple %reduce_sum3A_328, 128 : i32
      %dma_start3A_330 = arith.constant 6 : i32
      %dma_start3A_331 = arith.constant 0 : i32
      %dma_start3A_332 = arith.constant 0 : i32
      %dma_start3A_333 = tpu.memref_slice %arg9[%dma_start3A_330, %dma_start3A_331, %dma_start3A_332] : memref<16x16x128xf32, #tpu.memory_space<vmem>> -> memref<1x16x128xf32, #tpu.memory_space<vmem>>
      %dma_start3A_334 = tpu.memref_squeeze %dma_start3A_333 : memref<1x16x128xf32, #tpu.memory_space<vmem>> -> memref<16x128xf32, #tpu.memory_space<vmem>>
      %dma_start3A_335 = arith.constant 0 : i32
      %dma_start3A_336 = tpu.memref_slice %arg4[%dma_start3A_335, %multiple_of3A_318] : memref<16x1000000xf32, #tpu.memory_space<hbm>> -> memref<16x128xf32, #tpu.memory_space<hbm>>
      %dma_start3A_337 = arith.constant 0 : i32
      %dma_start3A_338 = arith.constant 0 : i32
      %dma_start3A_339 = tpu.memref_slice %arg9[%dma_start3A_330, %dma_start3A_337, %dma_start3A_338] : memref<16x16x128xf32, #tpu.memory_space<vmem>> -> memref<1x16x128xf32, #tpu.memory_space<vmem>>
      %dma_start3A_340 = tpu.memref_squeeze %dma_start3A_339 : memref<1x16x128xf32, #tpu.memory_space<vmem>> -> memref<16x128xf32, #tpu.memory_space<vmem>>
      %dma_start3A_341 = arith.constant 0 : i32
      %dma_start3A_342 = tpu.memref_slice %arg4[%dma_start3A_341, %multiple_of3A_318] : memref<16x1000000xf32, #tpu.memory_space<hbm>> -> memref<16x128xf32, #tpu.memory_space<hbm>>
      tpu.enqueue_dma source(%dma_start3A_342 : memref<16x128xf32, #tpu.memory_space<hbm>>) target(%dma_start3A_340 : memref<16x128xf32, #tpu.memory_space<vmem>>) target_semaphore(%arg12 : memref<!tpu.dma_semaphore, #tpu.memory_space<semaphore_mem>>)
      %dma_start3A_343 = arith.constant 6 : i32
      %dma_start3A_344 = arith.constant 0 : i32
      %dma_start3A_345 = arith.constant 0 : i32
      %dma_start3A_346 = tpu.memref_slice %arg10[%dma_start3A_343, %dma_start3A_344, %dma_start3A_345] : memref<16x16x128xf32, #tpu.memory_space<vmem>> -> memref<1x16x128xf32, #tpu.memory_space<vmem>>
      %dma_start3A_347 = tpu.memref_squeeze %dma_start3A_346 : memref<1x16x128xf32, #tpu.memory_space<vmem>> -> memref<16x128xf32, #tpu.memory_space<vmem>>
      %dma_start3A_348 = arith.constant 0 : i32
      %dma_start3A_349 = tpu.memref_slice %arg5[%dma_start3A_348, %multiple_of3A_329] : memref<16x1000000xf32, #tpu.memory_space<hbm>> -> memref<16x128xf32, #tpu.memory_space<hbm>>
      %dma_start3A_350 = arith.constant 0 : i32
      %dma_start3A_351 = arith.constant 0 : i32
      %dma_start3A_352 = tpu.memref_slice %arg10[%dma_start3A_343, %dma_start3A_350, %dma_start3A_351] : memref<16x16x128xf32, #tpu.memory_space<vmem>> -> memref<1x16x128xf32, #tpu.memory_space<vmem>>
      %dma_start3A_353 = tpu.memref_squeeze %dma_start3A_352 : memref<1x16x128xf32, #tpu.memory_space<vmem>> -> memref<16x128xf32, #tpu.memory_space<vmem>>
      %dma_start3A_354 = arith.constant 0 : i32
      %dma_start3A_355 = tpu.memref_slice %arg5[%dma_start3A_354, %multiple_of3A_329] : memref<16x1000000xf32, #tpu.memory_space<hbm>> -> memref<16x128xf32, #tpu.memory_space<hbm>>
      tpu.enqueue_dma source(%dma_start3A_355 : memref<16x128xf32, #tpu.memory_space<hbm>>) target(%dma_start3A_353 : memref<16x128xf32, #tpu.memory_space<vmem>>) target_semaphore(%arg13 : memref<!tpu.dma_semaphore, #tpu.memory_space<semaphore_mem>>)
      %eq3A_356 = arith.constant 7 : i32
      %eq3A_357 = vector.broadcast %eq3A_356 : i32 to vector<16xi32>
      %eq3A_358 = arith.cmpi eq, %iota3A, %eq3A_357 : vector<16xi32>
      %jit3A_359 = arith.constant 0 : i32
      %broadcast_in_dim3A_360 = vector.broadcast %jit3A_359 : i32 to vector<16xi32>
      %select_n3A_361 = arith.select %eq3A_358, %mul3A_20, %broadcast_in_dim3A_360 : vector<16xi1>, vector<16xi32>
      %reduce_sum3A_362 = arith.constant true
      %reduce_sum3A_363 = vector.broadcast %reduce_sum3A_362 : i1 to vector<16xi1>
      %reduce_sum3A_364 = tpu.scan <sum>, %select_n3A_361 masked %reduce_sum3A_363 : vector<16xi32>, vector<16xi1> -> vector<16xi32>
      %reduce_sum3A_365 = vector.extract %reduce_sum3A_364[15] : i32 from vector<16xi32>
      %multiple_of3A_366 = tpu.assume_multiple %reduce_sum3A_365, 128 : i32
      %eq3A_367 = arith.constant 7 : i32
      %eq3A_368 = vector.broadcast %eq3A_367 : i32 to vector<16xi32>
      %eq3A_369 = arith.cmpi eq, %iota3A, %eq3A_368 : vector<16xi32>
      %jit3A_370 = arith.constant 0 : i32
      %broadcast_in_dim3A_371 = vector.broadcast %jit3A_370 : i32 to vector<16xi32>
      %select_n3A_372 = arith.select %eq3A_369, %mul3A_26, %broadcast_in_dim3A_371 : vector<16xi1>, vector<16xi32>
      %reduce_sum3A_373 = arith.constant true
      %reduce_sum3A_374 = vector.broadcast %reduce_sum3A_373 : i1 to vector<16xi1>
      %reduce_sum3A_375 = tpu.scan <sum>, %select_n3A_372 masked %reduce_sum3A_374 : vector<16xi32>, vector<16xi1> -> vector<16xi32>
      %reduce_sum3A_376 = vector.extract %reduce_sum3A_375[15] : i32 from vector<16xi32>
      %multiple_of3A_377 = tpu.assume_multiple %reduce_sum3A_376, 128 : i32
      %dma_start3A_378 = arith.constant 7 : i32
      %dma_start3A_379 = arith.constant 0 : i32
      %dma_start3A_380 = arith.constant 0 : i32
      %dma_start3A_381 = tpu.memref_slice %arg9[%dma_start3A_378, %dma_start3A_379, %dma_start3A_380] : memref<16x16x128xf32, #tpu.memory_space<vmem>> -> memref<1x16x128xf32, #tpu.memory_space<vmem>>
      %dma_start3A_382 = tpu.memref_squeeze %dma_start3A_381 : memref<1x16x128xf32, #tpu.memory_space<vmem>> -> memref<16x128xf32, #tpu.memory_space<vmem>>
      %dma_start3A_383 = arith.constant 0 : i32
      %dma_start3A_384 = tpu.memref_slice %arg4[%dma_start3A_383, %multiple_of3A_366] : memref<16x1000000xf32, #tpu.memory_space<hbm>> -> memref<16x128xf32, #tpu.memory_space<hbm>>
      %dma_start3A_385 = arith.constant 0 : i32
      %dma_start3A_386 = arith.constant 0 : i32
      %dma_start3A_387 = tpu.memref_slice %arg9[%dma_start3A_378, %dma_start3A_385, %dma_start3A_386] : memref<16x16x128xf32, #tpu.memory_space<vmem>> -> memref<1x16x128xf32, #tpu.memory_space<vmem>>
      %dma_start3A_388 = tpu.memref_squeeze %dma_start3A_387 : memref<1x16x128xf32, #tpu.memory_space<vmem>> -> memref<16x128xf32, #tpu.memory_space<vmem>>
      %dma_start3A_389 = arith.constant 0 : i32
      %dma_start3A_390 = tpu.memref_slice %arg4[%dma_start3A_389, %multiple_of3A_366] : memref<16x1000000xf32, #tpu.memory_space<hbm>> -> memref<16x128xf32, #tpu.memory_space<hbm>>
      tpu.enqueue_dma source(%dma_start3A_390 : memref<16x128xf32, #tpu.memory_space<hbm>>) target(%dma_start3A_388 : memref<16x128xf32, #tpu.memory_space<vmem>>) target_semaphore(%arg12 : memref<!tpu.dma_semaphore, #tpu.memory_space<semaphore_mem>>)
      %dma_start3A_391 = arith.constant 7 : i32
      %dma_start3A_392 = arith.constant 0 : i32
      %dma_start3A_393 = arith.constant 0 : i32
      %dma_start3A_394 = tpu.memref_slice %arg10[%dma_start3A_391, %dma_start3A_392, %dma_start3A_393] : memref<16x16x128xf32, #tpu.memory_space<vmem>> -> memref<1x16x128xf32, #tpu.memory_space<vmem>>
      %dma_start3A_395 = tpu.memref_squeeze %dma_start3A_394 : memref<1x16x128xf32, #tpu.memory_space<vmem>> -> memref<16x128xf32, #tpu.memory_space<vmem>>
      %dma_start3A_396 = arith.constant 0 : i32
      %dma_start3A_397 = tpu.memref_slice %arg5[%dma_start3A_396, %multiple_of3A_377] : memref<16x1000000xf32, #tpu.memory_space<hbm>> -> memref<16x128xf32, #tpu.memory_space<hbm>>
      %dma_start3A_398 = arith.constant 0 : i32
      %dma_start3A_399 = arith.constant 0 : i32
      %dma_start3A_400 = tpu.memref_slice %arg10[%dma_start3A_391, %dma_start3A_398, %dma_start3A_399] : memref<16x16x128xf32, #tpu.memory_space<vmem>> -> memref<1x16x128xf32, #tpu.memory_space<vmem>>
      %dma_start3A_401 = tpu.memref_squeeze %dma_start3A_400 : memref<1x16x128xf32, #tpu.memory_space<vmem>> -> memref<16x128xf32, #tpu.memory_space<vmem>>
      %dma_start3A_402 = arith.constant 0 : i32
      %dma_start3A_403 = tpu.memref_slice %arg5[%dma_start3A_402, %multiple_of3A_377] : memref<16x1000000xf32, #tpu.memory_space<hbm>> -> memref<16x128xf32, #tpu.memory_space<hbm>>
      tpu.enqueue_dma source(%dma_start3A_403 : memref<16x128xf32, #tpu.memory_space<hbm>>) target(%dma_start3A_401 : memref<16x128xf32, #tpu.memory_space<vmem>>) target_semaphore(%arg13 : memref<!tpu.dma_semaphore, #tpu.memory_space<semaphore_mem>>)
      %eq3A_404 = arith.constant 8 : i32
      %eq3A_405 = vector.broadcast %eq3A_404 : i32 to vector<16xi32>
      %eq3A_406 = arith.cmpi eq, %iota3A, %eq3A_405 : vector<16xi32>
      %jit3A_407 = arith.constant 0 : i32
      %broadcast_in_dim3A_408 = vector.broadcast %jit3A_407 : i32 to vector<16xi32>
      %select_n3A_409 = arith.select %eq3A_406, %mul3A_20, %broadcast_in_dim3A_408 : vector<16xi1>, vector<16xi32>
      %reduce_sum3A_410 = arith.constant true
      %reduce_sum3A_411 = vector.broadcast %reduce_sum3A_410 : i1 to vector<16xi1>
      %reduce_sum3A_412 = tpu.scan <sum>, %select_n3A_409 masked %reduce_sum3A_411 : vector<16xi32>, vector<16xi1> -> vector<16xi32>
      %reduce_sum3A_413 = vector.extract %reduce_sum3A_412[15] : i32 from vector<16xi32>
      %multiple_of3A_414 = tpu.assume_multiple %reduce_sum3A_413, 128 : i32
      %eq3A_415 = arith.constant 8 : i32
      %eq3A_416 = vector.broadcast %eq3A_415 : i32 to vector<16xi32>
      %eq3A_417 = arith.cmpi eq, %iota3A, %eq3A_416 : vector<16xi32>
      %jit3A_418 = arith.constant 0 : i32
      %broadcast_in_dim3A_419 = vector.broadcast %jit3A_418 : i32 to vector<16xi32>
      %select_n3A_420 = arith.select %eq3A_417, %mul3A_26, %broadcast_in_dim3A_419 : vector<16xi1>, vector<16xi32>
      %reduce_sum3A_421 = arith.constant true
      %reduce_sum3A_422 = vector.broadcast %reduce_sum3A_421 : i1 to vector<16xi1>
      %reduce_sum3A_423 = tpu.scan <sum>, %select_n3A_420 masked %reduce_sum3A_422 : vector<16xi32>, vector<16xi1> -> vector<16xi32>
      %reduce_sum3A_424 = vector.extract %reduce_sum3A_423[15] : i32 from vector<16xi32>
      %multiple_of3A_425 = tpu.assume_multiple %reduce_sum3A_424, 128 : i32
      %dma_start3A_426 = arith.constant 8 : i32
      %dma_start3A_427 = arith.constant 0 : i32
      %dma_start3A_428 = arith.constant 0 : i32
      %dma_start3A_429 = tpu.memref_slice %arg9[%dma_start3A_426, %dma_start3A_427, %dma_start3A_428] : memref<16x16x128xf32, #tpu.memory_space<vmem>> -> memref<1x16x128xf32, #tpu.memory_space<vmem>>
      %dma_start3A_430 = tpu.memref_squeeze %dma_start3A_429 : memref<1x16x128xf32, #tpu.memory_space<vmem>> -> memref<16x128xf32, #tpu.memory_space<vmem>>
      %dma_start3A_431 = arith.constant 0 : i32
      %dma_start3A_432 = tpu.memref_slice %arg4[%dma_start3A_431, %multiple_of3A_414] : memref<16x1000000xf32, #tpu.memory_space<hbm>> -> memref<16x128xf32, #tpu.memory_space<hbm>>
      %dma_start3A_433 = arith.constant 0 : i32
      %dma_start3A_434 = arith.constant 0 : i32
      %dma_start3A_435 = tpu.memref_slice %arg9[%dma_start3A_426, %dma_start3A_433, %dma_start3A_434] : memref<16x16x128xf32, #tpu.memory_space<vmem>> -> memref<1x16x128xf32, #tpu.memory_space<vmem>>
      %dma_start3A_436 = tpu.memref_squeeze %dma_start3A_435 : memref<1x16x128xf32, #tpu.memory_space<vmem>> -> memref<16x128xf32, #tpu.memory_space<vmem>>
      %dma_start3A_437 = arith.constant 0 : i32
      %dma_start3A_438 = tpu.memref_slice %arg4[%dma_start3A_437, %multiple_of3A_414] : memref<16x1000000xf32, #tpu.memory_space<hbm>> -> memref<16x128xf32, #tpu.memory_space<hbm>>
      tpu.enqueue_dma source(%dma_start3A_438 : memref<16x128xf32, #tpu.memory_space<hbm>>) target(%dma_start3A_436 : memref<16x128xf32, #tpu.memory_space<vmem>>) target_semaphore(%arg12 : memref<!tpu.dma_semaphore, #tpu.memory_space<semaphore_mem>>)
      %dma_start3A_439 = arith.constant 8 : i32
      %dma_start3A_440 = arith.constant 0 : i32
      %dma_start3A_441 = arith.constant 0 : i32
      %dma_start3A_442 = tpu.memref_slice %arg10[%dma_start3A_439, %dma_start3A_440, %dma_start3A_441] : memref<16x16x128xf32, #tpu.memory_space<vmem>> -> memref<1x16x128xf32, #tpu.memory_space<vmem>>
      %dma_start3A_443 = tpu.memref_squeeze %dma_start3A_442 : memref<1x16x128xf32, #tpu.memory_space<vmem>> -> memref<16x128xf32, #tpu.memory_space<vmem>>
      %dma_start3A_444 = arith.constant 0 : i32
      %dma_start3A_445 = tpu.memref_slice %arg5[%dma_start3A_444, %multiple_of3A_425] : memref<16x1000000xf32, #tpu.memory_space<hbm>> -> memref<16x128xf32, #tpu.memory_space<hbm>>
      %dma_start3A_446 = arith.constant 0 : i32
      %dma_start3A_447 = arith.constant 0 : i32
      %dma_start3A_448 = tpu.memref_slice %arg10[%dma_start3A_439, %dma_start3A_446, %dma_start3A_447] : memref<16x16x128xf32, #tpu.memory_space<vmem>> -> memref<1x16x128xf32, #tpu.memory_space<vmem>>
      %dma_start3A_449 = tpu.memref_squeeze %dma_start3A_448 : memref<1x16x128xf32, #tpu.memory_space<vmem>> -> memref<16x128xf32, #tpu.memory_space<vmem>>
      %dma_start3A_450 = arith.constant 0 : i32
      %dma_start3A_451 = tpu.memref_slice %arg5[%dma_start3A_450, %multiple_of3A_425] : memref<16x1000000xf32, #tpu.memory_space<hbm>> -> memref<16x128xf32, #tpu.memory_space<hbm>>
      tpu.enqueue_dma source(%dma_start3A_451 : memref<16x128xf32, #tpu.memory_space<hbm>>) target(%dma_start3A_449 : memref<16x128xf32, #tpu.memory_space<vmem>>) target_semaphore(%arg13 : memref<!tpu.dma_semaphore, #tpu.memory_space<semaphore_mem>>)
      %eq3A_452 = arith.constant 9 : i32
      %eq3A_453 = vector.broadcast %eq3A_452 : i32 to vector<16xi32>
      %eq3A_454 = arith.cmpi eq, %iota3A, %eq3A_453 : vector<16xi32>
      %jit3A_455 = arith.constant 0 : i32
      %broadcast_in_dim3A_456 = vector.broadcast %jit3A_455 : i32 to vector<16xi32>
      %select_n3A_457 = arith.select %eq3A_454, %mul3A_20, %broadcast_in_dim3A_456 : vector<16xi1>, vector<16xi32>
      %reduce_sum3A_458 = arith.constant true
      %reduce_sum3A_459 = vector.broadcast %reduce_sum3A_458 : i1 to vector<16xi1>
      %reduce_sum3A_460 = tpu.scan <sum>, %select_n3A_457 masked %reduce_sum3A_459 : vector<16xi32>, vector<16xi1> -> vector<16xi32>
      %reduce_sum3A_461 = vector.extract %reduce_sum3A_460[15] : i32 from vector<16xi32>
      %multiple_of3A_462 = tpu.assume_multiple %reduce_sum3A_461, 128 : i32
      %eq3A_463 = arith.constant 9 : i32
      %eq3A_464 = vector.broadcast %eq3A_463 : i32 to vector<16xi32>
      %eq3A_465 = arith.cmpi eq, %iota3A, %eq3A_464 : vector<16xi32>
      %jit3A_466 = arith.constant 0 : i32
      %broadcast_in_dim3A_467 = vector.broadcast %jit3A_466 : i32 to vector<16xi32>
      %select_n3A_468 = arith.select %eq3A_465, %mul3A_26, %broadcast_in_dim3A_467 : vector<16xi1>, vector<16xi32>
      %reduce_sum3A_469 = arith.constant true
      %reduce_sum3A_470 = vector.broadcast %reduce_sum3A_469 : i1 to vector<16xi1>
      %reduce_sum3A_471 = tpu.scan <sum>, %select_n3A_468 masked %reduce_sum3A_470 : vector<16xi32>, vector<16xi1> -> vector<16xi32>
      %reduce_sum3A_472 = vector.extract %reduce_sum3A_471[15] : i32 from vector<16xi32>
      %multiple_of3A_473 = tpu.assume_multiple %reduce_sum3A_472, 128 : i32
      %dma_start3A_474 = arith.constant 9 : i32
      %dma_start3A_475 = arith.constant 0 : i32
      %dma_start3A_476 = arith.constant 0 : i32
      %dma_start3A_477 = tpu.memref_slice %arg9[%dma_start3A_474, %dma_start3A_475, %dma_start3A_476] : memref<16x16x128xf32, #tpu.memory_space<vmem>> -> memref<1x16x128xf32, #tpu.memory_space<vmem>>
      %dma_start3A_478 = tpu.memref_squeeze %dma_start3A_477 : memref<1x16x128xf32, #tpu.memory_space<vmem>> -> memref<16x128xf32, #tpu.memory_space<vmem>>
      %dma_start3A_479 = arith.constant 0 : i32
      %dma_start3A_480 = tpu.memref_slice %arg4[%dma_start3A_479, %multiple_of3A_462] : memref<16x1000000xf32, #tpu.memory_space<hbm>> -> memref<16x128xf32, #tpu.memory_space<hbm>>
      %dma_start3A_481 = arith.constant 0 : i32
      %dma_start3A_482 = arith.constant 0 : i32
      %dma_start3A_483 = tpu.memref_slice %arg9[%dma_start3A_474, %dma_start3A_481, %dma_start3A_482] : memref<16x16x128xf32, #tpu.memory_space<vmem>> -> memref<1x16x128xf32, #tpu.memory_space<vmem>>
      %dma_start3A_484 = tpu.memref_squeeze %dma_start3A_483 : memref<1x16x128xf32, #tpu.memory_space<vmem>> -> memref<16x128xf32, #tpu.memory_space<vmem>>
      %dma_start3A_485 = arith.constant 0 : i32
      %dma_start3A_486 = tpu.memref_slice %arg4[%dma_start3A_485, %multiple_of3A_462] : memref<16x1000000xf32, #tpu.memory_space<hbm>> -> memref<16x128xf32, #tpu.memory_space<hbm>>
      tpu.enqueue_dma source(%dma_start3A_486 : memref<16x128xf32, #tpu.memory_space<hbm>>) target(%dma_start3A_484 : memref<16x128xf32, #tpu.memory_space<vmem>>) target_semaphore(%arg12 : memref<!tpu.dma_semaphore, #tpu.memory_space<semaphore_mem>>)
      %dma_start3A_487 = arith.constant 9 : i32
      %dma_start3A_488 = arith.constant 0 : i32
      %dma_start3A_489 = arith.constant 0 : i32
      %dma_start3A_490 = tpu.memref_slice %arg10[%dma_start3A_487, %dma_start3A_488, %dma_start3A_489] : memref<16x16x128xf32, #tpu.memory_space<vmem>> -> memref<1x16x128xf32, #tpu.memory_space<vmem>>
      %dma_start3A_491 = tpu.memref_squeeze %dma_start3A_490 : memref<1x16x128xf32, #tpu.memory_space<vmem>> -> memref<16x128xf32, #tpu.memory_space<vmem>>
      %dma_start3A_492 = arith.constant 0 : i32
      %dma_start3A_493 = tpu.memref_slice %arg5[%dma_start3A_492, %multiple_of3A_473] : memref<16x1000000xf32, #tpu.memory_space<hbm>> -> memref<16x128xf32, #tpu.memory_space<hbm>>
      %dma_start3A_494 = arith.constant 0 : i32
      %dma_start3A_495 = arith.constant 0 : i32
      %dma_start3A_496 = tpu.memref_slice %arg10[%dma_start3A_487, %dma_start3A_494, %dma_start3A_495] : memref<16x16x128xf32, #tpu.memory_space<vmem>> -> memref<1x16x128xf32, #tpu.memory_space<vmem>>
      %dma_start3A_497 = tpu.memref_squeeze %dma_start3A_496 : memref<1x16x128xf32, #tpu.memory_space<vmem>> -> memref<16x128xf32, #tpu.memory_space<vmem>>
      %dma_start3A_498 = arith.constant 0 : i32
      %dma_start3A_499 = tpu.memref_slice %arg5[%dma_start3A_498, %multiple_of3A_473] : memref<16x1000000xf32, #tpu.memory_space<hbm>> -> memref<16x128xf32, #tpu.memory_space<hbm>>
      tpu.enqueue_dma source(%dma_start3A_499 : memref<16x128xf32, #tpu.memory_space<hbm>>) target(%dma_start3A_497 : memref<16x128xf32, #tpu.memory_space<vmem>>) target_semaphore(%arg13 : memref<!tpu.dma_semaphore, #tpu.memory_space<semaphore_mem>>)
      %eq3A_500 = arith.constant 10 : i32
      %eq3A_501 = vector.broadcast %eq3A_500 : i32 to vector<16xi32>
      %eq3A_502 = arith.cmpi eq, %iota3A, %eq3A_501 : vector<16xi32>
      %jit3A_503 = arith.constant 0 : i32
      %broadcast_in_dim3A_504 = vector.broadcast %jit3A_503 : i32 to vector<16xi32>
      %select_n3A_505 = arith.select %eq3A_502, %mul3A_20, %broadcast_in_dim3A_504 : vector<16xi1>, vector<16xi32>
      %reduce_sum3A_506 = arith.constant true
      %reduce_sum3A_507 = vector.broadcast %reduce_sum3A_506 : i1 to vector<16xi1>
      %reduce_sum3A_508 = tpu.scan <sum>, %select_n3A_505 masked %reduce_sum3A_507 : vector<16xi32>, vector<16xi1> -> vector<16xi32>
      %reduce_sum3A_509 = vector.extract %reduce_sum3A_508[15] : i32 from vector<16xi32>
      %multiple_of3A_510 = tpu.assume_multiple %reduce_sum3A_509, 128 : i32
      %eq3A_511 = arith.constant 10 : i32
      %eq3A_512 = vector.broadcast %eq3A_511 : i32 to vector<16xi32>
      %eq3A_513 = arith.cmpi eq, %iota3A, %eq3A_512 : vector<16xi32>
      %jit3A_514 = arith.constant 0 : i32
      %broadcast_in_dim3A_515 = vector.broadcast %jit3A_514 : i32 to vector<16xi32>
      %select_n3A_516 = arith.select %eq3A_513, %mul3A_26, %broadcast_in_dim3A_515 : vector<16xi1>, vector<16xi32>
      %reduce_sum3A_517 = arith.constant true
      %reduce_sum3A_518 = vector.broadcast %reduce_sum3A_517 : i1 to vector<16xi1>
      %reduce_sum3A_519 = tpu.scan <sum>, %select_n3A_516 masked %reduce_sum3A_518 : vector<16xi32>, vector<16xi1> -> vector<16xi32>
      %reduce_sum3A_520 = vector.extract %reduce_sum3A_519[15] : i32 from vector<16xi32>
      %multiple_of3A_521 = tpu.assume_multiple %reduce_sum3A_520, 128 : i32
      %dma_start3A_522 = arith.constant 10 : i32
      %dma_start3A_523 = arith.constant 0 : i32
      %dma_start3A_524 = arith.constant 0 : i32
      %dma_start3A_525 = tpu.memref_slice %arg9[%dma_start3A_522, %dma_start3A_523, %dma_start3A_524] : memref<16x16x128xf32, #tpu.memory_space<vmem>> -> memref<1x16x128xf32, #tpu.memory_space<vmem>>
      %dma_start3A_526 = tpu.memref_squeeze %dma_start3A_525 : memref<1x16x128xf32, #tpu.memory_space<vmem>> -> memref<16x128xf32, #tpu.memory_space<vmem>>
      %dma_start3A_527 = arith.constant 0 : i32
      %dma_start3A_528 = tpu.memref_slice %arg4[%dma_start3A_527, %multiple_of3A_510] : memref<16x1000000xf32, #tpu.memory_space<hbm>> -> memref<16x128xf32, #tpu.memory_space<hbm>>
      %dma_start3A_529 = arith.constant 0 : i32
      %dma_start3A_530 = arith.constant 0 : i32
      %dma_start3A_531 = tpu.memref_slice %arg9[%dma_start3A_522, %dma_start3A_529, %dma_start3A_530] : memref<16x16x128xf32, #tpu.memory_space<vmem>> -> memref<1x16x128xf32, #tpu.memory_space<vmem>>
      %dma_start3A_532 = tpu.memref_squeeze %dma_start3A_531 : memref<1x16x128xf32, #tpu.memory_space<vmem>> -> memref<16x128xf32, #tpu.memory_space<vmem>>
      %dma_start3A_533 = arith.constant 0 : i32
      %dma_start3A_534 = tpu.memref_slice %arg4[%dma_start3A_533, %multiple_of3A_510] : memref<16x1000000xf32, #tpu.memory_space<hbm>> -> memref<16x128xf32, #tpu.memory_space<hbm>>
      tpu.enqueue_dma source(%dma_start3A_534 : memref<16x128xf32, #tpu.memory_space<hbm>>) target(%dma_start3A_532 : memref<16x128xf32, #tpu.memory_space<vmem>>) target_semaphore(%arg12 : memref<!tpu.dma_semaphore, #tpu.memory_space<semaphore_mem>>)
      %dma_start3A_535 = arith.constant 10 : i32
      %dma_start3A_536 = arith.constant 0 : i32
      %dma_start3A_537 = arith.constant 0 : i32
      %dma_start3A_538 = tpu.memref_slice %arg10[%dma_start3A_535, %dma_start3A_536, %dma_start3A_537] : memref<16x16x128xf32, #tpu.memory_space<vmem>> -> memref<1x16x128xf32, #tpu.memory_space<vmem>>
      %dma_start3A_539 = tpu.memref_squeeze %dma_start3A_538 : memref<1x16x128xf32, #tpu.memory_space<vmem>> -> memref<16x128xf32, #tpu.memory_space<vmem>>
      %dma_start3A_540 = arith.constant 0 : i32
      %dma_start3A_541 = tpu.memref_slice %arg5[%dma_start3A_540, %multiple_of3A_521] : memref<16x1000000xf32, #tpu.memory_space<hbm>> -> memref<16x128xf32, #tpu.memory_space<hbm>>
      %dma_start3A_542 = arith.constant 0 : i32
      %dma_start3A_543 = arith.constant 0 : i32
      %dma_start3A_544 = tpu.memref_slice %arg10[%dma_start3A_535, %dma_start3A_542, %dma_start3A_543] : memref<16x16x128xf32, #tpu.memory_space<vmem>> -> memref<1x16x128xf32, #tpu.memory_space<vmem>>
      %dma_start3A_545 = tpu.memref_squeeze %dma_start3A_544 : memref<1x16x128xf32, #tpu.memory_space<vmem>> -> memref<16x128xf32, #tpu.memory_space<vmem>>
      %dma_start3A_546 = arith.constant 0 : i32
      %dma_start3A_547 = tpu.memref_slice %arg5[%dma_start3A_546, %multiple_of3A_521] : memref<16x1000000xf32, #tpu.memory_space<hbm>> -> memref<16x128xf32, #tpu.memory_space<hbm>>
      tpu.enqueue_dma source(%dma_start3A_547 : memref<16x128xf32, #tpu.memory_space<hbm>>) target(%dma_start3A_545 : memref<16x128xf32, #tpu.memory_space<vmem>>) target_semaphore(%arg13 : memref<!tpu.dma_semaphore, #tpu.memory_space<semaphore_mem>>)
      %eq3A_548 = arith.constant 11 : i32
      %eq3A_549 = vector.broadcast %eq3A_548 : i32 to vector<16xi32>
      %eq3A_550 = arith.cmpi eq, %iota3A, %eq3A_549 : vector<16xi32>
      %jit3A_551 = arith.constant 0 : i32
      %broadcast_in_dim3A_552 = vector.broadcast %jit3A_551 : i32 to vector<16xi32>
      %select_n3A_553 = arith.select %eq3A_550, %mul3A_20, %broadcast_in_dim3A_552 : vector<16xi1>, vector<16xi32>
      %reduce_sum3A_554 = arith.constant true
      %reduce_sum3A_555 = vector.broadcast %reduce_sum3A_554 : i1 to vector<16xi1>
      %reduce_sum3A_556 = tpu.scan <sum>, %select_n3A_553 masked %reduce_sum3A_555 : vector<16xi32>, vector<16xi1> -> vector<16xi32>
      %reduce_sum3A_557 = vector.extract %reduce_sum3A_556[15] : i32 from vector<16xi32>
      %multiple_of3A_558 = tpu.assume_multiple %reduce_sum3A_557, 128 : i32
      %eq3A_559 = arith.constant 11 : i32
      %eq3A_560 = vector.broadcast %eq3A_559 : i32 to vector<16xi32>
      %eq3A_561 = arith.cmpi eq, %iota3A, %eq3A_560 : vector<16xi32>
      %jit3A_562 = arith.constant 0 : i32
      %broadcast_in_dim3A_563 = vector.broadcast %jit3A_562 : i32 to vector<16xi32>
      %select_n3A_564 = arith.select %eq3A_561, %mul3A_26, %broadcast_in_dim3A_563 : vector<16xi1>, vector<16xi32>
      %reduce_sum3A_565 = arith.constant true
      %reduce_sum3A_566 = vector.broadcast %reduce_sum3A_565 : i1 to vector<16xi1>
      %reduce_sum3A_567 = tpu.scan <sum>, %select_n3A_564 masked %reduce_sum3A_566 : vector<16xi32>, vector<16xi1> -> vector<16xi32>
      %reduce_sum3A_568 = vector.extract %reduce_sum3A_567[15] : i32 from vector<16xi32>
      %multiple_of3A_569 = tpu.assume_multiple %reduce_sum3A_568, 128 : i32
      %dma_start3A_570 = arith.constant 11 : i32
      %dma_start3A_571 = arith.constant 0 : i32
      %dma_start3A_572 = arith.constant 0 : i32
      %dma_start3A_573 = tpu.memref_slice %arg9[%dma_start3A_570, %dma_start3A_571, %dma_start3A_572] : memref<16x16x128xf32, #tpu.memory_space<vmem>> -> memref<1x16x128xf32, #tpu.memory_space<vmem>>
      %dma_start3A_574 = tpu.memref_squeeze %dma_start3A_573 : memref<1x16x128xf32, #tpu.memory_space<vmem>> -> memref<16x128xf32, #tpu.memory_space<vmem>>
      %dma_start3A_575 = arith.constant 0 : i32
      %dma_start3A_576 = tpu.memref_slice %arg4[%dma_start3A_575, %multiple_of3A_558] : memref<16x1000000xf32, #tpu.memory_space<hbm>> -> memref<16x128xf32, #tpu.memory_space<hbm>>
      %dma_start3A_577 = arith.constant 0 : i32
      %dma_start3A_578 = arith.constant 0 : i32
      %dma_start3A_579 = tpu.memref_slice %arg9[%dma_start3A_570, %dma_start3A_577, %dma_start3A_578] : memref<16x16x128xf32, #tpu.memory_space<vmem>> -> memref<1x16x128xf32, #tpu.memory_space<vmem>>
      %dma_start3A_580 = tpu.memref_squeeze %dma_start3A_579 : memref<1x16x128xf32, #tpu.memory_space<vmem>> -> memref<16x128xf32, #tpu.memory_space<vmem>>
      %dma_start3A_581 = arith.constant 0 : i32
      %dma_start3A_582 = tpu.memref_slice %arg4[%dma_start3A_581, %multiple_of3A_558] : memref<16x1000000xf32, #tpu.memory_space<hbm>> -> memref<16x128xf32, #tpu.memory_space<hbm>>
      tpu.enqueue_dma source(%dma_start3A_582 : memref<16x128xf32, #tpu.memory_space<hbm>>) target(%dma_start3A_580 : memref<16x128xf32, #tpu.memory_space<vmem>>) target_semaphore(%arg12 : memref<!tpu.dma_semaphore, #tpu.memory_space<semaphore_mem>>)
      %dma_start3A_583 = arith.constant 11 : i32
      %dma_start3A_584 = arith.constant 0 : i32
      %dma_start3A_585 = arith.constant 0 : i32
      %dma_start3A_586 = tpu.memref_slice %arg10[%dma_start3A_583, %dma_start3A_584, %dma_start3A_585] : memref<16x16x128xf32, #tpu.memory_space<vmem>> -> memref<1x16x128xf32, #tpu.memory_space<vmem>>
      %dma_start3A_587 = tpu.memref_squeeze %dma_start3A_586 : memref<1x16x128xf32, #tpu.memory_space<vmem>> -> memref<16x128xf32, #tpu.memory_space<vmem>>
      %dma_start3A_588 = arith.constant 0 : i32
      %dma_start3A_589 = tpu.memref_slice %arg5[%dma_start3A_588, %multiple_of3A_569] : memref<16x1000000xf32, #tpu.memory_space<hbm>> -> memref<16x128xf32, #tpu.memory_space<hbm>>
      %dma_start3A_590 = arith.constant 0 : i32
      %dma_start3A_591 = arith.constant 0 : i32
      %dma_start3A_592 = tpu.memref_slice %arg10[%dma_start3A_583, %dma_start3A_590, %dma_start3A_591] : memref<16x16x128xf32, #tpu.memory_space<vmem>> -> memref<1x16x128xf32, #tpu.memory_space<vmem>>
      %dma_start3A_593 = tpu.memref_squeeze %dma_start3A_592 : memref<1x16x128xf32, #tpu.memory_space<vmem>> -> memref<16x128xf32, #tpu.memory_space<vmem>>
      %dma_start3A_594 = arith.constant 0 : i32
      %dma_start3A_595 = tpu.memref_slice %arg5[%dma_start3A_594, %multiple_of3A_569] : memref<16x1000000xf32, #tpu.memory_space<hbm>> -> memref<16x128xf32, #tpu.memory_space<hbm>>
      tpu.enqueue_dma source(%dma_start3A_595 : memref<16x128xf32, #tpu.memory_space<hbm>>) target(%dma_start3A_593 : memref<16x128xf32, #tpu.memory_space<vmem>>) target_semaphore(%arg13 : memref<!tpu.dma_semaphore, #tpu.memory_space<semaphore_mem>>)
      %eq3A_596 = arith.constant 12 : i32
      %eq3A_597 = vector.broadcast %eq3A_596 : i32 to vector<16xi32>
      %eq3A_598 = arith.cmpi eq, %iota3A, %eq3A_597 : vector<16xi32>
      %jit3A_599 = arith.constant 0 : i32
      %broadcast_in_dim3A_600 = vector.broadcast %jit3A_599 : i32 to vector<16xi32>
      %select_n3A_601 = arith.select %eq3A_598, %mul3A_20, %broadcast_in_dim3A_600 : vector<16xi1>, vector<16xi32>
      %reduce_sum3A_602 = arith.constant true
      %reduce_sum3A_603 = vector.broadcast %reduce_sum3A_602 : i1 to vector<16xi1>
      %reduce_sum3A_604 = tpu.scan <sum>, %select_n3A_601 masked %reduce_sum3A_603 : vector<16xi32>, vector<16xi1> -> vector<16xi32>
      %reduce_sum3A_605 = vector.extract %reduce_sum3A_604[15] : i32 from vector<16xi32>
      %multiple_of3A_606 = tpu.assume_multiple %reduce_sum3A_605, 128 : i32
      %eq3A_607 = arith.constant 12 : i32
      %eq3A_608 = vector.broadcast %eq3A_607 : i32 to vector<16xi32>
      %eq3A_609 = arith.cmpi eq, %iota3A, %eq3A_608 : vector<16xi32>
      %jit3A_610 = arith.constant 0 : i32
      %broadcast_in_dim3A_611 = vector.broadcast %jit3A_610 : i32 to vector<16xi32>
      %select_n3A_612 = arith.select %eq3A_609, %mul3A_26, %broadcast_in_dim3A_611 : vector<16xi1>, vector<16xi32>
      %reduce_sum3A_613 = arith.constant true
      %reduce_sum3A_614 = vector.broadcast %reduce_sum3A_613 : i1 to vector<16xi1>
      %reduce_sum3A_615 = tpu.scan <sum>, %select_n3A_612 masked %reduce_sum3A_614 : vector<16xi32>, vector<16xi1> -> vector<16xi32>
      %reduce_sum3A_616 = vector.extract %reduce_sum3A_615[15] : i32 from vector<16xi32>
      %multiple_of3A_617 = tpu.assume_multiple %reduce_sum3A_616, 128 : i32
      %dma_start3A_618 = arith.constant 12 : i32
      %dma_start3A_619 = arith.constant 0 : i32
      %dma_start3A_620 = arith.constant 0 : i32
      %dma_start3A_621 = tpu.memref_slice %arg9[%dma_start3A_618, %dma_start3A_619, %dma_start3A_620] : memref<16x16x128xf32, #tpu.memory_space<vmem>> -> memref<1x16x128xf32, #tpu.memory_space<vmem>>
      %dma_start3A_622 = tpu.memref_squeeze %dma_start3A_621 : memref<1x16x128xf32, #tpu.memory_space<vmem>> -> memref<16x128xf32, #tpu.memory_space<vmem>>
      %dma_start3A_623 = arith.constant 0 : i32
      %dma_start3A_624 = tpu.memref_slice %arg4[%dma_start3A_623, %multiple_of3A_606] : memref<16x1000000xf32, #tpu.memory_space<hbm>> -> memref<16x128xf32, #tpu.memory_space<hbm>>
      %dma_start3A_625 = arith.constant 0 : i32
      %dma_start3A_626 = arith.constant 0 : i32
      %dma_start3A_627 = tpu.memref_slice %arg9[%dma_start3A_618, %dma_start3A_625, %dma_start3A_626] : memref<16x16x128xf32, #tpu.memory_space<vmem>> -> memref<1x16x128xf32, #tpu.memory_space<vmem>>
      %dma_start3A_628 = tpu.memref_squeeze %dma_start3A_627 : memref<1x16x128xf32, #tpu.memory_space<vmem>> -> memref<16x128xf32, #tpu.memory_space<vmem>>
      %dma_start3A_629 = arith.constant 0 : i32
      %dma_start3A_630 = tpu.memref_slice %arg4[%dma_start3A_629, %multiple_of3A_606] : memref<16x1000000xf32, #tpu.memory_space<hbm>> -> memref<16x128xf32, #tpu.memory_space<hbm>>
      tpu.enqueue_dma source(%dma_start3A_630 : memref<16x128xf32, #tpu.memory_space<hbm>>) target(%dma_start3A_628 : memref<16x128xf32, #tpu.memory_space<vmem>>) target_semaphore(%arg12 : memref<!tpu.dma_semaphore, #tpu.memory_space<semaphore_mem>>)
      %dma_start3A_631 = arith.constant 12 : i32
      %dma_start3A_632 = arith.constant 0 : i32
      %dma_start3A_633 = arith.constant 0 : i32
      %dma_start3A_634 = tpu.memref_slice %arg10[%dma_start3A_631, %dma_start3A_632, %dma_start3A_633] : memref<16x16x128xf32, #tpu.memory_space<vmem>> -> memref<1x16x128xf32, #tpu.memory_space<vmem>>
      %dma_start3A_635 = tpu.memref_squeeze %dma_start3A_634 : memref<1x16x128xf32, #tpu.memory_space<vmem>> -> memref<16x128xf32, #tpu.memory_space<vmem>>
      %dma_start3A_636 = arith.constant 0 : i32
      %dma_start3A_637 = tpu.memref_slice %arg5[%dma_start3A_636, %multiple_of3A_617] : memref<16x1000000xf32, #tpu.memory_space<hbm>> -> memref<16x128xf32, #tpu.memory_space<hbm>>
      %dma_start3A_638 = arith.constant 0 : i32
      %dma_start3A_639 = arith.constant 0 : i32
      %dma_start3A_640 = tpu.memref_slice %arg10[%dma_start3A_631, %dma_start3A_638, %dma_start3A_639] : memref<16x16x128xf32, #tpu.memory_space<vmem>> -> memref<1x16x128xf32, #tpu.memory_space<vmem>>
      %dma_start3A_641 = tpu.memref_squeeze %dma_start3A_640 : memref<1x16x128xf32, #tpu.memory_space<vmem>> -> memref<16x128xf32, #tpu.memory_space<vmem>>
      %dma_start3A_642 = arith.constant 0 : i32
      %dma_start3A_643 = tpu.memref_slice %arg5[%dma_start3A_642, %multiple_of3A_617] : memref<16x1000000xf32, #tpu.memory_space<hbm>> -> memref<16x128xf32, #tpu.memory_space<hbm>>
      tpu.enqueue_dma source(%dma_start3A_643 : memref<16x128xf32, #tpu.memory_space<hbm>>) target(%dma_start3A_641 : memref<16x128xf32, #tpu.memory_space<vmem>>) target_semaphore(%arg13 : memref<!tpu.dma_semaphore, #tpu.memory_space<semaphore_mem>>)
      %eq3A_644 = arith.constant 13 : i32
      %eq3A_645 = vector.broadcast %eq3A_644 : i32 to vector<16xi32>
      %eq3A_646 = arith.cmpi eq, %iota3A, %eq3A_645 : vector<16xi32>
      %jit3A_647 = arith.constant 0 : i32
      %broadcast_in_dim3A_648 = vector.broadcast %jit3A_647 : i32 to vector<16xi32>
      %select_n3A_649 = arith.select %eq3A_646, %mul3A_20, %broadcast_in_dim3A_648 : vector<16xi1>, vector<16xi32>
      %reduce_sum3A_650 = arith.constant true
      %reduce_sum3A_651 = vector.broadcast %reduce_sum3A_650 : i1 to vector<16xi1>
      %reduce_sum3A_652 = tpu.scan <sum>, %select_n3A_649 masked %reduce_sum3A_651 : vector<16xi32>, vector<16xi1> -> vector<16xi32>
      %reduce_sum3A_653 = vector.extract %reduce_sum3A_652[15] : i32 from vector<16xi32>
      %multiple_of3A_654 = tpu.assume_multiple %reduce_sum3A_653, 128 : i32
      %eq3A_655 = arith.constant 13 : i32
      %eq3A_656 = vector.broadcast %eq3A_655 : i32 to vector<16xi32>
      %eq3A_657 = arith.cmpi eq, %iota3A, %eq3A_656 : vector<16xi32>
      %jit3A_658 = arith.constant 0 : i32
      %broadcast_in_dim3A_659 = vector.broadcast %jit3A_658 : i32 to vector<16xi32>
      %select_n3A_660 = arith.select %eq3A_657, %mul3A_26, %broadcast_in_dim3A_659 : vector<16xi1>, vector<16xi32>
      %reduce_sum3A_661 = arith.constant true
      %reduce_sum3A_662 = vector.broadcast %reduce_sum3A_661 : i1 to vector<16xi1>
      %reduce_sum3A_663 = tpu.scan <sum>, %select_n3A_660 masked %reduce_sum3A_662 : vector<16xi32>, vector<16xi1> -> vector<16xi32>
      %reduce_sum3A_664 = vector.extract %reduce_sum3A_663[15] : i32 from vector<16xi32>
      %multiple_of3A_665 = tpu.assume_multiple %reduce_sum3A_664, 128 : i32
      %dma_start3A_666 = arith.constant 13 : i32
      %dma_start3A_667 = arith.constant 0 : i32
      %dma_start3A_668 = arith.constant 0 : i32
      %dma_start3A_669 = tpu.memref_slice %arg9[%dma_start3A_666, %dma_start3A_667, %dma_start3A_668] : memref<16x16x128xf32, #tpu.memory_space<vmem>> -> memref<1x16x128xf32, #tpu.memory_space<vmem>>
      %dma_start3A_670 = tpu.memref_squeeze %dma_start3A_669 : memref<1x16x128xf32, #tpu.memory_space<vmem>> -> memref<16x128xf32, #tpu.memory_space<vmem>>
      %dma_start3A_671 = arith.constant 0 : i32
      %dma_start3A_672 = tpu.memref_slice %arg4[%dma_start3A_671, %multiple_of3A_654] : memref<16x1000000xf32, #tpu.memory_space<hbm>> -> memref<16x128xf32, #tpu.memory_space<hbm>>
      %dma_start3A_673 = arith.constant 0 : i32
      %dma_start3A_674 = arith.constant 0 : i32
      %dma_start3A_675 = tpu.memref_slice %arg9[%dma_start3A_666, %dma_start3A_673, %dma_start3A_674] : memref<16x16x128xf32, #tpu.memory_space<vmem>> -> memref<1x16x128xf32, #tpu.memory_space<vmem>>
      %dma_start3A_676 = tpu.memref_squeeze %dma_start3A_675 : memref<1x16x128xf32, #tpu.memory_space<vmem>> -> memref<16x128xf32, #tpu.memory_space<vmem>>
      %dma_start3A_677 = arith.constant 0 : i32
      %dma_start3A_678 = tpu.memref_slice %arg4[%dma_start3A_677, %multiple_of3A_654] : memref<16x1000000xf32, #tpu.memory_space<hbm>> -> memref<16x128xf32, #tpu.memory_space<hbm>>
      tpu.enqueue_dma source(%dma_start3A_678 : memref<16x128xf32, #tpu.memory_space<hbm>>) target(%dma_start3A_676 : memref<16x128xf32, #tpu.memory_space<vmem>>) target_semaphore(%arg12 : memref<!tpu.dma_semaphore, #tpu.memory_space<semaphore_mem>>)
      %dma_start3A_679 = arith.constant 13 : i32
      %dma_start3A_680 = arith.constant 0 : i32
      %dma_start3A_681 = arith.constant 0 : i32
      %dma_start3A_682 = tpu.memref_slice %arg10[%dma_start3A_679, %dma_start3A_680, %dma_start3A_681] : memref<16x16x128xf32, #tpu.memory_space<vmem>> -> memref<1x16x128xf32, #tpu.memory_space<vmem>>
      %dma_start3A_683 = tpu.memref_squeeze %dma_start3A_682 : memref<1x16x128xf32, #tpu.memory_space<vmem>> -> memref<16x128xf32, #tpu.memory_space<vmem>>
      %dma_start3A_684 = arith.constant 0 : i32
      %dma_start3A_685 = tpu.memref_slice %arg5[%dma_start3A_684, %multiple_of3A_665] : memref<16x1000000xf32, #tpu.memory_space<hbm>> -> memref<16x128xf32, #tpu.memory_space<hbm>>
      %dma_start3A_686 = arith.constant 0 : i32
      %dma_start3A_687 = arith.constant 0 : i32
      %dma_start3A_688 = tpu.memref_slice %arg10[%dma_start3A_679, %dma_start3A_686, %dma_start3A_687] : memref<16x16x128xf32, #tpu.memory_space<vmem>> -> memref<1x16x128xf32, #tpu.memory_space<vmem>>
      %dma_start3A_689 = tpu.memref_squeeze %dma_start3A_688 : memref<1x16x128xf32, #tpu.memory_space<vmem>> -> memref<16x128xf32, #tpu.memory_space<vmem>>
      %dma_start3A_690 = arith.constant 0 : i32
      %dma_start3A_691 = tpu.memref_slice %arg5[%dma_start3A_690, %multiple_of3A_665] : memref<16x1000000xf32, #tpu.memory_space<hbm>> -> memref<16x128xf32, #tpu.memory_space<hbm>>
      tpu.enqueue_dma source(%dma_start3A_691 : memref<16x128xf32, #tpu.memory_space<hbm>>) target(%dma_start3A_689 : memref<16x128xf32, #tpu.memory_space<vmem>>) target_semaphore(%arg13 : memref<!tpu.dma_semaphore, #tpu.memory_space<semaphore_mem>>)
      %eq3A_692 = arith.constant 14 : i32
      %eq3A_693 = vector.broadcast %eq3A_692 : i32 to vector<16xi32>
      %eq3A_694 = arith.cmpi eq, %iota3A, %eq3A_693 : vector<16xi32>
      %jit3A_695 = arith.constant 0 : i32
      %broadcast_in_dim3A_696 = vector.broadcast %jit3A_695 : i32 to vector<16xi32>
      %select_n3A_697 = arith.select %eq3A_694, %mul3A_20, %broadcast_in_dim3A_696 : vector<16xi1>, vector<16xi32>
      %reduce_sum3A_698 = arith.constant true
      %reduce_sum3A_699 = vector.broadcast %reduce_sum3A_698 : i1 to vector<16xi1>
      %reduce_sum3A_700 = tpu.scan <sum>, %select_n3A_697 masked %reduce_sum3A_699 : vector<16xi32>, vector<16xi1> -> vector<16xi32>
      %reduce_sum3A_701 = vector.extract %reduce_sum3A_700[15] : i32 from vector<16xi32>
      %multiple_of3A_702 = tpu.assume_multiple %reduce_sum3A_701, 128 : i32
      %eq3A_703 = arith.constant 14 : i32
      %eq3A_704 = vector.broadcast %eq3A_703 : i32 to vector<16xi32>
      %eq3A_705 = arith.cmpi eq, %iota3A, %eq3A_704 : vector<16xi32>
      %jit3A_706 = arith.constant 0 : i32
      %broadcast_in_dim3A_707 = vector.broadcast %jit3A_706 : i32 to vector<16xi32>
      %select_n3A_708 = arith.select %eq3A_705, %mul3A_26, %broadcast_in_dim3A_707 : vector<16xi1>, vector<16xi32>
      %reduce_sum3A_709 = arith.constant true
      %reduce_sum3A_710 = vector.broadcast %reduce_sum3A_709 : i1 to vector<16xi1>
      %reduce_sum3A_711 = tpu.scan <sum>, %select_n3A_708 masked %reduce_sum3A_710 : vector<16xi32>, vector<16xi1> -> vector<16xi32>
      %reduce_sum3A_712 = vector.extract %reduce_sum3A_711[15] : i32 from vector<16xi32>
      %multiple_of3A_713 = tpu.assume_multiple %reduce_sum3A_712, 128 : i32
      %dma_start3A_714 = arith.constant 14 : i32
      %dma_start3A_715 = arith.constant 0 : i32
      %dma_start3A_716 = arith.constant 0 : i32
      %dma_start3A_717 = tpu.memref_slice %arg9[%dma_start3A_714, %dma_start3A_715, %dma_start3A_716] : memref<16x16x128xf32, #tpu.memory_space<vmem>> -> memref<1x16x128xf32, #tpu.memory_space<vmem>>
      %dma_start3A_718 = tpu.memref_squeeze %dma_start3A_717 : memref<1x16x128xf32, #tpu.memory_space<vmem>> -> memref<16x128xf32, #tpu.memory_space<vmem>>
      %dma_start3A_719 = arith.constant 0 : i32
      %dma_start3A_720 = tpu.memref_slice %arg4[%dma_start3A_719, %multiple_of3A_702] : memref<16x1000000xf32, #tpu.memory_space<hbm>> -> memref<16x128xf32, #tpu.memory_space<hbm>>
      %dma_start3A_721 = arith.constant 0 : i32
      %dma_start3A_722 = arith.constant 0 : i32
      %dma_start3A_723 = tpu.memref_slice %arg9[%dma_start3A_714, %dma_start3A_721, %dma_start3A_722] : memref<16x16x128xf32, #tpu.memory_space<vmem>> -> memref<1x16x128xf32, #tpu.memory_space<vmem>>
      %dma_start3A_724 = tpu.memref_squeeze %dma_start3A_723 : memref<1x16x128xf32, #tpu.memory_space<vmem>> -> memref<16x128xf32, #tpu.memory_space<vmem>>
      %dma_start3A_725 = arith.constant 0 : i32
      %dma_start3A_726 = tpu.memref_slice %arg4[%dma_start3A_725, %multiple_of3A_702] : memref<16x1000000xf32, #tpu.memory_space<hbm>> -> memref<16x128xf32, #tpu.memory_space<hbm>>
      tpu.enqueue_dma source(%dma_start3A_726 : memref<16x128xf32, #tpu.memory_space<hbm>>) target(%dma_start3A_724 : memref<16x128xf32, #tpu.memory_space<vmem>>) target_semaphore(%arg12 : memref<!tpu.dma_semaphore, #tpu.memory_space<semaphore_mem>>)
      %dma_start3A_727 = arith.constant 14 : i32
      %dma_start3A_728 = arith.constant 0 : i32
      %dma_start3A_729 = arith.constant 0 : i32
      %dma_start3A_730 = tpu.memref_slice %arg10[%dma_start3A_727, %dma_start3A_728, %dma_start3A_729] : memref<16x16x128xf32, #tpu.memory_space<vmem>> -> memref<1x16x128xf32, #tpu.memory_space<vmem>>
      %dma_start3A_731 = tpu.memref_squeeze %dma_start3A_730 : memref<1x16x128xf32, #tpu.memory_space<vmem>> -> memref<16x128xf32, #tpu.memory_space<vmem>>
      %dma_start3A_732 = arith.constant 0 : i32
      %dma_start3A_733 = tpu.memref_slice %arg5[%dma_start3A_732, %multiple_of3A_713] : memref<16x1000000xf32, #tpu.memory_space<hbm>> -> memref<16x128xf32, #tpu.memory_space<hbm>>
      %dma_start3A_734 = arith.constant 0 : i32
      %dma_start3A_735 = arith.constant 0 : i32
      %dma_start3A_736 = tpu.memref_slice %arg10[%dma_start3A_727, %dma_start3A_734, %dma_start3A_735] : memref<16x16x128xf32, #tpu.memory_space<vmem>> -> memref<1x16x128xf32, #tpu.memory_space<vmem>>
      %dma_start3A_737 = tpu.memref_squeeze %dma_start3A_736 : memref<1x16x128xf32, #tpu.memory_space<vmem>> -> memref<16x128xf32, #tpu.memory_space<vmem>>
      %dma_start3A_738 = arith.constant 0 : i32
      %dma_start3A_739 = tpu.memref_slice %arg5[%dma_start3A_738, %multiple_of3A_713] : memref<16x1000000xf32, #tpu.memory_space<hbm>> -> memref<16x128xf32, #tpu.memory_space<hbm>>
      tpu.enqueue_dma source(%dma_start3A_739 : memref<16x128xf32, #tpu.memory_space<hbm>>) target(%dma_start3A_737 : memref<16x128xf32, #tpu.memory_space<vmem>>) target_semaphore(%arg13 : memref<!tpu.dma_semaphore, #tpu.memory_space<semaphore_mem>>)
      %eq3A_740 = arith.constant 15 : i32
      %eq3A_741 = vector.broadcast %eq3A_740 : i32 to vector<16xi32>
      %eq3A_742 = arith.cmpi eq, %iota3A, %eq3A_741 : vector<16xi32>
      %jit3A_743 = arith.constant 0 : i32
      %broadcast_in_dim3A_744 = vector.broadcast %jit3A_743 : i32 to vector<16xi32>
      %select_n3A_745 = arith.select %eq3A_742, %mul3A_20, %broadcast_in_dim3A_744 : vector<16xi1>, vector<16xi32>
      %reduce_sum3A_746 = arith.constant true
      %reduce_sum3A_747 = vector.broadcast %reduce_sum3A_746 : i1 to vector<16xi1>
      %reduce_sum3A_748 = tpu.scan <sum>, %select_n3A_745 masked %reduce_sum3A_747 : vector<16xi32>, vector<16xi1> -> vector<16xi32>
      %reduce_sum3A_749 = vector.extract %reduce_sum3A_748[15] : i32 from vector<16xi32>
      %multiple_of3A_750 = tpu.assume_multiple %reduce_sum3A_749, 128 : i32
      %eq3A_751 = arith.constant 15 : i32
      %eq3A_752 = vector.broadcast %eq3A_751 : i32 to vector<16xi32>
      %eq3A_753 = arith.cmpi eq, %iota3A, %eq3A_752 : vector<16xi32>
      %jit3A_754 = arith.constant 0 : i32
      %broadcast_in_dim3A_755 = vector.broadcast %jit3A_754 : i32 to vector<16xi32>
      %select_n3A_756 = arith.select %eq3A_753, %mul3A_26, %broadcast_in_dim3A_755 : vector<16xi1>, vector<16xi32>
      %reduce_sum3A_757 = arith.constant true
      %reduce_sum3A_758 = vector.broadcast %reduce_sum3A_757 : i1 to vector<16xi1>
      %reduce_sum3A_759 = tpu.scan <sum>, %select_n3A_756 masked %reduce_sum3A_758 : vector<16xi32>, vector<16xi1> -> vector<16xi32>
      %reduce_sum3A_760 = vector.extract %reduce_sum3A_759[15] : i32 from vector<16xi32>
      %multiple_of3A_761 = tpu.assume_multiple %reduce_sum3A_760, 128 : i32
      %dma_start3A_762 = arith.constant 15 : i32
      %dma_start3A_763 = arith.constant 0 : i32
      %dma_start3A_764 = arith.constant 0 : i32
      %dma_start3A_765 = tpu.memref_slice %arg9[%dma_start3A_762, %dma_start3A_763, %dma_start3A_764] : memref<16x16x128xf32, #tpu.memory_space<vmem>> -> memref<1x16x128xf32, #tpu.memory_space<vmem>>
      %dma_start3A_766 = tpu.memref_squeeze %dma_start3A_765 : memref<1x16x128xf32, #tpu.memory_space<vmem>> -> memref<16x128xf32, #tpu.memory_space<vmem>>
      %dma_start3A_767 = arith.constant 0 : i32
      %dma_start3A_768 = tpu.memref_slice %arg4[%dma_start3A_767, %multiple_of3A_750] : memref<16x1000000xf32, #tpu.memory_space<hbm>> -> memref<16x128xf32, #tpu.memory_space<hbm>>
      %dma_start3A_769 = arith.constant 0 : i32
      %dma_start3A_770 = arith.constant 0 : i32
      %dma_start3A_771 = tpu.memref_slice %arg9[%dma_start3A_762, %dma_start3A_769, %dma_start3A_770] : memref<16x16x128xf32, #tpu.memory_space<vmem>> -> memref<1x16x128xf32, #tpu.memory_space<vmem>>
      %dma_start3A_772 = tpu.memref_squeeze %dma_start3A_771 : memref<1x16x128xf32, #tpu.memory_space<vmem>> -> memref<16x128xf32, #tpu.memory_space<vmem>>
      %dma_start3A_773 = arith.constant 0 : i32
      %dma_start3A_774 = tpu.memref_slice %arg4[%dma_start3A_773, %multiple_of3A_750] : memref<16x1000000xf32, #tpu.memory_space<hbm>> -> memref<16x128xf32, #tpu.memory_space<hbm>>
      tpu.enqueue_dma source(%dma_start3A_774 : memref<16x128xf32, #tpu.memory_space<hbm>>) target(%dma_start3A_772 : memref<16x128xf32, #tpu.memory_space<vmem>>) target_semaphore(%arg12 : memref<!tpu.dma_semaphore, #tpu.memory_space<semaphore_mem>>)
      %dma_start3A_775 = arith.constant 15 : i32
      %dma_start3A_776 = arith.constant 0 : i32
      %dma_start3A_777 = arith.constant 0 : i32
      %dma_start3A_778 = tpu.memref_slice %arg10[%dma_start3A_775, %dma_start3A_776, %dma_start3A_777] : memref<16x16x128xf32, #tpu.memory_space<vmem>> -> memref<1x16x128xf32, #tpu.memory_space<vmem>>
      %dma_start3A_779 = tpu.memref_squeeze %dma_start3A_778 : memref<1x16x128xf32, #tpu.memory_space<vmem>> -> memref<16x128xf32, #tpu.memory_space<vmem>>
      %dma_start3A_780 = arith.constant 0 : i32
      %dma_start3A_781 = tpu.memref_slice %arg5[%dma_start3A_780, %multiple_of3A_761] : memref<16x1000000xf32, #tpu.memory_space<hbm>> -> memref<16x128xf32, #tpu.memory_space<hbm>>
      %dma_start3A_782 = arith.constant 0 : i32
      %dma_start3A_783 = arith.constant 0 : i32
      %dma_start3A_784 = tpu.memref_slice %arg10[%dma_start3A_775, %dma_start3A_782, %dma_start3A_783] : memref<16x16x128xf32, #tpu.memory_space<vmem>> -> memref<1x16x128xf32, #tpu.memory_space<vmem>>
      %dma_start3A_785 = tpu.memref_squeeze %dma_start3A_784 : memref<1x16x128xf32, #tpu.memory_space<vmem>> -> memref<16x128xf32, #tpu.memory_space<vmem>>
      %dma_start3A_786 = arith.constant 0 : i32
      %dma_start3A_787 = tpu.memref_slice %arg5[%dma_start3A_786, %multiple_of3A_761] : memref<16x1000000xf32, #tpu.memory_space<hbm>> -> memref<16x128xf32, #tpu.memory_space<hbm>>
      tpu.enqueue_dma source(%dma_start3A_787 : memref<16x128xf32, #tpu.memory_space<hbm>>) target(%dma_start3A_785 : memref<16x128xf32, #tpu.memory_space<vmem>>) target_semaphore(%arg13 : memref<!tpu.dma_semaphore, #tpu.memory_space<semaphore_mem>>)
      %dma_wait3A = arith.constant 0 : i32
      %dma_wait3A_788 = arith.constant 0 : i32
      %dma_wait3A_789 = arith.constant 0 : i32
      %dma_wait3A_790 = tpu.memref_slice %arg9[%dma_wait3A, %dma_wait3A_788, %dma_wait3A_789] : memref<16x16x128xf32, #tpu.memory_space<vmem>> -> memref<1x16x128xf32, #tpu.memory_space<vmem>>
      %dma_wait3A_791 = tpu.memref_squeeze %dma_wait3A_790 : memref<1x16x128xf32, #tpu.memory_space<vmem>> -> memref<16x128xf32, #tpu.memory_space<vmem>>
      %dma_wait3A_792 = arith.constant 0 : i32
      %dma_wait3A_793 = tpu.memref_slice %arg4[%dma_wait3A_792, %multiple_of3A] : memref<16x1000000xf32, #tpu.memory_space<hbm>> -> memref<16x128xf32, #tpu.memory_space<hbm>>
      %dma_wait3A_794 = arith.constant 0 : i32
      %dma_wait3A_795 = arith.constant 0 : i32
      %dma_wait3A_796 = tpu.memref_slice %arg9[%dma_wait3A, %dma_wait3A_794, %dma_wait3A_795] : memref<16x16x128xf32, #tpu.memory_space<vmem>> -> memref<1x16x128xf32, #tpu.memory_space<vmem>>
      %dma_wait3A_797 = tpu.memref_squeeze %dma_wait3A_796 : memref<1x16x128xf32, #tpu.memory_space<vmem>> -> memref<16x128xf32, #tpu.memory_space<vmem>>
      %dma_wait3A_798 = arith.constant 0 : i32
      %dma_wait3A_799 = tpu.memref_slice %arg4[%dma_wait3A_798, %multiple_of3A] : memref<16x1000000xf32, #tpu.memory_space<hbm>> -> memref<16x128xf32, #tpu.memory_space<hbm>>
      tpu.wait_dma2 semaphore(%arg12 : memref<!tpu.dma_semaphore, #tpu.memory_space<semaphore_mem>>) src(%dma_wait3A_799 : memref<16x128xf32, #tpu.memory_space<hbm>>) dst(%dma_wait3A_797 : memref<16x128xf32, #tpu.memory_space<vmem>>)
      %dma_wait3A_800 = arith.constant 0 : i32
      %dma_wait3A_801 = arith.constant 0 : i32
      %dma_wait3A_802 = arith.constant 0 : i32
      %dma_wait3A_803 = tpu.memref_slice %arg10[%dma_wait3A_800, %dma_wait3A_801, %dma_wait3A_802] : memref<16x16x128xf32, #tpu.memory_space<vmem>> -> memref<1x16x128xf32, #tpu.memory_space<vmem>>
      %dma_wait3A_804 = tpu.memref_squeeze %dma_wait3A_803 : memref<1x16x128xf32, #tpu.memory_space<vmem>> -> memref<16x128xf32, #tpu.memory_space<vmem>>
      %dma_wait3A_805 = arith.constant 0 : i32
      %dma_wait3A_806 = tpu.memref_slice %arg5[%dma_wait3A_805, %multiple_of3A_42] : memref<16x1000000xf32, #tpu.memory_space<hbm>> -> memref<16x128xf32, #tpu.memory_space<hbm>>
      %dma_wait3A_807 = arith.constant 0 : i32
      %dma_wait3A_808 = arith.constant 0 : i32
      %dma_wait3A_809 = tpu.memref_slice %arg10[%dma_wait3A_800, %dma_wait3A_807, %dma_wait3A_808] : memref<16x16x128xf32, #tpu.memory_space<vmem>> -> memref<1x16x128xf32, #tpu.memory_space<vmem>>
      %dma_wait3A_810 = tpu.memref_squeeze %dma_wait3A_809 : memref<1x16x128xf32, #tpu.memory_space<vmem>> -> memref<16x128xf32, #tpu.memory_space<vmem>>
      %dma_wait3A_811 = arith.constant 0 : i32
      %dma_wait3A_812 = tpu.memref_slice %arg5[%dma_wait3A_811, %multiple_of3A_42] : memref<16x1000000xf32, #tpu.memory_space<hbm>> -> memref<16x128xf32, #tpu.memory_space<hbm>>
      tpu.wait_dma2 semaphore(%arg13 : memref<!tpu.dma_semaphore, #tpu.memory_space<semaphore_mem>>) src(%dma_wait3A_812 : memref<16x128xf32, #tpu.memory_space<hbm>>) dst(%dma_wait3A_810 : memref<16x128xf32, #tpu.memory_space<vmem>>)
      %dma_wait3A_813 = arith.constant 1 : i32
      %dma_wait3A_814 = arith.constant 0 : i32
      %dma_wait3A_815 = arith.constant 0 : i32
      %dma_wait3A_816 = tpu.memref_slice %arg9[%dma_wait3A_813, %dma_wait3A_814, %dma_wait3A_815] : memref<16x16x128xf32, #tpu.memory_space<vmem>> -> memref<1x16x128xf32, #tpu.memory_space<vmem>>
      %dma_wait3A_817 = tpu.memref_squeeze %dma_wait3A_816 : memref<1x16x128xf32, #tpu.memory_space<vmem>> -> memref<16x128xf32, #tpu.memory_space<vmem>>
      %dma_wait3A_818 = arith.constant 0 : i32
      %dma_wait3A_819 = tpu.memref_slice %arg4[%dma_wait3A_818, %multiple_of3A_78] : memref<16x1000000xf32, #tpu.memory_space<hbm>> -> memref<16x128xf32, #tpu.memory_space<hbm>>
      %dma_wait3A_820 = arith.constant 0 : i32
      %dma_wait3A_821 = arith.constant 0 : i32
      %dma_wait3A_822 = tpu.memref_slice %arg9[%dma_wait3A_813, %dma_wait3A_820, %dma_wait3A_821] : memref<16x16x128xf32, #tpu.memory_space<vmem>> -> memref<1x16x128xf32, #tpu.memory_space<vmem>>
      %dma_wait3A_823 = tpu.memref_squeeze %dma_wait3A_822 : memref<1x16x128xf32, #tpu.memory_space<vmem>> -> memref<16x128xf32, #tpu.memory_space<vmem>>
      %dma_wait3A_824 = arith.constant 0 : i32
      %dma_wait3A_825 = tpu.memref_slice %arg4[%dma_wait3A_824, %multiple_of3A_78] : memref<16x1000000xf32, #tpu.memory_space<hbm>> -> memref<16x128xf32, #tpu.memory_space<hbm>>
      tpu.wait_dma2 semaphore(%arg12 : memref<!tpu.dma_semaphore, #tpu.memory_space<semaphore_mem>>) src(%dma_wait3A_825 : memref<16x128xf32, #tpu.memory_space<hbm>>) dst(%dma_wait3A_823 : memref<16x128xf32, #tpu.memory_space<vmem>>)
      %dma_wait3A_826 = arith.constant 1 : i32
      %dma_wait3A_827 = arith.constant 0 : i32
      %dma_wait3A_828 = arith.constant 0 : i32
      %dma_wait3A_829 = tpu.memref_slice %arg10[%dma_wait3A_826, %dma_wait3A_827, %dma_wait3A_828] : memref<16x16x128xf32, #tpu.memory_space<vmem>> -> memref<1x16x128xf32, #tpu.memory_space<vmem>>
      %dma_wait3A_830 = tpu.memref_squeeze %dma_wait3A_829 : memref<1x16x128xf32, #tpu.memory_space<vmem>> -> memref<16x128xf32, #tpu.memory_space<vmem>>
      %dma_wait3A_831 = arith.constant 0 : i32
      %dma_wait3A_832 = tpu.memref_slice %arg5[%dma_wait3A_831, %multiple_of3A_89] : memref<16x1000000xf32, #tpu.memory_space<hbm>> -> memref<16x128xf32, #tpu.memory_space<hbm>>
      %dma_wait3A_833 = arith.constant 0 : i32
      %dma_wait3A_834 = arith.constant 0 : i32
      %dma_wait3A_835 = tpu.memref_slice %arg10[%dma_wait3A_826, %dma_wait3A_833, %dma_wait3A_834] : memref<16x16x128xf32, #tpu.memory_space<vmem>> -> memref<1x16x128xf32, #tpu.memory_space<vmem>>
      %dma_wait3A_836 = tpu.memref_squeeze %dma_wait3A_835 : memref<1x16x128xf32, #tpu.memory_space<vmem>> -> memref<16x128xf32, #tpu.memory_space<vmem>>
      %dma_wait3A_837 = arith.constant 0 : i32
      %dma_wait3A_838 = tpu.memref_slice %arg5[%dma_wait3A_837, %multiple_of3A_89] : memref<16x1000000xf32, #tpu.memory_space<hbm>> -> memref<16x128xf32, #tpu.memory_space<hbm>>
      tpu.wait_dma2 semaphore(%arg13 : memref<!tpu.dma_semaphore, #tpu.memory_space<semaphore_mem>>) src(%dma_wait3A_838 : memref<16x128xf32, #tpu.memory_space<hbm>>) dst(%dma_wait3A_836 : memref<16x128xf32, #tpu.memory_space<vmem>>)
      %dma_wait3A_839 = arith.constant 2 : i32
      %dma_wait3A_840 = arith.constant 0 : i32
      %dma_wait3A_841 = arith.constant 0 : i32
      %dma_wait3A_842 = tpu.memref_slice %arg9[%dma_wait3A_839, %dma_wait3A_840, %dma_wait3A_841] : memref<16x16x128xf32, #tpu.memory_space<vmem>> -> memref<1x16x128xf32, #tpu.memory_space<vmem>>
      %dma_wait3A_843 = tpu.memref_squeeze %dma_wait3A_842 : memref<1x16x128xf32, #tpu.memory_space<vmem>> -> memref<16x128xf32, #tpu.memory_space<vmem>>
      %dma_wait3A_844 = arith.constant 0 : i32
      %dma_wait3A_845 = tpu.memref_slice %arg4[%dma_wait3A_844, %multiple_of3A_126] : memref<16x1000000xf32, #tpu.memory_space<hbm>> -> memref<16x128xf32, #tpu.memory_space<hbm>>
      %dma_wait3A_846 = arith.constant 0 : i32
      %dma_wait3A_847 = arith.constant 0 : i32
      %dma_wait3A_848 = tpu.memref_slice %arg9[%dma_wait3A_839, %dma_wait3A_846, %dma_wait3A_847] : memref<16x16x128xf32, #tpu.memory_space<vmem>> -> memref<1x16x128xf32, #tpu.memory_space<vmem>>
      %dma_wait3A_849 = tpu.memref_squeeze %dma_wait3A_848 : memref<1x16x128xf32, #tpu.memory_space<vmem>> -> memref<16x128xf32, #tpu.memory_space<vmem>>
      %dma_wait3A_850 = arith.constant 0 : i32
      %dma_wait3A_851 = tpu.memref_slice %arg4[%dma_wait3A_850, %multiple_of3A_126] : memref<16x1000000xf32, #tpu.memory_space<hbm>> -> memref<16x128xf32, #tpu.memory_space<hbm>>
      tpu.wait_dma2 semaphore(%arg12 : memref<!tpu.dma_semaphore, #tpu.memory_space<semaphore_mem>>) src(%dma_wait3A_851 : memref<16x128xf32, #tpu.memory_space<hbm>>) dst(%dma_wait3A_849 : memref<16x128xf32, #tpu.memory_space<vmem>>)
      %dma_wait3A_852 = arith.constant 2 : i32
      %dma_wait3A_853 = arith.constant 0 : i32
      %dma_wait3A_854 = arith.constant 0 : i32
      %dma_wait3A_855 = tpu.memref_slice %arg10[%dma_wait3A_852, %dma_wait3A_853, %dma_wait3A_854] : memref<16x16x128xf32, #tpu.memory_space<vmem>> -> memref<1x16x128xf32, #tpu.memory_space<vmem>>
      %dma_wait3A_856 = tpu.memref_squeeze %dma_wait3A_855 : memref<1x16x128xf32, #tpu.memory_space<vmem>> -> memref<16x128xf32, #tpu.memory_space<vmem>>
      %dma_wait3A_857 = arith.constant 0 : i32
      %dma_wait3A_858 = tpu.memref_slice %arg5[%dma_wait3A_857, %multiple_of3A_137] : memref<16x1000000xf32, #tpu.memory_space<hbm>> -> memref<16x128xf32, #tpu.memory_space<hbm>>
      %dma_wait3A_859 = arith.constant 0 : i32
      %dma_wait3A_860 = arith.constant 0 : i32
      %dma_wait3A_861 = tpu.memref_slice %arg10[%dma_wait3A_852, %dma_wait3A_859, %dma_wait3A_860] : memref<16x16x128xf32, #tpu.memory_space<vmem>> -> memref<1x16x128xf32, #tpu.memory_space<vmem>>
      %dma_wait3A_862 = tpu.memref_squeeze %dma_wait3A_861 : memref<1x16x128xf32, #tpu.memory_space<vmem>> -> memref<16x128xf32, #tpu.memory_space<vmem>>
      %dma_wait3A_863 = arith.constant 0 : i32
      %dma_wait3A_864 = tpu.memref_slice %arg5[%dma_wait3A_863, %multiple_of3A_137] : memref<16x1000000xf32, #tpu.memory_space<hbm>> -> memref<16x128xf32, #tpu.memory_space<hbm>>
      tpu.wait_dma2 semaphore(%arg13 : memref<!tpu.dma_semaphore, #tpu.memory_space<semaphore_mem>>) src(%dma_wait3A_864 : memref<16x128xf32, #tpu.memory_space<hbm>>) dst(%dma_wait3A_862 : memref<16x128xf32, #tpu.memory_space<vmem>>)
      %dma_wait3A_865 = arith.constant 3 : i32
      %dma_wait3A_866 = arith.constant 0 : i32
      %dma_wait3A_867 = arith.constant 0 : i32
      %dma_wait3A_868 = tpu.memref_slice %arg9[%dma_wait3A_865, %dma_wait3A_866, %dma_wait3A_867] : memref<16x16x128xf32, #tpu.memory_space<vmem>> -> memref<1x16x128xf32, #tpu.memory_space<vmem>>
      %dma_wait3A_869 = tpu.memref_squeeze %dma_wait3A_868 : memref<1x16x128xf32, #tpu.memory_space<vmem>> -> memref<16x128xf32, #tpu.memory_space<vmem>>
      %dma_wait3A_870 = arith.constant 0 : i32
      %dma_wait3A_871 = tpu.memref_slice %arg4[%dma_wait3A_870, %multiple_of3A_174] : memref<16x1000000xf32, #tpu.memory_space<hbm>> -> memref<16x128xf32, #tpu.memory_space<hbm>>
      %dma_wait3A_872 = arith.constant 0 : i32
      %dma_wait3A_873 = arith.constant 0 : i32
      %dma_wait3A_874 = tpu.memref_slice %arg9[%dma_wait3A_865, %dma_wait3A_872, %dma_wait3A_873] : memref<16x16x128xf32, #tpu.memory_space<vmem>> -> memref<1x16x128xf32, #tpu.memory_space<vmem>>
      %dma_wait3A_875 = tpu.memref_squeeze %dma_wait3A_874 : memref<1x16x128xf32, #tpu.memory_space<vmem>> -> memref<16x128xf32, #tpu.memory_space<vmem>>
      %dma_wait3A_876 = arith.constant 0 : i32
      %dma_wait3A_877 = tpu.memref_slice %arg4[%dma_wait3A_876, %multiple_of3A_174] : memref<16x1000000xf32, #tpu.memory_space<hbm>> -> memref<16x128xf32, #tpu.memory_space<hbm>>
      tpu.wait_dma2 semaphore(%arg12 : memref<!tpu.dma_semaphore, #tpu.memory_space<semaphore_mem>>) src(%dma_wait3A_877 : memref<16x128xf32, #tpu.memory_space<hbm>>) dst(%dma_wait3A_875 : memref<16x128xf32, #tpu.memory_space<vmem>>)
      %dma_wait3A_878 = arith.constant 3 : i32
      %dma_wait3A_879 = arith.constant 0 : i32
      %dma_wait3A_880 = arith.constant 0 : i32
      %dma_wait3A_881 = tpu.memref_slice %arg10[%dma_wait3A_878, %dma_wait3A_879, %dma_wait3A_880] : memref<16x16x128xf32, #tpu.memory_space<vmem>> -> memref<1x16x128xf32, #tpu.memory_space<vmem>>
      %dma_wait3A_882 = tpu.memref_squeeze %dma_wait3A_881 : memref<1x16x128xf32, #tpu.memory_space<vmem>> -> memref<16x128xf32, #tpu.memory_space<vmem>>
      %dma_wait3A_883 = arith.constant 0 : i32
      %dma_wait3A_884 = tpu.memref_slice %arg5[%dma_wait3A_883, %multiple_of3A_185] : memref<16x1000000xf32, #tpu.memory_space<hbm>> -> memref<16x128xf32, #tpu.memory_space<hbm>>
      %dma_wait3A_885 = arith.constant 0 : i32
      %dma_wait3A_886 = arith.constant 0 : i32
      %dma_wait3A_887 = tpu.memref_slice %arg10[%dma_wait3A_878, %dma_wait3A_885, %dma_wait3A_886] : memref<16x16x128xf32, #tpu.memory_space<vmem>> -> memref<1x16x128xf32, #tpu.memory_space<vmem>>
      %dma_wait3A_888 = tpu.memref_squeeze %dma_wait3A_887 : memref<1x16x128xf32, #tpu.memory_space<vmem>> -> memref<16x128xf32, #tpu.memory_space<vmem>>
      %dma_wait3A_889 = arith.constant 0 : i32
      %dma_wait3A_890 = tpu.memref_slice %arg5[%dma_wait3A_889, %multiple_of3A_185] : memref<16x1000000xf32, #tpu.memory_space<hbm>> -> memref<16x128xf32, #tpu.memory_space<hbm>>
      tpu.wait_dma2 semaphore(%arg13 : memref<!tpu.dma_semaphore, #tpu.memory_space<semaphore_mem>>) src(%dma_wait3A_890 : memref<16x128xf32, #tpu.memory_space<hbm>>) dst(%dma_wait3A_888 : memref<16x128xf32, #tpu.memory_space<vmem>>)
      %dma_wait3A_891 = arith.constant 4 : i32
      %dma_wait3A_892 = arith.constant 0 : i32
      %dma_wait3A_893 = arith.constant 0 : i32
      %dma_wait3A_894 = tpu.memref_slice %arg9[%dma_wait3A_891, %dma_wait3A_892, %dma_wait3A_893] : memref<16x16x128xf32, #tpu.memory_space<vmem>> -> memref<1x16x128xf32, #tpu.memory_space<vmem>>
      %dma_wait3A_895 = tpu.memref_squeeze %dma_wait3A_894 : memref<1x16x128xf32, #tpu.memory_space<vmem>> -> memref<16x128xf32, #tpu.memory_space<vmem>>
      %dma_wait3A_896 = arith.constant 0 : i32
      %dma_wait3A_897 = tpu.memref_slice %arg4[%dma_wait3A_896, %multiple_of3A_222] : memref<16x1000000xf32, #tpu.memory_space<hbm>> -> memref<16x128xf32, #tpu.memory_space<hbm>>
      %dma_wait3A_898 = arith.constant 0 : i32
      %dma_wait3A_899 = arith.constant 0 : i32
      %dma_wait3A_900 = tpu.memref_slice %arg9[%dma_wait3A_891, %dma_wait3A_898, %dma_wait3A_899] : memref<16x16x128xf32, #tpu.memory_space<vmem>> -> memref<1x16x128xf32, #tpu.memory_space<vmem>>
      %dma_wait3A_901 = tpu.memref_squeeze %dma_wait3A_900 : memref<1x16x128xf32, #tpu.memory_space<vmem>> -> memref<16x128xf32, #tpu.memory_space<vmem>>
      %dma_wait3A_902 = arith.constant 0 : i32
      %dma_wait3A_903 = tpu.memref_slice %arg4[%dma_wait3A_902, %multiple_of3A_222] : memref<16x1000000xf32, #tpu.memory_space<hbm>> -> memref<16x128xf32, #tpu.memory_space<hbm>>
      tpu.wait_dma2 semaphore(%arg12 : memref<!tpu.dma_semaphore, #tpu.memory_space<semaphore_mem>>) src(%dma_wait3A_903 : memref<16x128xf32, #tpu.memory_space<hbm>>) dst(%dma_wait3A_901 : memref<16x128xf32, #tpu.memory_space<vmem>>)
      %dma_wait3A_904 = arith.constant 4 : i32
      %dma_wait3A_905 = arith.constant 0 : i32
      %dma_wait3A_906 = arith.constant 0 : i32
      %dma_wait3A_907 = tpu.memref_slice %arg10[%dma_wait3A_904, %dma_wait3A_905, %dma_wait3A_906] : memref<16x16x128xf32, #tpu.memory_space<vmem>> -> memref<1x16x128xf32, #tpu.memory_space<vmem>>
      %dma_wait3A_908 = tpu.memref_squeeze %dma_wait3A_907 : memref<1x16x128xf32, #tpu.memory_space<vmem>> -> memref<16x128xf32, #tpu.memory_space<vmem>>
      %dma_wait3A_909 = arith.constant 0 : i32
      %dma_wait3A_910 = tpu.memref_slice %arg5[%dma_wait3A_909, %multiple_of3A_233] : memref<16x1000000xf32, #tpu.memory_space<hbm>> -> memref<16x128xf32, #tpu.memory_space<hbm>>
      %dma_wait3A_911 = arith.constant 0 : i32
      %dma_wait3A_912 = arith.constant 0 : i32
      %dma_wait3A_913 = tpu.memref_slice %arg10[%dma_wait3A_904, %dma_wait3A_911, %dma_wait3A_912] : memref<16x16x128xf32, #tpu.memory_space<vmem>> -> memref<1x16x128xf32, #tpu.memory_space<vmem>>
      %dma_wait3A_914 = tpu.memref_squeeze %dma_wait3A_913 : memref<1x16x128xf32, #tpu.memory_space<vmem>> -> memref<16x128xf32, #tpu.memory_space<vmem>>
      %dma_wait3A_915 = arith.constant 0 : i32
      %dma_wait3A_916 = tpu.memref_slice %arg5[%dma_wait3A_915, %multiple_of3A_233] : memref<16x1000000xf32, #tpu.memory_space<hbm>> -> memref<16x128xf32, #tpu.memory_space<hbm>>
      tpu.wait_dma2 semaphore(%arg13 : memref<!tpu.dma_semaphore, #tpu.memory_space<semaphore_mem>>) src(%dma_wait3A_916 : memref<16x128xf32, #tpu.memory_space<hbm>>) dst(%dma_wait3A_914 : memref<16x128xf32, #tpu.memory_space<vmem>>)
      %dma_wait3A_917 = arith.constant 5 : i32
      %dma_wait3A_918 = arith.constant 0 : i32
      %dma_wait3A_919 = arith.constant 0 : i32
      %dma_wait3A_920 = tpu.memref_slice %arg9[%dma_wait3A_917, %dma_wait3A_918, %dma_wait3A_919] : memref<16x16x128xf32, #tpu.memory_space<vmem>> -> memref<1x16x128xf32, #tpu.memory_space<vmem>>
      %dma_wait3A_921 = tpu.memref_squeeze %dma_wait3A_920 : memref<1x16x128xf32, #tpu.memory_space<vmem>> -> memref<16x128xf32, #tpu.memory_space<vmem>>
      %dma_wait3A_922 = arith.constant 0 : i32
      %dma_wait3A_923 = tpu.memref_slice %arg4[%dma_wait3A_922, %multiple_of3A_270] : memref<16x1000000xf32, #tpu.memory_space<hbm>> -> memref<16x128xf32, #tpu.memory_space<hbm>>
      %dma_wait3A_924 = arith.constant 0 : i32
      %dma_wait3A_925 = arith.constant 0 : i32
      %dma_wait3A_926 = tpu.memref_slice %arg9[%dma_wait3A_917, %dma_wait3A_924, %dma_wait3A_925] : memref<16x16x128xf32, #tpu.memory_space<vmem>> -> memref<1x16x128xf32, #tpu.memory_space<vmem>>
      %dma_wait3A_927 = tpu.memref_squeeze %dma_wait3A_926 : memref<1x16x128xf32, #tpu.memory_space<vmem>> -> memref<16x128xf32, #tpu.memory_space<vmem>>
      %dma_wait3A_928 = arith.constant 0 : i32
      %dma_wait3A_929 = tpu.memref_slice %arg4[%dma_wait3A_928, %multiple_of3A_270] : memref<16x1000000xf32, #tpu.memory_space<hbm>> -> memref<16x128xf32, #tpu.memory_space<hbm>>
      tpu.wait_dma2 semaphore(%arg12 : memref<!tpu.dma_semaphore, #tpu.memory_space<semaphore_mem>>) src(%dma_wait3A_929 : memref<16x128xf32, #tpu.memory_space<hbm>>) dst(%dma_wait3A_927 : memref<16x128xf32, #tpu.memory_space<vmem>>)
      %dma_wait3A_930 = arith.constant 5 : i32
      %dma_wait3A_931 = arith.constant 0 : i32
      %dma_wait3A_932 = arith.constant 0 : i32
      %dma_wait3A_933 = tpu.memref_slice %arg10[%dma_wait3A_930, %dma_wait3A_931, %dma_wait3A_932] : memref<16x16x128xf32, #tpu.memory_space<vmem>> -> memref<1x16x128xf32, #tpu.memory_space<vmem>>
      %dma_wait3A_934 = tpu.memref_squeeze %dma_wait3A_933 : memref<1x16x128xf32, #tpu.memory_space<vmem>> -> memref<16x128xf32, #tpu.memory_space<vmem>>
      %dma_wait3A_935 = arith.constant 0 : i32
      %dma_wait3A_936 = tpu.memref_slice %arg5[%dma_wait3A_935, %multiple_of3A_281] : memref<16x1000000xf32, #tpu.memory_space<hbm>> -> memref<16x128xf32, #tpu.memory_space<hbm>>
      %dma_wait3A_937 = arith.constant 0 : i32
      %dma_wait3A_938 = arith.constant 0 : i32
      %dma_wait3A_939 = tpu.memref_slice %arg10[%dma_wait3A_930, %dma_wait3A_937, %dma_wait3A_938] : memref<16x16x128xf32, #tpu.memory_space<vmem>> -> memref<1x16x128xf32, #tpu.memory_space<vmem>>
      %dma_wait3A_940 = tpu.memref_squeeze %dma_wait3A_939 : memref<1x16x128xf32, #tpu.memory_space<vmem>> -> memref<16x128xf32, #tpu.memory_space<vmem>>
      %dma_wait3A_941 = arith.constant 0 : i32
      %dma_wait3A_942 = tpu.memref_slice %arg5[%dma_wait3A_941, %multiple_of3A_281] : memref<16x1000000xf32, #tpu.memory_space<hbm>> -> memref<16x128xf32, #tpu.memory_space<hbm>>
      tpu.wait_dma2 semaphore(%arg13 : memref<!tpu.dma_semaphore, #tpu.memory_space<semaphore_mem>>) src(%dma_wait3A_942 : memref<16x128xf32, #tpu.memory_space<hbm>>) dst(%dma_wait3A_940 : memref<16x128xf32, #tpu.memory_space<vmem>>)
      %dma_wait3A_943 = arith.constant 6 : i32
      %dma_wait3A_944 = arith.constant 0 : i32
      %dma_wait3A_945 = arith.constant 0 : i32
      %dma_wait3A_946 = tpu.memref_slice %arg9[%dma_wait3A_943, %dma_wait3A_944, %dma_wait3A_945] : memref<16x16x128xf32, #tpu.memory_space<vmem>> -> memref<1x16x128xf32, #tpu.memory_space<vmem>>
      %dma_wait3A_947 = tpu.memref_squeeze %dma_wait3A_946 : memref<1x16x128xf32, #tpu.memory_space<vmem>> -> memref<16x128xf32, #tpu.memory_space<vmem>>
      %dma_wait3A_948 = arith.constant 0 : i32
      %dma_wait3A_949 = tpu.memref_slice %arg4[%dma_wait3A_948, %multiple_of3A_318] : memref<16x1000000xf32, #tpu.memory_space<hbm>> -> memref<16x128xf32, #tpu.memory_space<hbm>>
      %dma_wait3A_950 = arith.constant 0 : i32
      %dma_wait3A_951 = arith.constant 0 : i32
      %dma_wait3A_952 = tpu.memref_slice %arg9[%dma_wait3A_943, %dma_wait3A_950, %dma_wait3A_951] : memref<16x16x128xf32, #tpu.memory_space<vmem>> -> memref<1x16x128xf32, #tpu.memory_space<vmem>>
      %dma_wait3A_953 = tpu.memref_squeeze %dma_wait3A_952 : memref<1x16x128xf32, #tpu.memory_space<vmem>> -> memref<16x128xf32, #tpu.memory_space<vmem>>
      %dma_wait3A_954 = arith.constant 0 : i32
      %dma_wait3A_955 = tpu.memref_slice %arg4[%dma_wait3A_954, %multiple_of3A_318] : memref<16x1000000xf32, #tpu.memory_space<hbm>> -> memref<16x128xf32, #tpu.memory_space<hbm>>
      tpu.wait_dma2 semaphore(%arg12 : memref<!tpu.dma_semaphore, #tpu.memory_space<semaphore_mem>>) src(%dma_wait3A_955 : memref<16x128xf32, #tpu.memory_space<hbm>>) dst(%dma_wait3A_953 : memref<16x128xf32, #tpu.memory_space<vmem>>)
      %dma_wait3A_956 = arith.constant 6 : i32
      %dma_wait3A_957 = arith.constant 0 : i32
      %dma_wait3A_958 = arith.constant 0 : i32
      %dma_wait3A_959 = tpu.memref_slice %arg10[%dma_wait3A_956, %dma_wait3A_957, %dma_wait3A_958] : memref<16x16x128xf32, #tpu.memory_space<vmem>> -> memref<1x16x128xf32, #tpu.memory_space<vmem>>
      %dma_wait3A_960 = tpu.memref_squeeze %dma_wait3A_959 : memref<1x16x128xf32, #tpu.memory_space<vmem>> -> memref<16x128xf32, #tpu.memory_space<vmem>>
      %dma_wait3A_961 = arith.constant 0 : i32
      %dma_wait3A_962 = tpu.memref_slice %arg5[%dma_wait3A_961, %multiple_of3A_329] : memref<16x1000000xf32, #tpu.memory_space<hbm>> -> memref<16x128xf32, #tpu.memory_space<hbm>>
      %dma_wait3A_963 = arith.constant 0 : i32
      %dma_wait3A_964 = arith.constant 0 : i32
      %dma_wait3A_965 = tpu.memref_slice %arg10[%dma_wait3A_956, %dma_wait3A_963, %dma_wait3A_964] : memref<16x16x128xf32, #tpu.memory_space<vmem>> -> memref<1x16x128xf32, #tpu.memory_space<vmem>>
      %dma_wait3A_966 = tpu.memref_squeeze %dma_wait3A_965 : memref<1x16x128xf32, #tpu.memory_space<vmem>> -> memref<16x128xf32, #tpu.memory_space<vmem>>
      %dma_wait3A_967 = arith.constant 0 : i32
      %dma_wait3A_968 = tpu.memref_slice %arg5[%dma_wait3A_967, %multiple_of3A_329] : memref<16x1000000xf32, #tpu.memory_space<hbm>> -> memref<16x128xf32, #tpu.memory_space<hbm>>
      tpu.wait_dma2 semaphore(%arg13 : memref<!tpu.dma_semaphore, #tpu.memory_space<semaphore_mem>>) src(%dma_wait3A_968 : memref<16x128xf32, #tpu.memory_space<hbm>>) dst(%dma_wait3A_966 : memref<16x128xf32, #tpu.memory_space<vmem>>)
      %dma_wait3A_969 = arith.constant 7 : i32
      %dma_wait3A_970 = arith.constant 0 : i32
      %dma_wait3A_971 = arith.constant 0 : i32
      %dma_wait3A_972 = tpu.memref_slice %arg9[%dma_wait3A_969, %dma_wait3A_970, %dma_wait3A_971] : memref<16x16x128xf32, #tpu.memory_space<vmem>> -> memref<1x16x128xf32, #tpu.memory_space<vmem>>
      %dma_wait3A_973 = tpu.memref_squeeze %dma_wait3A_972 : memref<1x16x128xf32, #tpu.memory_space<vmem>> -> memref<16x128xf32, #tpu.memory_space<vmem>>
      %dma_wait3A_974 = arith.constant 0 : i32
      %dma_wait3A_975 = tpu.memref_slice %arg4[%dma_wait3A_974, %multiple_of3A_366] : memref<16x1000000xf32, #tpu.memory_space<hbm>> -> memref<16x128xf32, #tpu.memory_space<hbm>>
      %dma_wait3A_976 = arith.constant 0 : i32
      %dma_wait3A_977 = arith.constant 0 : i32
      %dma_wait3A_978 = tpu.memref_slice %arg9[%dma_wait3A_969, %dma_wait3A_976, %dma_wait3A_977] : memref<16x16x128xf32, #tpu.memory_space<vmem>> -> memref<1x16x128xf32, #tpu.memory_space<vmem>>
      %dma_wait3A_979 = tpu.memref_squeeze %dma_wait3A_978 : memref<1x16x128xf32, #tpu.memory_space<vmem>> -> memref<16x128xf32, #tpu.memory_space<vmem>>
      %dma_wait3A_980 = arith.constant 0 : i32
      %dma_wait3A_981 = tpu.memref_slice %arg4[%dma_wait3A_980, %multiple_of3A_366] : memref<16x1000000xf32, #tpu.memory_space<hbm>> -> memref<16x128xf32, #tpu.memory_space<hbm>>
      tpu.wait_dma2 semaphore(%arg12 : memref<!tpu.dma_semaphore, #tpu.memory_space<semaphore_mem>>) src(%dma_wait3A_981 : memref<16x128xf32, #tpu.memory_space<hbm>>) dst(%dma_wait3A_979 : memref<16x128xf32, #tpu.memory_space<vmem>>)
      %dma_wait3A_982 = arith.constant 7 : i32
      %dma_wait3A_983 = arith.constant 0 : i32
      %dma_wait3A_984 = arith.constant 0 : i32
      %dma_wait3A_985 = tpu.memref_slice %arg10[%dma_wait3A_982, %dma_wait3A_983, %dma_wait3A_984] : memref<16x16x128xf32, #tpu.memory_space<vmem>> -> memref<1x16x128xf32, #tpu.memory_space<vmem>>
      %dma_wait3A_986 = tpu.memref_squeeze %dma_wait3A_985 : memref<1x16x128xf32, #tpu.memory_space<vmem>> -> memref<16x128xf32, #tpu.memory_space<vmem>>
      %dma_wait3A_987 = arith.constant 0 : i32
      %dma_wait3A_988 = tpu.memref_slice %arg5[%dma_wait3A_987, %multiple_of3A_377] : memref<16x1000000xf32, #tpu.memory_space<hbm>> -> memref<16x128xf32, #tpu.memory_space<hbm>>
      %dma_wait3A_989 = arith.constant 0 : i32
      %dma_wait3A_990 = arith.constant 0 : i32
      %dma_wait3A_991 = tpu.memref_slice %arg10[%dma_wait3A_982, %dma_wait3A_989, %dma_wait3A_990] : memref<16x16x128xf32, #tpu.memory_space<vmem>> -> memref<1x16x128xf32, #tpu.memory_space<vmem>>
      %dma_wait3A_992 = tpu.memref_squeeze %dma_wait3A_991 : memref<1x16x128xf32, #tpu.memory_space<vmem>> -> memref<16x128xf32, #tpu.memory_space<vmem>>
      %dma_wait3A_993 = arith.constant 0 : i32
      %dma_wait3A_994 = tpu.memref_slice %arg5[%dma_wait3A_993, %multiple_of3A_377] : memref<16x1000000xf32, #tpu.memory_space<hbm>> -> memref<16x128xf32, #tpu.memory_space<hbm>>
      tpu.wait_dma2 semaphore(%arg13 : memref<!tpu.dma_semaphore, #tpu.memory_space<semaphore_mem>>) src(%dma_wait3A_994 : memref<16x128xf32, #tpu.memory_space<hbm>>) dst(%dma_wait3A_992 : memref<16x128xf32, #tpu.memory_space<vmem>>)
      %dma_wait3A_995 = arith.constant 8 : i32
      %dma_wait3A_996 = arith.constant 0 : i32
      %dma_wait3A_997 = arith.constant 0 : i32
      %dma_wait3A_998 = tpu.memref_slice %arg9[%dma_wait3A_995, %dma_wait3A_996, %dma_wait3A_997] : memref<16x16x128xf32, #tpu.memory_space<vmem>> -> memref<1x16x128xf32, #tpu.memory_space<vmem>>
      %dma_wait3A_999 = tpu.memref_squeeze %dma_wait3A_998 : memref<1x16x128xf32, #tpu.memory_space<vmem>> -> memref<16x128xf32, #tpu.memory_space<vmem>>
      %dma_wait3A_1000 = arith.constant 0 : i32
      %dma_wait3A_1001 = tpu.memref_slice %arg4[%dma_wait3A_1000, %multiple_of3A_414] : memref<16x1000000xf32, #tpu.memory_space<hbm>> -> memref<16x128xf32, #tpu.memory_space<hbm>>
      %dma_wait3A_1002 = arith.constant 0 : i32
      %dma_wait3A_1003 = arith.constant 0 : i32
      %dma_wait3A_1004 = tpu.memref_slice %arg9[%dma_wait3A_995, %dma_wait3A_1002, %dma_wait3A_1003] : memref<16x16x128xf32, #tpu.memory_space<vmem>> -> memref<1x16x128xf32, #tpu.memory_space<vmem>>
      %dma_wait3A_1005 = tpu.memref_squeeze %dma_wait3A_1004 : memref<1x16x128xf32, #tpu.memory_space<vmem>> -> memref<16x128xf32, #tpu.memory_space<vmem>>
      %dma_wait3A_1006 = arith.constant 0 : i32
      %dma_wait3A_1007 = tpu.memref_slice %arg4[%dma_wait3A_1006, %multiple_of3A_414] : memref<16x1000000xf32, #tpu.memory_space<hbm>> -> memref<16x128xf32, #tpu.memory_space<hbm>>
      tpu.wait_dma2 semaphore(%arg12 : memref<!tpu.dma_semaphore, #tpu.memory_space<semaphore_mem>>) src(%dma_wait3A_1007 : memref<16x128xf32, #tpu.memory_space<hbm>>) dst(%dma_wait3A_1005 : memref<16x128xf32, #tpu.memory_space<vmem>>)
      %dma_wait3A_1008 = arith.constant 8 : i32
      %dma_wait3A_1009 = arith.constant 0 : i32
      %dma_wait3A_1010 = arith.constant 0 : i32
      %dma_wait3A_1011 = tpu.memref_slice %arg10[%dma_wait3A_1008, %dma_wait3A_1009, %dma_wait3A_1010] : memref<16x16x128xf32, #tpu.memory_space<vmem>> -> memref<1x16x128xf32, #tpu.memory_space<vmem>>
      %dma_wait3A_1012 = tpu.memref_squeeze %dma_wait3A_1011 : memref<1x16x128xf32, #tpu.memory_space<vmem>> -> memref<16x128xf32, #tpu.memory_space<vmem>>
      %dma_wait3A_1013 = arith.constant 0 : i32
      %dma_wait3A_1014 = tpu.memref_slice %arg5[%dma_wait3A_1013, %multiple_of3A_425] : memref<16x1000000xf32, #tpu.memory_space<hbm>> -> memref<16x128xf32, #tpu.memory_space<hbm>>
      %dma_wait3A_1015 = arith.constant 0 : i32
      %dma_wait3A_1016 = arith.constant 0 : i32
      %dma_wait3A_1017 = tpu.memref_slice %arg10[%dma_wait3A_1008, %dma_wait3A_1015, %dma_wait3A_1016] : memref<16x16x128xf32, #tpu.memory_space<vmem>> -> memref<1x16x128xf32, #tpu.memory_space<vmem>>
      %dma_wait3A_1018 = tpu.memref_squeeze %dma_wait3A_1017 : memref<1x16x128xf32, #tpu.memory_space<vmem>> -> memref<16x128xf32, #tpu.memory_space<vmem>>
      %dma_wait3A_1019 = arith.constant 0 : i32
      %dma_wait3A_1020 = tpu.memref_slice %arg5[%dma_wait3A_1019, %multiple_of3A_425] : memref<16x1000000xf32, #tpu.memory_space<hbm>> -> memref<16x128xf32, #tpu.memory_space<hbm>>
      tpu.wait_dma2 semaphore(%arg13 : memref<!tpu.dma_semaphore, #tpu.memory_space<semaphore_mem>>) src(%dma_wait3A_1020 : memref<16x128xf32, #tpu.memory_space<hbm>>) dst(%dma_wait3A_1018 : memref<16x128xf32, #tpu.memory_space<vmem>>)
      %dma_wait3A_1021 = arith.constant 9 : i32
      %dma_wait3A_1022 = arith.constant 0 : i32
      %dma_wait3A_1023 = arith.constant 0 : i32
      %dma_wait3A_1024 = tpu.memref_slice %arg9[%dma_wait3A_1021, %dma_wait3A_1022, %dma_wait3A_1023] : memref<16x16x128xf32, #tpu.memory_space<vmem>> -> memref<1x16x128xf32, #tpu.memory_space<vmem>>
      %dma_wait3A_1025 = tpu.memref_squeeze %dma_wait3A_1024 : memref<1x16x128xf32, #tpu.memory_space<vmem>> -> memref<16x128xf32, #tpu.memory_space<vmem>>
      %dma_wait3A_1026 = arith.constant 0 : i32
      %dma_wait3A_1027 = tpu.memref_slice %arg4[%dma_wait3A_1026, %multiple_of3A_462] : memref<16x1000000xf32, #tpu.memory_space<hbm>> -> memref<16x128xf32, #tpu.memory_space<hbm>>
      %dma_wait3A_1028 = arith.constant 0 : i32
      %dma_wait3A_1029 = arith.constant 0 : i32
      %dma_wait3A_1030 = tpu.memref_slice %arg9[%dma_wait3A_1021, %dma_wait3A_1028, %dma_wait3A_1029] : memref<16x16x128xf32, #tpu.memory_space<vmem>> -> memref<1x16x128xf32, #tpu.memory_space<vmem>>
      %dma_wait3A_1031 = tpu.memref_squeeze %dma_wait3A_1030 : memref<1x16x128xf32, #tpu.memory_space<vmem>> -> memref<16x128xf32, #tpu.memory_space<vmem>>
      %dma_wait3A_1032 = arith.constant 0 : i32
      %dma_wait3A_1033 = tpu.memref_slice %arg4[%dma_wait3A_1032, %multiple_of3A_462] : memref<16x1000000xf32, #tpu.memory_space<hbm>> -> memref<16x128xf32, #tpu.memory_space<hbm>>
      tpu.wait_dma2 semaphore(%arg12 : memref<!tpu.dma_semaphore, #tpu.memory_space<semaphore_mem>>) src(%dma_wait3A_1033 : memref<16x128xf32, #tpu.memory_space<hbm>>) dst(%dma_wait3A_1031 : memref<16x128xf32, #tpu.memory_space<vmem>>)
      %dma_wait3A_1034 = arith.constant 9 : i32
      %dma_wait3A_1035 = arith.constant 0 : i32
      %dma_wait3A_1036 = arith.constant 0 : i32
      %dma_wait3A_1037 = tpu.memref_slice %arg10[%dma_wait3A_1034, %dma_wait3A_1035, %dma_wait3A_1036] : memref<16x16x128xf32, #tpu.memory_space<vmem>> -> memref<1x16x128xf32, #tpu.memory_space<vmem>>
      %dma_wait3A_1038 = tpu.memref_squeeze %dma_wait3A_1037 : memref<1x16x128xf32, #tpu.memory_space<vmem>> -> memref<16x128xf32, #tpu.memory_space<vmem>>
      %dma_wait3A_1039 = arith.constant 0 : i32
      %dma_wait3A_1040 = tpu.memref_slice %arg5[%dma_wait3A_1039, %multiple_of3A_473] : memref<16x1000000xf32, #tpu.memory_space<hbm>> -> memref<16x128xf32, #tpu.memory_space<hbm>>
      %dma_wait3A_1041 = arith.constant 0 : i32
      %dma_wait3A_1042 = arith.constant 0 : i32
      %dma_wait3A_1043 = tpu.memref_slice %arg10[%dma_wait3A_1034, %dma_wait3A_1041, %dma_wait3A_1042] : memref<16x16x128xf32, #tpu.memory_space<vmem>> -> memref<1x16x128xf32, #tpu.memory_space<vmem>>
      %dma_wait3A_1044 = tpu.memref_squeeze %dma_wait3A_1043 : memref<1x16x128xf32, #tpu.memory_space<vmem>> -> memref<16x128xf32, #tpu.memory_space<vmem>>
      %dma_wait3A_1045 = arith.constant 0 : i32
      %dma_wait3A_1046 = tpu.memref_slice %arg5[%dma_wait3A_1045, %multiple_of3A_473] : memref<16x1000000xf32, #tpu.memory_space<hbm>> -> memref<16x128xf32, #tpu.memory_space<hbm>>
      tpu.wait_dma2 semaphore(%arg13 : memref<!tpu.dma_semaphore, #tpu.memory_space<semaphore_mem>>) src(%dma_wait3A_1046 : memref<16x128xf32, #tpu.memory_space<hbm>>) dst(%dma_wait3A_1044 : memref<16x128xf32, #tpu.memory_space<vmem>>)
      %dma_wait3A_1047 = arith.constant 10 : i32
      %dma_wait3A_1048 = arith.constant 0 : i32
      %dma_wait3A_1049 = arith.constant 0 : i32
      %dma_wait3A_1050 = tpu.memref_slice %arg9[%dma_wait3A_1047, %dma_wait3A_1048, %dma_wait3A_1049] : memref<16x16x128xf32, #tpu.memory_space<vmem>> -> memref<1x16x128xf32, #tpu.memory_space<vmem>>
      %dma_wait3A_1051 = tpu.memref_squeeze %dma_wait3A_1050 : memref<1x16x128xf32, #tpu.memory_space<vmem>> -> memref<16x128xf32, #tpu.memory_space<vmem>>
      %dma_wait3A_1052 = arith.constant 0 : i32
      %dma_wait3A_1053 = tpu.memref_slice %arg4[%dma_wait3A_1052, %multiple_of3A_510] : memref<16x1000000xf32, #tpu.memory_space<hbm>> -> memref<16x128xf32, #tpu.memory_space<hbm>>
      %dma_wait3A_1054 = arith.constant 0 : i32
      %dma_wait3A_1055 = arith.constant 0 : i32
      %dma_wait3A_1056 = tpu.memref_slice %arg9[%dma_wait3A_1047, %dma_wait3A_1054, %dma_wait3A_1055] : memref<16x16x128xf32, #tpu.memory_space<vmem>> -> memref<1x16x128xf32, #tpu.memory_space<vmem>>
      %dma_wait3A_1057 = tpu.memref_squeeze %dma_wait3A_1056 : memref<1x16x128xf32, #tpu.memory_space<vmem>> -> memref<16x128xf32, #tpu.memory_space<vmem>>
      %dma_wait3A_1058 = arith.constant 0 : i32
      %dma_wait3A_1059 = tpu.memref_slice %arg4[%dma_wait3A_1058, %multiple_of3A_510] : memref<16x1000000xf32, #tpu.memory_space<hbm>> -> memref<16x128xf32, #tpu.memory_space<hbm>>
      tpu.wait_dma2 semaphore(%arg12 : memref<!tpu.dma_semaphore, #tpu.memory_space<semaphore_mem>>) src(%dma_wait3A_1059 : memref<16x128xf32, #tpu.memory_space<hbm>>) dst(%dma_wait3A_1057 : memref<16x128xf32, #tpu.memory_space<vmem>>)
      %dma_wait3A_1060 = arith.constant 10 : i32
      %dma_wait3A_1061 = arith.constant 0 : i32
      %dma_wait3A_1062 = arith.constant 0 : i32
      %dma_wait3A_1063 = tpu.memref_slice %arg10[%dma_wait3A_1060, %dma_wait3A_1061, %dma_wait3A_1062] : memref<16x16x128xf32, #tpu.memory_space<vmem>> -> memref<1x16x128xf32, #tpu.memory_space<vmem>>
      %dma_wait3A_1064 = tpu.memref_squeeze %dma_wait3A_1063 : memref<1x16x128xf32, #tpu.memory_space<vmem>> -> memref<16x128xf32, #tpu.memory_space<vmem>>
      %dma_wait3A_1065 = arith.constant 0 : i32
      %dma_wait3A_1066 = tpu.memref_slice %arg5[%dma_wait3A_1065, %multiple_of3A_521] : memref<16x1000000xf32, #tpu.memory_space<hbm>> -> memref<16x128xf32, #tpu.memory_space<hbm>>
      %dma_wait3A_1067 = arith.constant 0 : i32
      %dma_wait3A_1068 = arith.constant 0 : i32
      %dma_wait3A_1069 = tpu.memref_slice %arg10[%dma_wait3A_1060, %dma_wait3A_1067, %dma_wait3A_1068] : memref<16x16x128xf32, #tpu.memory_space<vmem>> -> memref<1x16x128xf32, #tpu.memory_space<vmem>>
      %dma_wait3A_1070 = tpu.memref_squeeze %dma_wait3A_1069 : memref<1x16x128xf32, #tpu.memory_space<vmem>> -> memref<16x128xf32, #tpu.memory_space<vmem>>
      %dma_wait3A_1071 = arith.constant 0 : i32
      %dma_wait3A_1072 = tpu.memref_slice %arg5[%dma_wait3A_1071, %multiple_of3A_521] : memref<16x1000000xf32, #tpu.memory_space<hbm>> -> memref<16x128xf32, #tpu.memory_space<hbm>>
      tpu.wait_dma2 semaphore(%arg13 : memref<!tpu.dma_semaphore, #tpu.memory_space<semaphore_mem>>) src(%dma_wait3A_1072 : memref<16x128xf32, #tpu.memory_space<hbm>>) dst(%dma_wait3A_1070 : memref<16x128xf32, #tpu.memory_space<vmem>>)
      %dma_wait3A_1073 = arith.constant 11 : i32
      %dma_wait3A_1074 = arith.constant 0 : i32
      %dma_wait3A_1075 = arith.constant 0 : i32
      %dma_wait3A_1076 = tpu.memref_slice %arg9[%dma_wait3A_1073, %dma_wait3A_1074, %dma_wait3A_1075] : memref<16x16x128xf32, #tpu.memory_space<vmem>> -> memref<1x16x128xf32, #tpu.memory_space<vmem>>
      %dma_wait3A_1077 = tpu.memref_squeeze %dma_wait3A_1076 : memref<1x16x128xf32, #tpu.memory_space<vmem>> -> memref<16x128xf32, #tpu.memory_space<vmem>>
      %dma_wait3A_1078 = arith.constant 0 : i32
      %dma_wait3A_1079 = tpu.memref_slice %arg4[%dma_wait3A_1078, %multiple_of3A_558] : memref<16x1000000xf32, #tpu.memory_space<hbm>> -> memref<16x128xf32, #tpu.memory_space<hbm>>
      %dma_wait3A_1080 = arith.constant 0 : i32
      %dma_wait3A_1081 = arith.constant 0 : i32
      %dma_wait3A_1082 = tpu.memref_slice %arg9[%dma_wait3A_1073, %dma_wait3A_1080, %dma_wait3A_1081] : memref<16x16x128xf32, #tpu.memory_space<vmem>> -> memref<1x16x128xf32, #tpu.memory_space<vmem>>
      %dma_wait3A_1083 = tpu.memref_squeeze %dma_wait3A_1082 : memref<1x16x128xf32, #tpu.memory_space<vmem>> -> memref<16x128xf32, #tpu.memory_space<vmem>>
      %dma_wait3A_1084 = arith.constant 0 : i32
      %dma_wait3A_1085 = tpu.memref_slice %arg4[%dma_wait3A_1084, %multiple_of3A_558] : memref<16x1000000xf32, #tpu.memory_space<hbm>> -> memref<16x128xf32, #tpu.memory_space<hbm>>
      tpu.wait_dma2 semaphore(%arg12 : memref<!tpu.dma_semaphore, #tpu.memory_space<semaphore_mem>>) src(%dma_wait3A_1085 : memref<16x128xf32, #tpu.memory_space<hbm>>) dst(%dma_wait3A_1083 : memref<16x128xf32, #tpu.memory_space<vmem>>)
      %dma_wait3A_1086 = arith.constant 11 : i32
      %dma_wait3A_1087 = arith.constant 0 : i32
      %dma_wait3A_1088 = arith.constant 0 : i32
      %dma_wait3A_1089 = tpu.memref_slice %arg10[%dma_wait3A_1086, %dma_wait3A_1087, %dma_wait3A_1088] : memref<16x16x128xf32, #tpu.memory_space<vmem>> -> memref<1x16x128xf32, #tpu.memory_space<vmem>>
      %dma_wait3A_1090 = tpu.memref_squeeze %dma_wait3A_1089 : memref<1x16x128xf32, #tpu.memory_space<vmem>> -> memref<16x128xf32, #tpu.memory_space<vmem>>
      %dma_wait3A_1091 = arith.constant 0 : i32
      %dma_wait3A_1092 = tpu.memref_slice %arg5[%dma_wait3A_1091, %multiple_of3A_569] : memref<16x1000000xf32, #tpu.memory_space<hbm>> -> memref<16x128xf32, #tpu.memory_space<hbm>>
      %dma_wait3A_1093 = arith.constant 0 : i32
      %dma_wait3A_1094 = arith.constant 0 : i32
      %dma_wait3A_1095 = tpu.memref_slice %arg10[%dma_wait3A_1086, %dma_wait3A_1093, %dma_wait3A_1094] : memref<16x16x128xf32, #tpu.memory_space<vmem>> -> memref<1x16x128xf32, #tpu.memory_space<vmem>>
      %dma_wait3A_1096 = tpu.memref_squeeze %dma_wait3A_1095 : memref<1x16x128xf32, #tpu.memory_space<vmem>> -> memref<16x128xf32, #tpu.memory_space<vmem>>
      %dma_wait3A_1097 = arith.constant 0 : i32
      %dma_wait3A_1098 = tpu.memref_slice %arg5[%dma_wait3A_1097, %multiple_of3A_569] : memref<16x1000000xf32, #tpu.memory_space<hbm>> -> memref<16x128xf32, #tpu.memory_space<hbm>>
      tpu.wait_dma2 semaphore(%arg13 : memref<!tpu.dma_semaphore, #tpu.memory_space<semaphore_mem>>) src(%dma_wait3A_1098 : memref<16x128xf32, #tpu.memory_space<hbm>>) dst(%dma_wait3A_1096 : memref<16x128xf32, #tpu.memory_space<vmem>>)
      %dma_wait3A_1099 = arith.constant 12 : i32
      %dma_wait3A_1100 = arith.constant 0 : i32
      %dma_wait3A_1101 = arith.constant 0 : i32
      %dma_wait3A_1102 = tpu.memref_slice %arg9[%dma_wait3A_1099, %dma_wait3A_1100, %dma_wait3A_1101] : memref<16x16x128xf32, #tpu.memory_space<vmem>> -> memref<1x16x128xf32, #tpu.memory_space<vmem>>
      %dma_wait3A_1103 = tpu.memref_squeeze %dma_wait3A_1102 : memref<1x16x128xf32, #tpu.memory_space<vmem>> -> memref<16x128xf32, #tpu.memory_space<vmem>>
      %dma_wait3A_1104 = arith.constant 0 : i32
      %dma_wait3A_1105 = tpu.memref_slice %arg4[%dma_wait3A_1104, %multiple_of3A_606] : memref<16x1000000xf32, #tpu.memory_space<hbm>> -> memref<16x128xf32, #tpu.memory_space<hbm>>
      %dma_wait3A_1106 = arith.constant 0 : i32
      %dma_wait3A_1107 = arith.constant 0 : i32
      %dma_wait3A_1108 = tpu.memref_slice %arg9[%dma_wait3A_1099, %dma_wait3A_1106, %dma_wait3A_1107] : memref<16x16x128xf32, #tpu.memory_space<vmem>> -> memref<1x16x128xf32, #tpu.memory_space<vmem>>
      %dma_wait3A_1109 = tpu.memref_squeeze %dma_wait3A_1108 : memref<1x16x128xf32, #tpu.memory_space<vmem>> -> memref<16x128xf32, #tpu.memory_space<vmem>>
      %dma_wait3A_1110 = arith.constant 0 : i32
      %dma_wait3A_1111 = tpu.memref_slice %arg4[%dma_wait3A_1110, %multiple_of3A_606] : memref<16x1000000xf32, #tpu.memory_space<hbm>> -> memref<16x128xf32, #tpu.memory_space<hbm>>
      tpu.wait_dma2 semaphore(%arg12 : memref<!tpu.dma_semaphore, #tpu.memory_space<semaphore_mem>>) src(%dma_wait3A_1111 : memref<16x128xf32, #tpu.memory_space<hbm>>) dst(%dma_wait3A_1109 : memref<16x128xf32, #tpu.memory_space<vmem>>)
      %dma_wait3A_1112 = arith.constant 12 : i32
      %dma_wait3A_1113 = arith.constant 0 : i32
      %dma_wait3A_1114 = arith.constant 0 : i32
      %dma_wait3A_1115 = tpu.memref_slice %arg10[%dma_wait3A_1112, %dma_wait3A_1113, %dma_wait3A_1114] : memref<16x16x128xf32, #tpu.memory_space<vmem>> -> memref<1x16x128xf32, #tpu.memory_space<vmem>>
      %dma_wait3A_1116 = tpu.memref_squeeze %dma_wait3A_1115 : memref<1x16x128xf32, #tpu.memory_space<vmem>> -> memref<16x128xf32, #tpu.memory_space<vmem>>
      %dma_wait3A_1117 = arith.constant 0 : i32
      %dma_wait3A_1118 = tpu.memref_slice %arg5[%dma_wait3A_1117, %multiple_of3A_617] : memref<16x1000000xf32, #tpu.memory_space<hbm>> -> memref<16x128xf32, #tpu.memory_space<hbm>>
      %dma_wait3A_1119 = arith.constant 0 : i32
      %dma_wait3A_1120 = arith.constant 0 : i32
      %dma_wait3A_1121 = tpu.memref_slice %arg10[%dma_wait3A_1112, %dma_wait3A_1119, %dma_wait3A_1120] : memref<16x16x128xf32, #tpu.memory_space<vmem>> -> memref<1x16x128xf32, #tpu.memory_space<vmem>>
      %dma_wait3A_1122 = tpu.memref_squeeze %dma_wait3A_1121 : memref<1x16x128xf32, #tpu.memory_space<vmem>> -> memref<16x128xf32, #tpu.memory_space<vmem>>
      %dma_wait3A_1123 = arith.constant 0 : i32
      %dma_wait3A_1124 = tpu.memref_slice %arg5[%dma_wait3A_1123, %multiple_of3A_617] : memref<16x1000000xf32, #tpu.memory_space<hbm>> -> memref<16x128xf32, #tpu.memory_space<hbm>>
      tpu.wait_dma2 semaphore(%arg13 : memref<!tpu.dma_semaphore, #tpu.memory_space<semaphore_mem>>) src(%dma_wait3A_1124 : memref<16x128xf32, #tpu.memory_space<hbm>>) dst(%dma_wait3A_1122 : memref<16x128xf32, #tpu.memory_space<vmem>>)
      %dma_wait3A_1125 = arith.constant 13 : i32
      %dma_wait3A_1126 = arith.constant 0 : i32
      %dma_wait3A_1127 = arith.constant 0 : i32
      %dma_wait3A_1128 = tpu.memref_slice %arg9[%dma_wait3A_1125, %dma_wait3A_1126, %dma_wait3A_1127] : memref<16x16x128xf32, #tpu.memory_space<vmem>> -> memref<1x16x128xf32, #tpu.memory_space<vmem>>
      %dma_wait3A_1129 = tpu.memref_squeeze %dma_wait3A_1128 : memref<1x16x128xf32, #tpu.memory_space<vmem>> -> memref<16x128xf32, #tpu.memory_space<vmem>>
      %dma_wait3A_1130 = arith.constant 0 : i32
      %dma_wait3A_1131 = tpu.memref_slice %arg4[%dma_wait3A_1130, %multiple_of3A_654] : memref<16x1000000xf32, #tpu.memory_space<hbm>> -> memref<16x128xf32, #tpu.memory_space<hbm>>
      %dma_wait3A_1132 = arith.constant 0 : i32
      %dma_wait3A_1133 = arith.constant 0 : i32
      %dma_wait3A_1134 = tpu.memref_slice %arg9[%dma_wait3A_1125, %dma_wait3A_1132, %dma_wait3A_1133] : memref<16x16x128xf32, #tpu.memory_space<vmem>> -> memref<1x16x128xf32, #tpu.memory_space<vmem>>
      %dma_wait3A_1135 = tpu.memref_squeeze %dma_wait3A_1134 : memref<1x16x128xf32, #tpu.memory_space<vmem>> -> memref<16x128xf32, #tpu.memory_space<vmem>>
      %dma_wait3A_1136 = arith.constant 0 : i32
      %dma_wait3A_1137 = tpu.memref_slice %arg4[%dma_wait3A_1136, %multiple_of3A_654] : memref<16x1000000xf32, #tpu.memory_space<hbm>> -> memref<16x128xf32, #tpu.memory_space<hbm>>
      tpu.wait_dma2 semaphore(%arg12 : memref<!tpu.dma_semaphore, #tpu.memory_space<semaphore_mem>>) src(%dma_wait3A_1137 : memref<16x128xf32, #tpu.memory_space<hbm>>) dst(%dma_wait3A_1135 : memref<16x128xf32, #tpu.memory_space<vmem>>)
      %dma_wait3A_1138 = arith.constant 13 : i32
      %dma_wait3A_1139 = arith.constant 0 : i32
      %dma_wait3A_1140 = arith.constant 0 : i32
      %dma_wait3A_1141 = tpu.memref_slice %arg10[%dma_wait3A_1138, %dma_wait3A_1139, %dma_wait3A_1140] : memref<16x16x128xf32, #tpu.memory_space<vmem>> -> memref<1x16x128xf32, #tpu.memory_space<vmem>>
      %dma_wait3A_1142 = tpu.memref_squeeze %dma_wait3A_1141 : memref<1x16x128xf32, #tpu.memory_space<vmem>> -> memref<16x128xf32, #tpu.memory_space<vmem>>
      %dma_wait3A_1143 = arith.constant 0 : i32
      %dma_wait3A_1144 = tpu.memref_slice %arg5[%dma_wait3A_1143, %multiple_of3A_665] : memref<16x1000000xf32, #tpu.memory_space<hbm>> -> memref<16x128xf32, #tpu.memory_space<hbm>>
      %dma_wait3A_1145 = arith.constant 0 : i32
      %dma_wait3A_1146 = arith.constant 0 : i32
      %dma_wait3A_1147 = tpu.memref_slice %arg10[%dma_wait3A_1138, %dma_wait3A_1145, %dma_wait3A_1146] : memref<16x16x128xf32, #tpu.memory_space<vmem>> -> memref<1x16x128xf32, #tpu.memory_space<vmem>>
      %dma_wait3A_1148 = tpu.memref_squeeze %dma_wait3A_1147 : memref<1x16x128xf32, #tpu.memory_space<vmem>> -> memref<16x128xf32, #tpu.memory_space<vmem>>
      %dma_wait3A_1149 = arith.constant 0 : i32
      %dma_wait3A_1150 = tpu.memref_slice %arg5[%dma_wait3A_1149, %multiple_of3A_665] : memref<16x1000000xf32, #tpu.memory_space<hbm>> -> memref<16x128xf32, #tpu.memory_space<hbm>>
      tpu.wait_dma2 semaphore(%arg13 : memref<!tpu.dma_semaphore, #tpu.memory_space<semaphore_mem>>) src(%dma_wait3A_1150 : memref<16x128xf32, #tpu.memory_space<hbm>>) dst(%dma_wait3A_1148 : memref<16x128xf32, #tpu.memory_space<vmem>>)
      %dma_wait3A_1151 = arith.constant 14 : i32
      %dma_wait3A_1152 = arith.constant 0 : i32
      %dma_wait3A_1153 = arith.constant 0 : i32
      %dma_wait3A_1154 = tpu.memref_slice %arg9[%dma_wait3A_1151, %dma_wait3A_1152, %dma_wait3A_1153] : memref<16x16x128xf32, #tpu.memory_space<vmem>> -> memref<1x16x128xf32, #tpu.memory_space<vmem>>
      %dma_wait3A_1155 = tpu.memref_squeeze %dma_wait3A_1154 : memref<1x16x128xf32, #tpu.memory_space<vmem>> -> memref<16x128xf32, #tpu.memory_space<vmem>>
      %dma_wait3A_1156 = arith.constant 0 : i32
      %dma_wait3A_1157 = tpu.memref_slice %arg4[%dma_wait3A_1156, %multiple_of3A_702] : memref<16x1000000xf32, #tpu.memory_space<hbm>> -> memref<16x128xf32, #tpu.memory_space<hbm>>
      %dma_wait3A_1158 = arith.constant 0 : i32
      %dma_wait3A_1159 = arith.constant 0 : i32
      %dma_wait3A_1160 = tpu.memref_slice %arg9[%dma_wait3A_1151, %dma_wait3A_1158, %dma_wait3A_1159] : memref<16x16x128xf32, #tpu.memory_space<vmem>> -> memref<1x16x128xf32, #tpu.memory_space<vmem>>
      %dma_wait3A_1161 = tpu.memref_squeeze %dma_wait3A_1160 : memref<1x16x128xf32, #tpu.memory_space<vmem>> -> memref<16x128xf32, #tpu.memory_space<vmem>>
      %dma_wait3A_1162 = arith.constant 0 : i32
      %dma_wait3A_1163 = tpu.memref_slice %arg4[%dma_wait3A_1162, %multiple_of3A_702] : memref<16x1000000xf32, #tpu.memory_space<hbm>> -> memref<16x128xf32, #tpu.memory_space<hbm>>
      tpu.wait_dma2 semaphore(%arg12 : memref<!tpu.dma_semaphore, #tpu.memory_space<semaphore_mem>>) src(%dma_wait3A_1163 : memref<16x128xf32, #tpu.memory_space<hbm>>) dst(%dma_wait3A_1161 : memref<16x128xf32, #tpu.memory_space<vmem>>)
      %dma_wait3A_1164 = arith.constant 14 : i32
      %dma_wait3A_1165 = arith.constant 0 : i32
      %dma_wait3A_1166 = arith.constant 0 : i32
      %dma_wait3A_1167 = tpu.memref_slice %arg10[%dma_wait3A_1164, %dma_wait3A_1165, %dma_wait3A_1166] : memref<16x16x128xf32, #tpu.memory_space<vmem>> -> memref<1x16x128xf32, #tpu.memory_space<vmem>>
      %dma_wait3A_1168 = tpu.memref_squeeze %dma_wait3A_1167 : memref<1x16x128xf32, #tpu.memory_space<vmem>> -> memref<16x128xf32, #tpu.memory_space<vmem>>
      %dma_wait3A_1169 = arith.constant 0 : i32
      %dma_wait3A_1170 = tpu.memref_slice %arg5[%dma_wait3A_1169, %multiple_of3A_713] : memref<16x1000000xf32, #tpu.memory_space<hbm>> -> memref<16x128xf32, #tpu.memory_space<hbm>>
      %dma_wait3A_1171 = arith.constant 0 : i32
      %dma_wait3A_1172 = arith.constant 0 : i32
      %dma_wait3A_1173 = tpu.memref_slice %arg10[%dma_wait3A_1164, %dma_wait3A_1171, %dma_wait3A_1172] : memref<16x16x128xf32, #tpu.memory_space<vmem>> -> memref<1x16x128xf32, #tpu.memory_space<vmem>>
      %dma_wait3A_1174 = tpu.memref_squeeze %dma_wait3A_1173 : memref<1x16x128xf32, #tpu.memory_space<vmem>> -> memref<16x128xf32, #tpu.memory_space<vmem>>
      %dma_wait3A_1175 = arith.constant 0 : i32
      %dma_wait3A_1176 = tpu.memref_slice %arg5[%dma_wait3A_1175, %multiple_of3A_713] : memref<16x1000000xf32, #tpu.memory_space<hbm>> -> memref<16x128xf32, #tpu.memory_space<hbm>>
      tpu.wait_dma2 semaphore(%arg13 : memref<!tpu.dma_semaphore, #tpu.memory_space<semaphore_mem>>) src(%dma_wait3A_1176 : memref<16x128xf32, #tpu.memory_space<hbm>>) dst(%dma_wait3A_1174 : memref<16x128xf32, #tpu.memory_space<vmem>>)
      %dma_wait3A_1177 = arith.constant 15 : i32
      %dma_wait3A_1178 = arith.constant 0 : i32
      %dma_wait3A_1179 = arith.constant 0 : i32
      %dma_wait3A_1180 = tpu.memref_slice %arg9[%dma_wait3A_1177, %dma_wait3A_1178, %dma_wait3A_1179] : memref<16x16x128xf32, #tpu.memory_space<vmem>> -> memref<1x16x128xf32, #tpu.memory_space<vmem>>
      %dma_wait3A_1181 = tpu.memref_squeeze %dma_wait3A_1180 : memref<1x16x128xf32, #tpu.memory_space<vmem>> -> memref<16x128xf32, #tpu.memory_space<vmem>>
      %dma_wait3A_1182 = arith.constant 0 : i32
      %dma_wait3A_1183 = tpu.memref_slice %arg4[%dma_wait3A_1182, %multiple_of3A_750] : memref<16x1000000xf32, #tpu.memory_space<hbm>> -> memref<16x128xf32, #tpu.memory_space<hbm>>
      %dma_wait3A_1184 = arith.constant 0 : i32
      %dma_wait3A_1185 = arith.constant 0 : i32
      %dma_wait3A_1186 = tpu.memref_slice %arg9[%dma_wait3A_1177, %dma_wait3A_1184, %dma_wait3A_1185] : memref<16x16x128xf32, #tpu.memory_space<vmem>> -> memref<1x16x128xf32, #tpu.memory_space<vmem>>
      %dma_wait3A_1187 = tpu.memref_squeeze %dma_wait3A_1186 : memref<1x16x128xf32, #tpu.memory_space<vmem>> -> memref<16x128xf32, #tpu.memory_space<vmem>>
      %dma_wait3A_1188 = arith.constant 0 : i32
      %dma_wait3A_1189 = tpu.memref_slice %arg4[%dma_wait3A_1188, %multiple_of3A_750] : memref<16x1000000xf32, #tpu.memory_space<hbm>> -> memref<16x128xf32, #tpu.memory_space<hbm>>
      tpu.wait_dma2 semaphore(%arg12 : memref<!tpu.dma_semaphore, #tpu.memory_space<semaphore_mem>>) src(%dma_wait3A_1189 : memref<16x128xf32, #tpu.memory_space<hbm>>) dst(%dma_wait3A_1187 : memref<16x128xf32, #tpu.memory_space<vmem>>)
      %dma_wait3A_1190 = arith.constant 15 : i32
      %dma_wait3A_1191 = arith.constant 0 : i32
      %dma_wait3A_1192 = arith.constant 0 : i32
      %dma_wait3A_1193 = tpu.memref_slice %arg10[%dma_wait3A_1190, %dma_wait3A_1191, %dma_wait3A_1192] : memref<16x16x128xf32, #tpu.memory_space<vmem>> -> memref<1x16x128xf32, #tpu.memory_space<vmem>>
      %dma_wait3A_1194 = tpu.memref_squeeze %dma_wait3A_1193 : memref<1x16x128xf32, #tpu.memory_space<vmem>> -> memref<16x128xf32, #tpu.memory_space<vmem>>
      %dma_wait3A_1195 = arith.constant 0 : i32
      %dma_wait3A_1196 = tpu.memref_slice %arg5[%dma_wait3A_1195, %multiple_of3A_761] : memref<16x1000000xf32, #tpu.memory_space<hbm>> -> memref<16x128xf32, #tpu.memory_space<hbm>>
      %dma_wait3A_1197 = arith.constant 0 : i32
      %dma_wait3A_1198 = arith.constant 0 : i32
      %dma_wait3A_1199 = tpu.memref_slice %arg10[%dma_wait3A_1190, %dma_wait3A_1197, %dma_wait3A_1198] : memref<16x16x128xf32, #tpu.memory_space<vmem>> -> memref<1x16x128xf32, #tpu.memory_space<vmem>>
      %dma_wait3A_1200 = tpu.memref_squeeze %dma_wait3A_1199 : memref<1x16x128xf32, #tpu.memory_space<vmem>> -> memref<16x128xf32, #tpu.memory_space<vmem>>
      %dma_wait3A_1201 = arith.constant 0 : i32
      %dma_wait3A_1202 = tpu.memref_slice %arg5[%dma_wait3A_1201, %multiple_of3A_761] : memref<16x1000000xf32, #tpu.memory_space<hbm>> -> memref<16x128xf32, #tpu.memory_space<hbm>>
      tpu.wait_dma2 semaphore(%arg13 : memref<!tpu.dma_semaphore, #tpu.memory_space<semaphore_mem>>) src(%dma_wait3A_1202 : memref<16x128xf32, #tpu.memory_space<hbm>>) dst(%dma_wait3A_1200 : memref<16x128xf32, #tpu.memory_space<vmem>>)
      %and3A = arith.constant 127 : i32
      %and3A_1203 = vector.broadcast %and3A : i32 to vector<16xi32>
      %and3A_1204 = arith.andi %get3A_11, %and3A_1203 : vector<16xi32>
      %and3A_1205 = arith.constant 127 : i32
      %and3A_1206 = vector.broadcast %and3A_1205 : i32 to vector<16xi32>
      %and3A_1207 = arith.andi %get3A_15, %and3A_1206 : vector<16xi32>
      %broadcast_in_dim3A_1208 = arith.constant 0.000000e+00 : f32
      %broadcast_in_dim3A_1209 = vector.broadcast %broadcast_in_dim3A_1208 : f32 to vector<16xf32>
      %broadcast_in_dim3A_1210 = arith.constant 0 : i32
      %broadcast_in_dim3A_1211 = vector.broadcast %broadcast_in_dim3A_1210 : i32 to vector<16xi32>
      %gather3A = tpu.vector_load_idx %arg9[%iota3A, %broadcast_in_dim3A_1211, %and3A_1204] : memref<16x16x128xf32, #tpu.memory_space<vmem>>[vector<16xi32>, vector<16xi32>, vector<16xi32>], vector<16xf32>,
      %gather3A_1212 = tpu.vector_load_idx %arg10[%iota3A, %broadcast_in_dim3A_1211, %and3A_1207] : memref<16x16x128xf32, #tpu.memory_space<vmem>>[vector<16xi32>, vector<16xi32>, vector<16xi32>], vector<16xf32>,
      %mul3A_1213 = arith.mulf %gather3A, %gather3A_1212 : vector<16xf32>
      %add3A_1214 = arith.addf %broadcast_in_dim3A_1209, %mul3A_1213 : vector<16xf32>
      %broadcast_in_dim3A_1215 = arith.constant 1 : i32
      %broadcast_in_dim3A_1216 = vector.broadcast %broadcast_in_dim3A_1215 : i32 to vector<16xi32>
      %gather3A_1217 = tpu.vector_load_idx %arg9[%iota3A, %broadcast_in_dim3A_1216, %and3A_1204] : memref<16x16x128xf32, #tpu.memory_space<vmem>>[vector<16xi32>, vector<16xi32>, vector<16xi32>], vector<16xf32>,
      %gather3A_1218 = tpu.vector_load_idx %arg10[%iota3A, %broadcast_in_dim3A_1216, %and3A_1207] : memref<16x16x128xf32, #tpu.memory_space<vmem>>[vector<16xi32>, vector<16xi32>, vector<16xi32>], vector<16xf32>,
      %mul3A_1219 = arith.mulf %gather3A_1217, %gather3A_1218 : vector<16xf32>
      %add3A_1220 = arith.addf %add3A_1214, %mul3A_1219 : vector<16xf32>
      %broadcast_in_dim3A_1221 = arith.constant 2 : i32
      %broadcast_in_dim3A_1222 = vector.broadcast %broadcast_in_dim3A_1221 : i32 to vector<16xi32>
      %gather3A_1223 = tpu.vector_load_idx %arg9[%iota3A, %broadcast_in_dim3A_1222, %and3A_1204] : memref<16x16x128xf32, #tpu.memory_space<vmem>>[vector<16xi32>, vector<16xi32>, vector<16xi32>], vector<16xf32>,
      %gather3A_1224 = tpu.vector_load_idx %arg10[%iota3A, %broadcast_in_dim3A_1222, %and3A_1207] : memref<16x16x128xf32, #tpu.memory_space<vmem>>[vector<16xi32>, vector<16xi32>, vector<16xi32>], vector<16xf32>,
      %mul3A_1225 = arith.mulf %gather3A_1223, %gather3A_1224 : vector<16xf32>
      %add3A_1226 = arith.addf %add3A_1220, %mul3A_1225 : vector<16xf32>
      %broadcast_in_dim3A_1227 = arith.constant 3 : i32
      %broadcast_in_dim3A_1228 = vector.broadcast %broadcast_in_dim3A_1227 : i32 to vector<16xi32>
      %gather3A_1229 = tpu.vector_load_idx %arg9[%iota3A, %broadcast_in_dim3A_1228, %and3A_1204] : memref<16x16x128xf32, #tpu.memory_space<vmem>>[vector<16xi32>, vector<16xi32>, vector<16xi32>], vector<16xf32>,
      %gather3A_1230 = tpu.vector_load_idx %arg10[%iota3A, %broadcast_in_dim3A_1228, %and3A_1207] : memref<16x16x128xf32, #tpu.memory_space<vmem>>[vector<16xi32>, vector<16xi32>, vector<16xi32>], vector<16xf32>,
      %mul3A_1231 = arith.mulf %gather3A_1229, %gather3A_1230 : vector<16xf32>
      %add3A_1232 = arith.addf %add3A_1226, %mul3A_1231 : vector<16xf32>
      %broadcast_in_dim3A_1233 = arith.constant 4 : i32
      %broadcast_in_dim3A_1234 = vector.broadcast %broadcast_in_dim3A_1233 : i32 to vector<16xi32>
      %gather3A_1235 = tpu.vector_load_idx %arg9[%iota3A, %broadcast_in_dim3A_1234, %and3A_1204] : memref<16x16x128xf32, #tpu.memory_space<vmem>>[vector<16xi32>, vector<16xi32>, vector<16xi32>], vector<16xf32>,
      %gather3A_1236 = tpu.vector_load_idx %arg10[%iota3A, %broadcast_in_dim3A_1234, %and3A_1207] : memref<16x16x128xf32, #tpu.memory_space<vmem>>[vector<16xi32>, vector<16xi32>, vector<16xi32>], vector<16xf32>,
      %mul3A_1237 = arith.mulf %gather3A_1235, %gather3A_1236 : vector<16xf32>
      %add3A_1238 = arith.addf %add3A_1232, %mul3A_1237 : vector<16xf32>
      %broadcast_in_dim3A_1239 = arith.constant 5 : i32
      %broadcast_in_dim3A_1240 = vector.broadcast %broadcast_in_dim3A_1239 : i32 to vector<16xi32>
      %gather3A_1241 = tpu.vector_load_idx %arg9[%iota3A, %broadcast_in_dim3A_1240, %and3A_1204] : memref<16x16x128xf32, #tpu.memory_space<vmem>>[vector<16xi32>, vector<16xi32>, vector<16xi32>], vector<16xf32>,
      %gather3A_1242 = tpu.vector_load_idx %arg10[%iota3A, %broadcast_in_dim3A_1240, %and3A_1207] : memref<16x16x128xf32, #tpu.memory_space<vmem>>[vector<16xi32>, vector<16xi32>, vector<16xi32>], vector<16xf32>,
      %mul3A_1243 = arith.mulf %gather3A_1241, %gather3A_1242 : vector<16xf32>
      %add3A_1244 = arith.addf %add3A_1238, %mul3A_1243 : vector<16xf32>
      %broadcast_in_dim3A_1245 = arith.constant 6 : i32
      %broadcast_in_dim3A_1246 = vector.broadcast %broadcast_in_dim3A_1245 : i32 to vector<16xi32>
      %gather3A_1247 = tpu.vector_load_idx %arg9[%iota3A, %broadcast_in_dim3A_1246, %and3A_1204] : memref<16x16x128xf32, #tpu.memory_space<vmem>>[vector<16xi32>, vector<16xi32>, vector<16xi32>], vector<16xf32>,
      %gather3A_1248 = tpu.vector_load_idx %arg10[%iota3A, %broadcast_in_dim3A_1246, %and3A_1207] : memref<16x16x128xf32, #tpu.memory_space<vmem>>[vector<16xi32>, vector<16xi32>, vector<16xi32>], vector<16xf32>,
      %mul3A_1249 = arith.mulf %gather3A_1247, %gather3A_1248 : vector<16xf32>
      %add3A_1250 = arith.addf %add3A_1244, %mul3A_1249 : vector<16xf32>
      %broadcast_in_dim3A_1251 = arith.constant 7 : i32
      %broadcast_in_dim3A_1252 = vector.broadcast %broadcast_in_dim3A_1251 : i32 to vector<16xi32>
      %gather3A_1253 = tpu.vector_load_idx %arg9[%iota3A, %broadcast_in_dim3A_1252, %and3A_1204] : memref<16x16x128xf32, #tpu.memory_space<vmem>>[vector<16xi32>, vector<16xi32>, vector<16xi32>], vector<16xf32>,
      %gather3A_1254 = tpu.vector_load_idx %arg10[%iota3A, %broadcast_in_dim3A_1252, %and3A_1207] : memref<16x16x128xf32, #tpu.memory_space<vmem>>[vector<16xi32>, vector<16xi32>, vector<16xi32>], vector<16xf32>,
      %mul3A_1255 = arith.mulf %gather3A_1253, %gather3A_1254 : vector<16xf32>
      %add3A_1256 = arith.addf %add3A_1250, %mul3A_1255 : vector<16xf32>
      %broadcast_in_dim3A_1257 = arith.constant 8 : i32
      %broadcast_in_dim3A_1258 = vector.broadcast %broadcast_in_dim3A_1257 : i32 to vector<16xi32>
      %gather3A_1259 = tpu.vector_load_idx %arg9[%iota3A, %broadcast_in_dim3A_1258, %and3A_1204] : memref<16x16x128xf32, #tpu.memory_space<vmem>>[vector<16xi32>, vector<16xi32>, vector<16xi32>], vector<16xf32>,
      %gather3A_1260 = tpu.vector_load_idx %arg10[%iota3A, %broadcast_in_dim3A_1258, %and3A_1207] : memref<16x16x128xf32, #tpu.memory_space<vmem>>[vector<16xi32>, vector<16xi32>, vector<16xi32>], vector<16xf32>,
      %mul3A_1261 = arith.mulf %gather3A_1259, %gather3A_1260 : vector<16xf32>
      %add3A_1262 = arith.addf %add3A_1256, %mul3A_1261 : vector<16xf32>
      %broadcast_in_dim3A_1263 = arith.constant 9 : i32
      %broadcast_in_dim3A_1264 = vector.broadcast %broadcast_in_dim3A_1263 : i32 to vector<16xi32>
      %gather3A_1265 = tpu.vector_load_idx %arg9[%iota3A, %broadcast_in_dim3A_1264, %and3A_1204] : memref<16x16x128xf32, #tpu.memory_space<vmem>>[vector<16xi32>, vector<16xi32>, vector<16xi32>], vector<16xf32>,
      %gather3A_1266 = tpu.vector_load_idx %arg10[%iota3A, %broadcast_in_dim3A_1264, %and3A_1207] : memref<16x16x128xf32, #tpu.memory_space<vmem>>[vector<16xi32>, vector<16xi32>, vector<16xi32>], vector<16xf32>,
      %mul3A_1267 = arith.mulf %gather3A_1265, %gather3A_1266 : vector<16xf32>
      %add3A_1268 = arith.addf %add3A_1262, %mul3A_1267 : vector<16xf32>
      %broadcast_in_dim3A_1269 = arith.constant 10 : i32
      %broadcast_in_dim3A_1270 = vector.broadcast %broadcast_in_dim3A_1269 : i32 to vector<16xi32>
      %gather3A_1271 = tpu.vector_load_idx %arg9[%iota3A, %broadcast_in_dim3A_1270, %and3A_1204] : memref<16x16x128xf32, #tpu.memory_space<vmem>>[vector<16xi32>, vector<16xi32>, vector<16xi32>], vector<16xf32>,
      %gather3A_1272 = tpu.vector_load_idx %arg10[%iota3A, %broadcast_in_dim3A_1270, %and3A_1207] : memref<16x16x128xf32, #tpu.memory_space<vmem>>[vector<16xi32>, vector<16xi32>, vector<16xi32>], vector<16xf32>,
      %mul3A_1273 = arith.mulf %gather3A_1271, %gather3A_1272 : vector<16xf32>
      %add3A_1274 = arith.addf %add3A_1268, %mul3A_1273 : vector<16xf32>
      %broadcast_in_dim3A_1275 = arith.constant 11 : i32
      %broadcast_in_dim3A_1276 = vector.broadcast %broadcast_in_dim3A_1275 : i32 to vector<16xi32>
      %gather3A_1277 = tpu.vector_load_idx %arg9[%iota3A, %broadcast_in_dim3A_1276, %and3A_1204] : memref<16x16x128xf32, #tpu.memory_space<vmem>>[vector<16xi32>, vector<16xi32>, vector<16xi32>], vector<16xf32>,
      %gather3A_1278 = tpu.vector_load_idx %arg10[%iota3A, %broadcast_in_dim3A_1276, %and3A_1207] : memref<16x16x128xf32, #tpu.memory_space<vmem>>[vector<16xi32>, vector<16xi32>, vector<16xi32>], vector<16xf32>,
      %mul3A_1279 = arith.mulf %gather3A_1277, %gather3A_1278 : vector<16xf32>
      %add3A_1280 = arith.addf %add3A_1274, %mul3A_1279 : vector<16xf32>
      %broadcast_in_dim3A_1281 = arith.constant 12 : i32
      %broadcast_in_dim3A_1282 = vector.broadcast %broadcast_in_dim3A_1281 : i32 to vector<16xi32>
      %gather3A_1283 = tpu.vector_load_idx %arg9[%iota3A, %broadcast_in_dim3A_1282, %and3A_1204] : memref<16x16x128xf32, #tpu.memory_space<vmem>>[vector<16xi32>, vector<16xi32>, vector<16xi32>], vector<16xf32>,
      %gather3A_1284 = tpu.vector_load_idx %arg10[%iota3A, %broadcast_in_dim3A_1282, %and3A_1207] : memref<16x16x128xf32, #tpu.memory_space<vmem>>[vector<16xi32>, vector<16xi32>, vector<16xi32>], vector<16xf32>,
      %mul3A_1285 = arith.mulf %gather3A_1283, %gather3A_1284 : vector<16xf32>
      %add3A_1286 = arith.addf %add3A_1280, %mul3A_1285 : vector<16xf32>
      %broadcast_in_dim3A_1287 = arith.constant 13 : i32
      %broadcast_in_dim3A_1288 = vector.broadcast %broadcast_in_dim3A_1287 : i32 to vector<16xi32>
      %gather3A_1289 = tpu.vector_load_idx %arg9[%iota3A, %broadcast_in_dim3A_1288, %and3A_1204] : memref<16x16x128xf32, #tpu.memory_space<vmem>>[vector<16xi32>, vector<16xi32>, vector<16xi32>], vector<16xf32>,
      %gather3A_1290 = tpu.vector_load_idx %arg10[%iota3A, %broadcast_in_dim3A_1288, %and3A_1207] : memref<16x16x128xf32, #tpu.memory_space<vmem>>[vector<16xi32>, vector<16xi32>, vector<16xi32>], vector<16xf32>,
      %mul3A_1291 = arith.mulf %gather3A_1289, %gather3A_1290 : vector<16xf32>
      %add3A_1292 = arith.addf %add3A_1286, %mul3A_1291 : vector<16xf32>
      %broadcast_in_dim3A_1293 = arith.constant 14 : i32
      %broadcast_in_dim3A_1294 = vector.broadcast %broadcast_in_dim3A_1293 : i32 to vector<16xi32>
      %gather3A_1295 = tpu.vector_load_idx %arg9[%iota3A, %broadcast_in_dim3A_1294, %and3A_1204] : memref<16x16x128xf32, #tpu.memory_space<vmem>>[vector<16xi32>, vector<16xi32>, vector<16xi32>], vector<16xf32>,
      %gather3A_1296 = tpu.vector_load_idx %arg10[%iota3A, %broadcast_in_dim3A_1294, %and3A_1207] : memref<16x16x128xf32, #tpu.memory_space<vmem>>[vector<16xi32>, vector<16xi32>, vector<16xi32>], vector<16xf32>,
      %mul3A_1297 = arith.mulf %gather3A_1295, %gather3A_1296 : vector<16xf32>
      %add3A_1298 = arith.addf %add3A_1292, %mul3A_1297 : vector<16xf32>
      %broadcast_in_dim3A_1299 = arith.constant 15 : i32
      %broadcast_in_dim3A_1300 = vector.broadcast %broadcast_in_dim3A_1299 : i32 to vector<16xi32>
      %gather3A_1301 = tpu.vector_load_idx %arg9[%iota3A, %broadcast_in_dim3A_1300, %and3A_1204] : memref<16x16x128xf32, #tpu.memory_space<vmem>>[vector<16xi32>, vector<16xi32>, vector<16xi32>], vector<16xf32>,
      %gather3A_1302 = tpu.vector_load_idx %arg10[%iota3A, %broadcast_in_dim3A_1300, %and3A_1207] : memref<16x16x128xf32, #tpu.memory_space<vmem>>[vector<16xi32>, vector<16xi32>, vector<16xi32>], vector<16xf32>,
      %mul3A_1303 = arith.mulf %gather3A_1301, %gather3A_1302 : vector<16xf32>
      %add3A_1304 = arith.addf %add3A_1298, %mul3A_1303 : vector<16xf32>
      %neg3A = arith.constant 0.000000e+00 : f32
      %neg3A_1305 = vector.broadcast %neg3A : f32 to vector<16xf32>
      %neg3A_1306 = arith.subf %neg3A_1305, %add3A_1304 : vector<16xf32>
      %exp3A = math.exp %neg3A_1306 : vector<16xf32>
      %add3A_1307 = arith.constant 1.000000e+00 : f32
      %add3A_1308 = vector.broadcast %add3A_1307 : f32 to vector<16xf32>
      %add3A_1309 = arith.addf %add3A_1308, %exp3A : vector<16xf32>
      %div3A = arith.constant 1.000000e+00 : f32
      %div3A_1310 = vector.broadcast %div3A : f32 to vector<16xf32>
      %div3A_1311 = arith.divf %div3A_1310, %add3A_1309 : vector<16xf32>
      %mul3A_1312 = arith.constant 16 : i32
      %mul3A_1313 = arith.muli %scan3A_8, %mul3A_1312 : i32
      %swap3A = arith.index_cast %mul3A_1313 : i32 to index
      %swap3A_1314 = tpu.vector_load %arg11[%swap3A] {strides = array<i32>} : memref<512xf32, #tpu.memory_space<vmem>>, vector<16xf32>,
      tpu.vector_store %arg11[%swap3A], %div3A_1311 {strides = array<i32>} : memref<512xf32, #tpu.memory_space<vmem>>, vector<16xf32>,
    }
    %scan3A_7 = arith.constant 32 : i32
    "tpu.region"() ({
      %run_scoped3A = tpu.sem_alloc : memref<!tpu.dma_semaphore, #tpu.memory_space<semaphore_mem>>
      %dma_start3A = tpu.memref_slice %arg6[%mul3A_2] : memref<16384xf32, #tpu.memory_space<hbm>> -> memref<512xf32, #tpu.memory_space<hbm>>
      %dma_start3A_8 = tpu.memref_slice %arg6[%mul3A_2] : memref<16384xf32, #tpu.memory_space<hbm>> -> memref<512xf32, #tpu.memory_space<hbm>>
      tpu.enqueue_dma source(%arg11 : memref<512xf32, #tpu.memory_space<vmem>>) target(%dma_start3A_8 : memref<512xf32, #tpu.memory_space<hbm>>) target_semaphore(%run_scoped3A : memref<!tpu.dma_semaphore, #tpu.memory_space<semaphore_mem>>)
      %dma_wait3A = tpu.memref_slice %arg6[%mul3A_2] : memref<16384xf32, #tpu.memory_space<hbm>> -> memref<512xf32, #tpu.memory_space<hbm>>
      %dma_wait3A_9 = tpu.memref_slice %arg6[%mul3A_2] : memref<16384xf32, #tpu.memory_space<hbm>> -> memref<512xf32, #tpu.memory_space<hbm>>
      tpu.wait_dma2 semaphore(%run_scoped3A : memref<!tpu.dma_semaphore, #tpu.memory_space<semaphore_mem>>) src(%arg11 : memref<512xf32, #tpu.memory_space<vmem>>) dst(%dma_wait3A_9 : memref<512xf32, #tpu.memory_space<hbm>>)
      tpu.yield
    }) : () -> ()
    return
  }
}

</mosaic_0001>

<sc_bundles>
// kernel: kernel.3.cloned.1.call-start
scs
__scs_entry_jumppad:
0x0: {  	(pc) =	sbr.rel $0x88, $3  }
0x1: {  	(tag) =	ssettag $0x0;
	lr =	simm.s32 $0x1  }
0x2: {  	[smem:$0x3F9D] =	sst lr;
	_ =	strace $0xD0000000  }
0x3: {  	_ = 	snop  }
0x4: {  	_ = 	snop  }
0x5: {  	_ = 	snop  }
0x6: {  	_ = 	snop  }
0x7: {  	_ = 	snop  }
__scs_overlays_trampoline_lowered:
0x8: {  	[smem:$0x3FAC] =	sst s0  }
0x9: {  	[smem:$0x3FAD] =	sst s1  }
0xa: {  	[smem:$0x3FAE] =	sst s2  }
0xb: {  	[smem:$0x3FAF] =	sst s3  }
0xc: {  	[smem:$0x3FB0] =	sst s4  }
0xd: {  	[smem:$0x3FB1] =	sst s5  }
0xe: {  	[smem:$0x3FB2] =	sst s6  }
0xf: {  	[smem:$0x3FB3] =	sst s7  }
0x10: {  	[smem:$0x3FB4] =	sst s8  }
0x11: {  	[smem:$0x3FB5] =	sst s9;
	s0 =	simm.s32 @!p0 $0x0  }
0x12: {  	s1 =	sld [smem:$0x3F9B];
	s0 =	simm.s32 @p0 $0x1  }
0x13: {  	[smem:$0x3FB6] =	sst s0;
	s0 =	simm.s32 @!p1 $0x0  }
0x14: {  	s2 =	sld [smem:$0x3F9A];
	s0 =	simm.s32 @p1 $0x1  }
0x15: {  	[smem:$0x3FB7] =	sst s0;
	s0 =	simm.s32 @!p2 $0x0  }
0x16: {  	s3 =	sld [smem:$0x3FDB];
	s0 =	simm.s32 @p2 $0x1  }
0x17: {  	s4 =	simm.s32 $0x1BF5;
	[smem:$0x3FB9] =	sst s0  }
0x18: {  	s0 =	sld [smem:$0x3F9C];
	_ =	swait.ge [sflag:s4], $0x0  }
0x19: {  	s7 =	sld [smem:$0x3F9D]  }
0x1a: {  	s8 =	sadd.s32 $0xFFFFE003, lr  }
0x1b: {  	s9 =	sadd.s32 $0xFFFFFEF7, lr;
	s5 =	simm.s32 $0xFFFFFFFF;
	p2 =	slt.u32 s8, $0xFFFFF086  }
0x1c: {  	p1 =	slt.u32 s9, $0xF7A;
	s5 =	simm.s32 @!p2 $0x0  }
0x1d: {  	s5 =	simm.s32 @p1 $0x1;
	p0 =	seq.s32 s7, s2  }
0x1e: {  	s7 =	smul.u32 @!p0 $0xF7A, s2;
	p2 =	seq.s32 @!p0 s5, $0x0  }
0x1f: {  	s9 =	smul.u32 $0xF7A, s1;
	s8 =	simm.s32 @!p0 $0x1BF5;
	p2 =	por !p2, p0  }
0x20: {  	[sflag:s8] =	ssyncset.s32 @!p0 $0xFFFFF086;
	s6 =	sadd.s32 @!p0 s3, s7;
	s7 =	simm.s32 @!p0 $0x108  }
0x21: {  	s3 =	sadd.s32 s3, s9;
	s6 =	sadd.s32 @!p0 $0x88, s6;
	s7 =	simm.s32 @p2 $0x1082  }
0x22: {  	[simem:s7], [sflag:s8] =	dma.local @!p0 [hbm:s6], $0xF7A  }
0x23: {  	s9 =	sor.u32 $0xD0000000, s2;
	s6 =	simm.s32 $0x108;
	_ =	swait.ge @!p0 [sflag:s8], $0x0  }
0x24: {  	s3 =	sadd.s32 $0x88, s3;
	s6 =	simm.s32 @!p1 $0x1082;
	[sflag:s4] =	ssyncset.s32 $0xFFFFF086  }
0x25: {  	[simem:s6], [sflag:s4] =	dma.local [hbm:s3], $0xF7A  }
0x26: {  	[smem:$0x3F9D] =	sst s1;
	(tag) =	ssettag s2;
	_ =	strace s9  }
0x27: {  	s1 =	sld [smem:$0x3FAD]  }
0x28: {  	s2 =	sld [smem:$0x3FAE]  }
0x29: {  	s4 =	sld [smem:$0x3FB0]  }
0x2a: {  	p0 =	seq.s32 s5, $0x0;
	s5 =	sld [smem:$0x3FB1]  }
0x2b: {  	s6 =	sld [smem:$0x3FB2]  }
0x2c: {  	s7 =	sld [smem:$0x3FB3]  }
0x2d: {  	s3 =	simm.s32 $0x108;
	s8 =	sld [smem:$0x3FB4]  }
0x2e: {  	s3 =	simm.s32 @!p0 $0x1082;
	s9 =	sld [smem:$0x3FB5]  }
0x2f: {  	lr =	sadd.s32 s0, s3;
	s0 =	sld [smem:$0x3FAC]  }
0x30: {  	s3 =	sld [smem:$0x3FAF]  }
0x31: {  	[smem:$0x3FB8] =	sst s10  }
0x32: {  	s10 =	sld [smem:$0x3FB6];
	_ =	sdelay $0x3  }
0x33: {  	p0 =	seq.s32 s10, $0x1;
	s10 =	sld [smem:$0x3FB8];
	_ =	sdelay $0x3  }
0x34: {  	[smem:$0x3FB8] =	sst s10  }
0x35: {  	s10 =	sld [smem:$0x3FB7];
	_ =	sdelay $0x3  }
0x36: {  	p1 =	seq.s32 s10, $0x1;
	s10 =	sld [smem:$0x3FB8];
	_ =	sdelay $0x3  }
0x37: {  	[smem:$0x3FB8] =	sst s10  }
0x38: {  	s10 =	sld [smem:$0x3FB9]  }
0x39: {  	_ = 	snop;
	(pc) =	sbr.ind lr, $3  }
0x3a: {  	_ = 	snop  }
0x3b: {  	_ = 	snop  }
0x3c: {  	p2 =	seq.s32 s10, $0x1;
	s10 =	sld [smem:$0x3FB8]  }
0x3d: {  	_ =	shalt  }
0x3e: {  	_ =	shalt  }
0x3f: {  	_ =	shalt  }
0x40: {  	_ =	shalt  }
0x41: {  	_ =	shalt  }
0x42: {  	_ =	shalt  }
0x43: {  	_ =	shalt  }
0x44: {  	_ =	shalt  }
0x45: {  	_ =	shalt  }
0x46: {  	_ =	shalt  }
0x47: {  	_ =	shalt  }
0x48: {  	_ =	shalt  }
0x49: {  	_ =	shalt  }
0x4a: {  	_ =	shalt  }
0x4b: {  	_ =	shalt  }
0x4c: {  	_ =	shalt  }
0x4d: {  	_ =	shalt  }
0x4e: {  	_ =	shalt  }
0x4f: {  	_ =	shalt  }
0x50: {  	_ =	shalt  }
0x51: {  	_ =	shalt  }
0x52: {  	_ =	shalt  }
0x53: {  	_ =	shalt  }
0x54: {  	_ =	shalt  }
0x55: {  	_ =	shalt  }
0x56: {  	_ =	shalt  }
0x57: {  	_ =	shalt  }
0x58: {  	_ =	shalt  }
0x59: {  	_ =	shalt  }
0x5a: {  	_ =	shalt  }
0x5b: {  	_ =	shalt  }
0x5c: {  	_ =	shalt  }
0x5d: {  	_ =	shalt  }
0x5e: {  	_ =	shalt  }
0x5f: {  	_ =	shalt  }
0x60: {  	_ =	shalt  }
0x61: {  	_ =	shalt  }
0x62: {  	_ =	shalt  }
0x63: {  	_ =	shalt  }
0x64: {  	_ =	shalt  }
0x65: {  	_ =	shalt  }
0x66: {  	_ =	shalt  }
0x67: {  	_ =	shalt  }
0x68: {  	_ =	shalt  }
0x69: {  	_ =	shalt  }
0x6a: {  	_ =	shalt  }
0x6b: {  	_ =	shalt  }
0x6c: {  	_ =	shalt  }
0x6d: {  	_ =	shalt  }
0x6e: {  	_ =	shalt  }
0x6f: {  	_ =	shalt  }
0x70: {  	_ =	shalt  }
0x71: {  	_ =	shalt  }
0x72: {  	_ =	shalt  }
0x73: {  	_ =	shalt  }
0x74: {  	_ =	shalt  }
0x75: {  	_ =	shalt  }
0x76: {  	_ =	shalt  }
0x77: {  	_ =	shalt  }
0x78: {  	_ =	shalt  }
0x79: {  	_ =	shalt  }
0x7a: {  	_ =	shalt  }
0x7b: {  	_ =	shalt  }
0x7c: {  	_ =	shalt  }
0x7d: {  	_ =	shalt  }
0x7e: {  	_ =	shalt  }
0x7f: {  	_ =	shalt  }
0x80: {  	_ =	shalt  }
0x81: {  	_ =	shalt  }
0x82: {  	_ =	shalt  }
0x83: {  	_ =	shalt  }
0x84: {  	_ =	shalt  }
0x85: {  	_ =	shalt  }
0x86: {  	_ =	shalt  }
0x87: {  	_ =	shalt  }
.Lfunc_end0:
.L_simem_size_0:
called_computation_lowered:
.L_overlay_start_0:
0x88: {  	s2 =	sld [smem:$0x3FD9]  }
0x89: {  	s3 =	sld [smem:$0x3FFE];
	_ =	sdelay $0x1  }
0x8a: {  	s1 =	srdreg.scid  }
0x8b: {  	s0 =	sand.u32 $0x1, s1  }
0x8c: {  	s18 =	sshll.u32 s0, $0xA;
	s2 =	sadd.s32 s3, s2  }
0x8d: {  	s2 =	sadd.s32 s2, s18  }
0x8e: {  	[smem:$0x3FC4] =	sst s2  }
0x8f: {  	_ = 	snop  }
0x90: {  	s2 =	sld [smem:$0x3FC9]  }
0x91: {  	s19 =	sld [smem:$0x3FC8]  }
0x92: {  	s4 =	sld [smem:$0x3FC7]  }
0x93: {  	s5 =	sld [smem:$0x3FC6]  }
0x94: {  	s6 =	sld [smem:$0x3FD0];
	(tm) =	ssettm $0x1  }
0x95: {  	s7 =	sld [smem:$0x3FFB];
	_ =	sdelay $0x3  }
0x96: {  	_ =	strace s7  }
0x97: {  	s7 =	sld [smem:$0x3FFC];
	_ =	sdelay $0x3  }
0x98: {  	_ =	strace s7  }
0x99: {  	s7 =	sld [smem:$0x3FFD];
	_ =	sdelay $0x3  }
0x9a: {  	_ =	strace s7  }
0x9b: {  	_ =	strace $0x8FFFFFFF  }
0x9c: {  	s20 =	sld [smem:$0x3FDB];
	_ =	sdelay $0x1  }
0x9d: {  	s8 =	simm.s32 $_scs_section_size  }
0x9e: {  	s9 =	simm.s32 $_size__tile_overlayer_lowered;
	s10 =	simm.s32 $_tile_overlayer_lowered  }
0x9f: {  	s23 =	simm.s32 $0x1BFF;
	s22 =	sshll.u32 s10, $0x1;
	s7 =	sadd.s32 s8, s20  }
0xa0: {  	s11 =	simm.s32 $0x0;
	s21 =	sshll.u32 s9, $0x1;
	s9 =	sadd.s32 s22, s7  }
0xa1: {  	[timem:s11], [sflag:s23] =	dma.local [hbm:s9], s21  }
0xa2: {  	_ =	swait.ge [sflag:s23], s21  }
0xa3: {  	s8 =	ssub.s32 $0x0, s21;
	[sflag:s23] =	ssyncset.done $0x0  }
0xa4: {  	[sflag:s23] =	ssyncadd.s32 s8;
	_ =	sdelay $0x1  }
0xa5: {  	s24 =	simm.s32 $0x1B8B  }
0xa6: {  	_ =	swait.ge [sflag:s24], $0x1  }
0xa7: {  	[sflag:s24] =	ssyncset.done $0x0  }
0xa8: {  	s25 =	simm.s32 $0x1B8E;
	[sflag:s24] =	ssyncadd.s32 $0xFFFFFFFF  }
0xa9: {  	s26 =	simm.s32 $execute0_lowered;
	[smem:$0x3FD2] =	sst s25  }
0xaa: {  	s8 =	sshll.u32 s26, $0x1;
	_ =	strace $0x80000046;
	[dreg:$0x1] =	wrdreg $0xFFFFFFFF  }
0xab: {  	s28 =	simm.s32 $_size_execute0_lowered;
	s7 =	sadd.s32 s7, s8;
	[dreg:$0x0] =	wrdreg $0x0  }
0xac: {  	s8 =	sshll.u32 s28, $0x1;
	[dreg:$0x2] =	wrdreg s7  }
0xad: {  	[dreg:$0x3] =	wrdreg s8  }
0xae: {  	[dreg:$0x4] =	wrdreg $0xC0  }
0xaf: {  	_ =	task [dreg:s11], $0x5FFFF  }
0xb0: {  	[dreg:$0x1] =	wrdreg $0xFFFFFFFF  }
0xb1: {  	[dreg:$0x0] =	wrdreg $0x60  }
0xb2: {  	[dreg:$0x2] =	wrdreg s2  }
0xb3: {  	[dreg:$0x3] =	wrdreg s19  }
0xb4: {  	[dreg:$0x4] =	wrdreg s4  }
0xb5: {  	[dreg:$0x5] =	wrdreg s5  }
0xb6: {  	[dreg:$0x6] =	wrdreg s6  }
0xb7: {  	[dreg:$0x7] =	wrdreg $0x9  }
0xb8: {  	_ =	task.clear_ibuf [dreg:s11], $0x8FFFF;
	_ =	strace $0x90000046  }
0xb9: {  	s29 =	simm.s32 $0x9;
	_ =	strace $0x80000048  }
0xba: {  	_ =	swait.ge [sflag:s29], $0x1  }
0xbb: {  	[sflag:s29] =	ssyncadd.s32 $0xFFFFFFFF  }
0xbc: {  	_ =	strace $0x90000048  }
0xbd: {  	_ =	sfence  }
0xbe: {  	s30 =	sld [smem:$0x0];
	_ =	sdelay $0x2  }
0xbf: {  	s31 =	sshll.u32 s1, $0xD;
	s1 =	sshrl.u32 s1, $0x2  }
0xc0: {  	s3 =	sand.u32 $0x4000, s31;
	s1 =	sadd.s32 s1, s30  }
0xc1: {  	s0 =	sor.u32 s3, s0;
	s1 =	sshll.u32 s1, $0x11  }
0xc2: {  	s0 =	sor.u32 s1, s0  }
0xc3: {  	s0 =	sadd.s32 $0x8F2B, s0  }
0xc4: {  	[sflag:s0] =	ssyncadd.remote.s32 $0x1  }
0xc5: {  	_ =	sfence.sel $0xFFFF  }
0xc6: {  	[dreg:$0x0] =	wrdreg $0xFFFFFFFF;
	(pc) =	sbr.abs _section_cstart, $3  }
0xc7: {  	[dreg:$0x1] =	wrdreg $0xFFFFFFFF  }
0xc8: {  	_ =	task.clear_ibuf [dreg:s11], $0x2FFFF;
	_ =	strace $0x9FFFFFFF  }
0xc9: {  	(tm) =	ssettm $0x7FFFFFFF  }
tec
execute0_lowered:
.L_overlay_start_1:
0x0: {  	(tag) =	ssettag $0x1  }
0x1: {  	s4 =	rddreg [dreg:$0x0]  }
0x2: {  	s3 =	rddreg [dreg:$0x1]  }
0x3: {  	s0 =	rddreg [dreg:$0x4];
	s1 =	simm.s32 $0x0  }
0x4: {  	s5 =	simm.s32 $0xC00;
	[smem:$0x7FF] =	sst s1  }
0x5: {  	s24 =	simm.s32 $0x8C00;
	_ =	strace $0x80000047;
	[dreg:$0x6] =	wrdreg s5  }
0x6: {  	s25 =	simm.s32 $0x1400;
	[dreg:$0x7] =	wrdreg s24  }
0x7: {  	s26 =	simm.s32 $0x9400;
	[dreg:$0x8] =	wrdreg s25  }
0x8: {  	s28 =	simm.s32 $0x1C00;
	[dreg:$0x9] =	wrdreg s26  }
0x9: {  	s29 =	simm.s32 $0x9C00;
	[dreg:$0xa] =	wrdreg s28  }
0xa: {  	s30 =	simm.s32 $0x2400;
	[dreg:$0xb] =	wrdreg s29  }
0xb: {  	s31 =	simm.s32 $0xA400;
	[dreg:$0xc] =	wrdreg s30  }
0xc: {  	s2 =	simm.s32 $0x2C00;
	[dreg:$0xd] =	wrdreg s31  }
0xd: {  	s6 =	simm.s32 $0xAC00;
	[dreg:$0xe] =	wrdreg s2  }
0xe: {  	s7 =	simm.s32 $0x3400;
	[dreg:$0xf] =	wrdreg s6  }
0xf: {  	s8 =	simm.s32 $0xB400;
	[dreg:$0x10] =	wrdreg s7  }
0x10: {  	s9 =	simm.s32 $0x3C00;
	[dreg:$0x11] =	wrdreg s8  }
0x11: {  	s10 =	simm.s32 $0xBC00;
	[dreg:$0x12] =	wrdreg s9  }
0x12: {  	s11 =	simm.s32 $0x4400;
	[dreg:$0x13] =	wrdreg s10  }
0x13: {  	s12 =	simm.s32 $0xC400;
	[dreg:$0x14] =	wrdreg s11  }
0x14: {  	s13 =	simm.s32 $0x4C00;
	[dreg:$0x15] =	wrdreg s12  }
0x15: {  	s14 =	simm.s32 $0xCC00;
	[dreg:$0x16] =	wrdreg s13  }
0x16: {  	s15 =	simm.s32 $0x5400;
	[dreg:$0x17] =	wrdreg s14  }
0x17: {  	s17 =	simm.s32 $0xD400;
	[dreg:$0x18] =	wrdreg s15  }
0x18: {  	s18 =	simm.s32 $0x5C00;
	[dreg:$0x19] =	wrdreg s17  }
0x19: {  	s19 =	simm.s32 $0xDC00;
	[dreg:$0x1a] =	wrdreg s18  }
0x1a: {  	s21 =	simm.s32 $0x6400;
	s6 =	srdreg.scid;
	[dreg:$0x1b] =	wrdreg s19  }
0x1b: {  	s23 =	simm.s32 $0xE400;
	s2 =	stileid.u32;
	[dreg:$0x1c] =	wrdreg s21  }
0x1c: {  	vm0 =	vmmov $0x1;
	vm1 =	vcmask $0x308;
	vm2 =	vcmask $0x70C;
	[dreg:$0x1d] =	wrdreg s23;
	s24 =	simm.s32 $0x6C00;
	s26 =	simm.s32 $0xEC00  }
0x1d: {  	vm3 =	vcmask $0xB10;
	vm4 =	vcmask $0xF14;
	vm5 =	vcmask $0x1318;
	s28 =	simm.s32 $0x7400;
	s29 =	simm.s32 $0xF400;
	[dreg:$0x1e] =	wrdreg s24  }
0x1e: {  	vm6 =	vcmask $0x171C;
	vm7 =	vcmask $0x1B20;
	vm8 =	vcmask $0x1F24;
	s30 =	simm.s32 $0x7C00;
	s12 =	simm.s32 $0x400;
	[dreg:$0x1f] =	wrdreg s26  }
0x1f: {  	vm9 =	vcmask $0x2328;
	vm10 =	vcmask $0x272C;
	v0 =	vlaneseq.u32;
	s6 =	sand.u32 $0x1, s6;
	s16 =	sshll.u32 s2, $0x7;
	[smem:$0x7FA] =	sst s28  }
0x20: {  	vm11 =	vcmask $0x2B30;
	vm12 =	vcmask $0x2F34;
	v0 =	vmul.u32 $0x800, v0;
	[smem:$0x7FB] =	sst s29;
	s7 =	ssub.s32 $0x2, s6;
	s6 =	sshll.u32 s6, $0x6  }
0x21: {  	vm13 =	vcmask $0x3338;
	vm14 =	vcmask $0x373C;
	vm15 =	vmmov $0x7fff;
	s31 =	simm.s32 $0xFC00;
	[smem:$0x7FC] =	sst s30;
	s6 =	sor.u32 s6, s16  }
0x22: {  	s14 =	simm.s32 $0x1;
	v1 =	vor.u32 $0x80, v0;
	v2 =	vor.u32 $0x100, v0;
	v3 =	vor.u32 $0x180, v0;
	[smem:$0x7FD] =	sst s31;
	s20 =	sadd.s32 s4, s6  }
0x23: {  	v4 =	vor.u32 $0x200, v0;
	v5 =	vor.u32 $0x280, v0;
	v6 =	vor.u32 $0x300, v0;
	s8 =	sshrl.u32 s7, $0x1;
	s22 =	sadd.s32 s3, s6;
	[smem:$0x7F6] =	sst s20  }
0x24: {  	v7 =	vor.u32 $0x380, v0;
	v8 =	vor.u32 $0x400, v0;
	v9 =	vor.u32 $0x480, v0;
	s7 =	ssub.s32 s7, s8;
	s0 =	sadd.s32 s0, s6;
	[smem:$0x7F7] =	sst s22  }
0x25: {  	s15 =	simm.s32 $0x2;
	v10 =	vor.u32 $0x500, v0;
	v11 =	vor.u32 $0x580, v0;
	v12 =	vor.u32 $0x600, v0;
	[smem:$0x7F8] =	sst s0;
	s25 =	smax.u32 s7, $0x1  }
0x26: {  	s2 =	simm.s32 $0x3;
	v13 =	vor.u32 $0x680, v0;
	v14 =	vor.u32 $0x700, v0;
	v15 =	vor.u32 $0x780, v0;
	s3 =	simm.s32 $0x0;
	[smem:$0x7F9] =	sst s25  }
.LBB2_1:
0x27: {  	s0 =	sld [smem:$0x7F6];
	_ =	sdelay $0x1  }
0x28: {  	[smem:$0x7F4] =	sst s3  }
0x29: {  	[tilespmem:s1], [sflag:$0x3] =	stream.linear.gather [hbm4b:s0+s1], $0x200, $0x38;
	[tilespmem:$0x10600] =	vst v63  }
0x2a: {  	_ =	swait.ge [sflag:s2], $0x200  }
0x2b: {  	s23 =	sld [smem:$0x7F7]  }
0x2c: {  	[sflag:s2] =	ssyncset.done $0x0  }
0x2d: {  	s24 =	simm.s32 $0x200;
	[sflag:s2] =	ssyncadd.s32 $0xFFFFFE00  }
0x2e: {  	[tilespmem:s24], [sflag:$0x3] =	stream.linear.gather [hbm4b:s23+s1], $0x200, $0x38;
	[tilespmem:$0x10600] =	vst v63  }
0x2f: {  	_ =	swait.ge [sflag:s2], $0x200  }
0x30: {  	[sflag:s2] =	ssyncset.done $0x0  }
0x31: {  	s25 =	simm.s32 $0x0;
	[sflag:s2] =	ssyncadd.s32 $0xFFFFFE00  }
0x32: {  	v17 =	vld [tilespmem:s25+$0x0];
	_ =	sdelay $0x1  }
0x33: {  	v16 =	vld [tilespmem:s25+$0x200];
	_ =	sdelay $0x2  }
0x34: {  	v19 =	vand.u32 $0xFFFFFF80, v17  }
0x35: {  	v20 =	vnsel vm0, $0x0, v19  }
0x36: {  	v18 =	vand.u32 $0xFFFFFF80, v16;
	v21 =	vsel vm1, $0x0, v19;
	(xrf0) =	vadd.scan.msk.s32 $0xffff, v20  }
0x37: {  	v20 =	vnsel vm0, $0x0, v18;
	(xrf0) =	vadd.scan.msk.s32 $0xffff, v21  }
0x38: {  	(xrf0) =	vadd.scan.msk.s32 $0xffff, v20  }
0x39: {  	v21 =	vsel vm1, $0x0, v18  }
0x3a: {  	(xrf0) =	vadd.scan.msk.s32 $0xffff, v21;
	_ =	sdelay $0x1  }
0x3b: {  	v20, _, _ =	vpop (xrf0)  }
0x3c: {  	(v2sf) =	vpush v20, $0xF;
	v20, _, _ =	vpop (xrf0)  }
0x3d: {  	v21 =	vsel vm2, $0x0, v19;
	v22, _, _ =	vpop (xrf0);
	(v2sf) =	vpush v20, $0xF  }
0x3e: {  	s26 =	simm.s32 $0x0;
	(xrf0) =	vadd.scan.msk.s32 $0xffff, v21;
	(v2sf) =	vpush v22, $0xF  }
0x3f: {  	[smem:$0x7F5] =	sst s26;
	v21 =	vsel vm2, $0x0, v18;
	v20, _, _ =	vpop (xrf0)  }
0x40: {  	s0 =	sld [smem:$0x7FA];
	(xrf0) =	vadd.scan.msk.s32 $0xffff, v21;
	(v2sf) =	vpush v20, $0xF;
	v20 =	vsel vm3, $0x0, v19  }
0x41: {  	s4 =	rddreg [dreg:$0x1f];
	(xrf0) =	vadd.scan.msk.s32 $0xffff, v20  }
0x42: {  	s5 =	rddreg [dreg:$0x1e];
	v20 =	vsel vm3, $0x0, v18  }
0x43: {  	s6 =	rddreg [dreg:$0x1c];
	(xrf0) =	vadd.scan.msk.s32 $0xffff, v20;
	v20 =	vsel vm4, $0x0, v19  }
0x44: {  	s7 =	rddreg [dreg:$0x1b];
	v21, _, _ =	vpop (xrf0);
	(xrf0) =	vadd.scan.msk.s32 $0xffff, v20;
	v20 =	vsel vm4, $0x0, v18  }
0x45: {  	s8 =	rddreg [dreg:$0x1a];
	(v2sf) =	vpush v21, $0xF  }
0x46: {  	s10 =	rddreg [dreg:$0x19];
	v21, _, _ =	vpop (xrf0)  }
0x47: {  	s16 =	rddreg [dreg:$0x18];
	(xrf0) =	vadd.scan.msk.s32 $0xffff, v20;
	(v2sf) =	vpush v21, $0xF;
	v20, _, _ =	vpop (xrf0)  }
0x48: {  	s3 =	rddreg [dreg:$0x17];
	(v2sf) =	vpush v20, $0xF  }
0x49: {  	s19 =	rddreg [dreg:$0x16];
	v22 =	vsel vm5, $0x0, v19  }
0x4a: {  	s22 =	rddreg [dreg:$0x10];
	(xrf0) =	vadd.scan.msk.s32 $0xffff, v22;
	v20 =	vsel vm5, $0x0, v18  }
0x4b: {  	s11 =	simm.s32 $0x7A1400;
	s17 =	rddreg [dreg:$0xd];
	v22 =	vsel vm6, $0x0, v19;
	v21, _, _ =	vpop (xrf0);
	(xrf0) =	vadd.scan.msk.s32 $0xffff, v20;
	s20 =	spop (v2sf)  }
0x4c: {  	s13 =	simm.s32 $0x8400;
	s24 =	rddreg [dreg:$0xa];
	(v2sf) =	vpush v21, $0xF;
	v20 =	vsel vm6, $0x0, v18;
	(xrf0) =	vadd.scan.msk.s32 $0xffff, v22;
	s23 =	spop (v2sf)  }
0x4d: {  	s1 =	rddreg [dreg:$0x2];
	v21, _, _ =	vpop (xrf0);
	v22 =	vsel vm7, $0x0, v19;
	(xrf0) =	vadd.scan.msk.s32 $0xffff, v20;
	v20 =	vsel vm7, $0x0, v18;
	s20 =	sand.u32 $0xFFFFF80, s20;
	s25 =	spop (v2sf)  }
0x4e: {  	s2 =	rddreg [dreg:$0x3];
	(v2sf) =	vpush v21, $0xF;
	(xrf0) =	vadd.scan.msk.s32 $0xffff, v22;
	v21, _, _ =	vpop (xrf0);
	s20 =	sadd.s32 s1, s20;
	s25 =	sand.u32 $0xFFFFF80, s25  }
0x4f: {  	(v2sf) =	vpush v21, $0xF;
	[tilespmem:s12], [sflag:$0x1] =	stream.strided.gather [hbm4b:s20+s12], $0x800, s11, s12, $0x38;
	[tilespmem:$0x10600] =	vst v63  }
0x50: {  	(xrf0) =	vadd.scan.msk.s32 $0xffff, v20;
	v20, _, _ =	vpop (xrf0);
	s23 =	sand.u32 $0xFFFFF80, s23;
	s26 =	spop (v2sf);
	s25 =	sadd.s32 s2, s25  }
0x51: {  	v21 =	vsel vm8, $0x0, v19;
	(v2sf) =	vpush v20, $0xF;
	[tilespmem:s13], [sflag:$0x2] =	stream.strided.gather [hbm4b:s25+s12], $0x800, s11, s12, $0x38;
	[tilespmem:$0x10600] =	vst v63  }
0x52: {  	s28 =	rddreg [dreg:$0x6];
	(xrf0) =	vadd.scan.msk.s32 $0xffff, v21;
	v21 =	vsel vm8, $0x0, v18;
	v20, _, _ =	vpop (xrf0);
	s23 =	sadd.s32 s1, s23;
	s26 =	sand.u32 $0xFFFFF80, s26  }
0x53: {  	(v2sf) =	vpush v20, $0xF;
	v20, _, _ =	vpop (xrf0);
	[tilespmem:s28], [sflag:$0x1] =	stream.strided.gather [hbm4b:s23+s12], $0x800, s11, s12, $0x38;
	[tilespmem:$0x10600] =	vst v63  }
0x54: {  	(xrf0) =	vadd.scan.msk.s32 $0xffff, v21;
	s25 =	rddreg [dreg:$0x7];
	(v2sf) =	vpush v20, $0xF;
	s20 =	spop (v2sf);
	s28 =	sadd.s32 s2, s26  }
0x55: {  	v21, _, _ =	vpop (xrf0);
	[tilespmem:s25], [sflag:$0x2] =	stream.strided.gather [hbm4b:s28+s12], $0x800, s11, s12, $0x38;
	[tilespmem:$0x10600] =	vst v63  }
0x56: {  	v20, _, _ =	vpop (xrf0);
	s26 =	rddreg [dreg:$0x8];
	(v2sf) =	vpush v21, $0xF;
	v21 =	vsel vm9, $0x0, v19;
	s20 =	sand.u32 $0xFFFFF80, s20;
	s28 =	spop (v2sf)  }
0x57: {  	v22, _, _ =	vpop (xrf0);
	s20 =	sadd.s32 s1, s20;
	s25 =	sand.u32 $0xFFFFF80, s28;
	s28 =	spop (v2sf)  }
0x58: {  	(v2sf) =	vpush v22, $0xF;
	[tilespmem:s26], [sflag:$0x1] =	stream.strided.gather [hbm4b:s20+s12], $0x800, s11, s12, $0x38;
	[tilespmem:$0x10600] =	vst v63  }
0x59: {  	s23 =	rddreg [dreg:$0x9];
	(xrf0) =	vadd.scan.msk.s32 $0xffff, v21;
	v21, _, _ =	vpop (xrf0);
	s25 =	sadd.s32 s2, s25;
	s20 =	sand.u32 $0xFFFFF80, s28  }
0x5a: {  	v22 =	vsel vm9, $0x0, v18;
	(v2sf) =	vpush v21, $0xF;
	[tilespmem:s23], [sflag:$0x2] =	stream.strided.gather [hbm4b:s25+s12], $0x800, s11, s12, $0x38;
	[tilespmem:$0x10600] =	vst v63  }
0x5b: {  	(xrf0) =	vadd.scan.msk.s32 $0xffff, v22;
	v21, _, _ =	vpop (xrf0);
	s26 =	spop (v2sf);
	s23 =	rddreg [dreg:$0xb];
	s20 =	sadd.s32 s1, s20  }
0x5c: {  	(v2sf) =	vpush v21, $0xF;
	[tilespmem:s24], [sflag:$0x1] =	stream.strided.gather [hbm4b:s20+s12], $0x800, s11, s12, $0x38;
	[tilespmem:$0x10600] =	vst v63  }
0x5d: {  	v22 =	vsel vm10, $0x0, v19;
	s28 =	spop (v2sf);
	s20 =	rddreg [dreg:$0xc];
	s24 =	sand.u32 $0xFFFFF80, s26  }
0x5e: {  	(xrf0) =	vadd.scan.msk.s32 $0xffff, v22;
	(v2sf) =	vpush v20, $0xF;
	v20 =	vsel vm10, $0x0, v18;
	s26 =	spop (v2sf);
	s25 =	sand.u32 $0xFFFFF80, s28;
	s24 =	sadd.s32 s2, s24  }
0x5f: {  	[tilespmem:s23], [sflag:$0x2] =	stream.strided.gather [hbm4b:s24+s12], $0x800, s11, s12, $0x38;
	[tilespmem:$0x10600] =	vst v63  }
0x60: {  	(xrf0) =	vadd.scan.msk.s32 $0xffff, v20;
	s26 =	sand.u32 $0xFFFFF80, s26;
	s25 =	sadd.s32 s1, s25;
	s28 =	spop (v2sf)  }
0x61: {  	v21 =	vsel vm11, $0x0, v19;
	v20, _, _ =	vpop (xrf0);
	[tilespmem:s20], [sflag:$0x1] =	stream.strided.gather [hbm4b:s25+s12], $0x800, s11, s12, $0x38;
	[tilespmem:$0x10600] =	vst v63  }
0x62: {  	(xrf0) =	vadd.scan.msk.s32 $0xffff, v21;
	v21 =	vsel vm11, $0x0, v18;
	s23 =	sadd.s32 s2, s26;
	(v2sf) =	vpush v20, $0xF;
	v20, _, _ =	vpop (xrf0);
	s24 =	spop (v2sf);
	s20 =	rddreg [dreg:$0xe]  }
0x63: {  	(xrf0) =	vadd.scan.msk.s32 $0xffff, v21;
	v21 =	vsel vm12, $0x0, v19;
	s28 =	sand.u32 $0xFFFFF80, s28;
	(v2sf) =	vpush v20, $0xF;
	s25 =	spop (v2sf);
	s24 =	sand.u32 $0xFFFFF80, s24  }
0x64: {  	v20, _, _ =	vpop (xrf0);
	[tilespmem:s17], [sflag:$0x2] =	stream.strided.gather [hbm4b:s23+s12], $0x800, s11, s12, $0x38;
	[tilespmem:$0x10600] =	vst v63  }
0x65: {  	(xrf0) =	vadd.scan.msk.s32 $0xffff, v21;
	(v2sf) =	vpush v20, $0xF;
	s17 =	rddreg [dreg:$0xf];
	s23 =	sadd.s32 s1, s28;
	s26 =	spop (v2sf)  }
0x66: {  	v20 =	vsel vm12, $0x0, v18;
	v21, _, _ =	vpop (xrf0);
	[tilespmem:s20], [sflag:$0x1] =	stream.strided.gather [hbm4b:s23+s12], $0x800, s11, s12, $0x38;
	[tilespmem:$0x10600] =	vst v63  }
0x67: {  	(xrf0) =	vadd.scan.msk.s32 $0xffff, v20;
	(v2sf) =	vpush v21, $0xF;
	s20 =	sand.u32 $0xFFFFF80, s25;
	s25 =	sadd.s32 s2, s24;
	s28 =	spop (v2sf)  }
0x68: {  	v20 =	vsel vm13, $0x0, v19;
	v21, _, _ =	vpop (xrf0);
	[tilespmem:s17], [sflag:$0x2] =	stream.strided.gather [hbm4b:s25+s12], $0x800, s11, s12, $0x38;
	[tilespmem:$0x10600] =	vst v63  }
0x69: {  	(xrf0) =	vadd.scan.msk.s32 $0xffff, v20;
	(v2sf) =	vpush v21, $0xF;
	s20 =	sadd.s32 s1, s20;
	s25 =	sand.u32 $0xFFFFF80, s26;
	s24 =	spop (v2sf)  }
0x6a: {  	v20 =	vsel vm13, $0x0, v18;
	v21, _, _ =	vpop (xrf0);
	[tilespmem:s22], [sflag:$0x1] =	stream.strided.gather [hbm4b:s20+s12], $0x800, s11, s12, $0x38;
	[tilespmem:$0x10600] =	vst v63  }
0x6b: {  	s21 =	rddreg [dreg:$0x11];
	(xrf0) =	vadd.scan.msk.s32 $0xffff, v20;
	v20 =	vsel vm14, $0x0, v19;
	(v2sf) =	vpush v21, $0xF;
	s17 =	sadd.s32 s2, s25;
	s23 =	spop (v2sf)  }
0x6c: {  	v21, _, _ =	vpop (xrf0);
	[tilespmem:s21], [sflag:$0x2] =	stream.strided.gather [hbm4b:s17+s12], $0x800, s11, s12, $0x38;
	[tilespmem:$0x10600] =	vst v63  }
0x6d: {  	s18 =	rddreg [dreg:$0x15];
	(v2sf) =	vpush v21, $0xF;
	s26 =	spop (v2sf)  }
0x6e: {  	s9 =	rddreg [dreg:$0x14];
	(xrf0) =	vadd.scan.msk.s32 $0xffff, v20;
	v20, _, _ =	vpop (xrf0);
	s22 =	sand.u32 $0xFFFFF80, s26  }
0x6f: {  	s25 =	sand.u32 $0xFFFFF80, s28;
	s20 =	rddreg [dreg:$0x12];
	(v2sf) =	vpush v20, $0xF;
	s22 =	sadd.s32 s1, s22  }
0x70: {  	[tilespmem:s20], [sflag:$0x1] =	stream.strided.gather [hbm4b:s22+s12], $0x800, s11, s12, $0x38;
	[tilespmem:$0x10600] =	vst v63  }
0x71: {  	v21 =	vsel vm14, $0x0, v18;
	s21 =	sand.u32 $0xFFFFF80, s24;
	s17 =	sadd.s32 s2, s25;
	s28 =	spop (v2sf)  }
0x72: {  	(xrf0) =	vadd.scan.msk.s32 $0xffff, v21;
	v20, _, _ =	vpop (xrf0);
	s26 =	rddreg [dreg:$0x13];
	s20 =	sand.u32 $0xFFFFF80, s23;
	s23 =	spop (v2sf)  }
0x73: {  	v19 =	vsel vm15, $0x0, v19;
	(v2sf) =	vpush v20, $0xF;
	[tilespmem:s26], [sflag:$0x2] =	stream.strided.gather [hbm4b:s17+s12], $0x800, s11, s12, $0x38;
	[tilespmem:$0x10600] =	vst v63  }
0x74: {  	s21 =	sadd.s32 s1, s21;
	v20, _, _ =	vpop (xrf0);
	s20 =	sadd.s32 s2, s20;
	s25 =	spop (v2sf)  }
0x75: {  	(v2sf) =	vpush v20, $0xF;
	[tilespmem:s9], [sflag:$0x1] =	stream.strided.gather [hbm4b:s21+s12], $0x800, s11, s12, $0x38;
	[tilespmem:$0x10600] =	vst v63  }
0x76: {  	(xrf0) =	vadd.scan.msk.s32 $0xffff, v19;
	v19, _, _ =	vpop (xrf0);
	s24 =	sand.u32 $0xFFFFF80, s28;
	s26 =	sand.u32 $0xFFFFF80, s23;
	s28 =	spop (v2sf)  }
0x77: {  	v18 =	vsel vm15, $0x0, v18;
	(v2sf) =	vpush v19, $0xF;
	[tilespmem:s18], [sflag:$0x2] =	stream.strided.gather [hbm4b:s20+s12], $0x800, s11, s12, $0x38;
	[tilespmem:$0x10600] =	vst v63  }
0x78: {  	(xrf0) =	vadd.scan.msk.s32 $0xffff, v18;
	v19, _, _ =	vpop (xrf0);
	s17 =	sadd.s32 s1, s24;
	s22 =	sand.u32 $0xFFFFF80, s25;
	s23 =	spop (v2sf)  }
0x79: {  	(v2sf) =	vpush v19, $0xF;
	[tilespmem:s19], [sflag:$0x1] =	stream.strided.gather [hbm4b:s17+s12], $0x800, s11, s12, $0x38;
	[tilespmem:$0x10600] =	vst v63  }
0x7a: {  	s9 =	sadd.s32 s2, s26;
	s24 =	sand.u32 $0xFFFFF80, s28;
	s25 =	spop (v2sf)  }
0x7b: {  	[tilespmem:s3], [sflag:$0x2] =	stream.strided.gather [hbm4b:s9+s12], $0x800, s11, s12, $0x38;
	[tilespmem:$0x10600] =	vst v63  }
0x7c: {  	v18, _, _ =	vpop (xrf0);
	s18 =	sadd.s32 s1, s22;
	s26 =	sand.u32 $0xFFFFF80, s23;
	s28 =	spop (v2sf)  }
0x7d: {  	(v2sf) =	vpush v18, $0xF;
	[tilespmem:s16], [sflag:$0x1] =	stream.strided.gather [hbm4b:s18+s12], $0x800, s11, s12, $0x38;
	[tilespmem:$0x10600] =	vst v63  }
0x7e: {  	v18, _, _ =	vpop (xrf0);
	s17 =	sadd.s32 s2, s24;
	s20 =	sand.u32 $0xFFFFF80, s25;
	s21 =	spop (v2sf)  }
0x7f: {  	(v2sf) =	vpush v18, $0xF;
	[tilespmem:s10], [sflag:$0x2] =	stream.strided.gather [hbm4b:s17+s12], $0x800, s11, s12, $0x38;
	[tilespmem:$0x10600] =	vst v63  }
0x80: {  	s9 =	sand.u32 $0xFFFFF80, s28;
	s3 =	sadd.s32 s1, s26;
	s26 =	rddreg [dreg:$0x1d]  }
0x81: {  	[tilespmem:s8], [sflag:$0x1] =	stream.strided.gather [hbm4b:s3+s12], $0x800, s11, s12, $0x38;
	[tilespmem:$0x10600] =	vst v63  }
0x82: {  	s23 =	sand.u32 $0xFFFFF80, s21;
	s16 =	sadd.s32 s2, s20;
	s22 =	spop (v2sf)  }
0x83: {  	[tilespmem:s7], [sflag:$0x2] =	stream.strided.gather [hbm4b:s16+s12], $0x800, s11, s12, $0x38;
	[tilespmem:$0x10600] =	vst v63  }
0x84: {  	s9 =	sadd.s32 s1, s9;
	s3 =	sadd.s32 s2, s23;
	s24 =	spop (v2sf)  }
0x85: {  	[tilespmem:s6], [sflag:$0x1] =	stream.strided.gather [hbm4b:s9+s12], $0x800, s11, s12, $0x38;
	[tilespmem:$0x10600] =	vst v63  }
0x86: {  	s23 =	sld [smem:$0x7FB];
	s28 =	sand.u32 $0xFFFFF80, s22;
	s25 =	spop (v2sf)  }
0x87: {  	[tilespmem:s26], [sflag:$0x2] =	stream.strided.gather [hbm4b:s3+s12], $0x800, s11, s12, $0x38;
	[tilespmem:$0x10600] =	vst v63  }
0x88: {  	s17 =	sand.u32 $0xFFFFF80, s24;
	s10 =	spop (v2sf);
	s6 =	sadd.s32 s1, s28  }
0x89: {  	[tilespmem:s5], [sflag:$0x1] =	stream.strided.gather [hbm4b:s6+s12], $0x800, s11, s12, $0x38;
	[tilespmem:$0x10600] =	vst v63  }
0x8a: {  	s20 =	sand.u32 $0xFFFFF80, s25;
	s18 =	sand.u32 $0xFFFFF80, s10;
	s3 =	sadd.s32 s2, s17  }
0x8b: {  	[tilespmem:s4], [sflag:$0x2] =	stream.strided.gather [hbm4b:s3+s12], $0x800, s11, s12, $0x38;
	[tilespmem:$0x10600] =	vst v63  }
0x8c: {  	s22 =	sadd.s32 s1, s20;
	s25 =	sadd.s32 s2, s18;
	s19 =	spop (v2sf)  }
0x8d: {  	[tilespmem:s0], [sflag:$0x1] =	stream.strided.gather [hbm4b:s22+s12], $0x800, s11, s12, $0x38;
	[tilespmem:$0x10600] =	vst v63  }
0x8e: {  	s26 =	sld [smem:$0x7FC];
	s21 =	sand.u32 $0xFFFFF80, s19;
	s24 =	spop (v2sf)  }
0x8f: {  	[tilespmem:s23], [sflag:$0x2] =	stream.strided.gather [hbm4b:s25+s12], $0x800, s11, s12, $0x38;
	[tilespmem:$0x10600] =	vst v63  }
0x90: {  	s28 =	sld [smem:$0x7FD];
	s3 =	sadd.s32 s1, s21;
	s0 =	sand.u32 $0xFFFFF80, s24  }
0x91: {  	[tilespmem:s26], [sflag:$0x1] =	stream.strided.gather [hbm4b:s3+s12], $0x800, s11, s12, $0x38;
	[tilespmem:$0x10600] =	vst v63  }
0x92: {  	s0 =	sadd.s32 s2, s0  }
0x93: {  	[tilespmem:s28], [sflag:$0x2] =	stream.strided.gather [hbm4b:s0+s12], $0x800, s11, s12, $0x38;
	[tilespmem:$0x10600] =	vst v63  }
0x94: {  	_ =	swait.ge [sflag:s14], $0x800  }
0x95: {  	[sflag:s14] =	ssyncset.done $0x0  }
0x96: {  	[sflag:s14] =	ssyncadd.s32 $0xFFFFF800  }
0x97: {  	_ =	swait.ge [sflag:s15], $0x800  }
0x98: {  	[sflag:s15] =	ssyncset.done $0x0  }
0x99: {  	[sflag:s15] =	ssyncadd.s32 $0xFFFFF800  }
0x9a: {  	_ =	swait.ge [sflag:s14], $0x800  }
0x9b: {  	[sflag:s14] =	ssyncset.done $0x0  }
0x9c: {  	[sflag:s14] =	ssyncadd.s32 $0xFFFFF800  }
0x9d: {  	_ =	swait.ge [sflag:s15], $0x800  }
0x9e: {  	[sflag:s15] =	ssyncset.done $0x0  }
0x9f: {  	[sflag:s15] =	ssyncadd.s32 $0xFFFFF800  }
0xa0: {  	_ =	swait.ge [sflag:s14], $0x800  }
0xa1: {  	[sflag:s14] =	ssyncset.done $0x0  }
0xa2: {  	[sflag:s14] =	ssyncadd.s32 $0xFFFFF800  }
0xa3: {  	_ =	swait.ge [sflag:s15], $0x800  }
0xa4: {  	[sflag:s15] =	ssyncset.done $0x0  }
0xa5: {  	[sflag:s15] =	ssyncadd.s32 $0xFFFFF800  }
0xa6: {  	_ =	swait.ge [sflag:s14], $0x800  }
0xa7: {  	[sflag:s14] =	ssyncset.done $0x0  }
0xa8: {  	[sflag:s14] =	ssyncadd.s32 $0xFFFFF800  }
0xa9: {  	_ =	swait.ge [sflag:s15], $0x800  }
0xaa: {  	[sflag:s15] =	ssyncset.done $0x0  }
0xab: {  	[sflag:s15] =	ssyncadd.s32 $0xFFFFF800  }
0xac: {  	_ =	swait.ge [sflag:s14], $0x800  }
0xad: {  	[sflag:s14] =	ssyncset.done $0x0  }
0xae: {  	[sflag:s14] =	ssyncadd.s32 $0xFFFFF800  }
0xaf: {  	_ =	swait.ge [sflag:s15], $0x800  }
0xb0: {  	[sflag:s15] =	ssyncset.done $0x0  }
0xb1: {  	[sflag:s15] =	ssyncadd.s32 $0xFFFFF800  }
0xb2: {  	_ =	swait.ge [sflag:s14], $0x800  }
0xb3: {  	[sflag:s14] =	ssyncset.done $0x0  }
0xb4: {  	[sflag:s14] =	ssyncadd.s32 $0xFFFFF800  }
0xb5: {  	_ =	swait.ge [sflag:s15], $0x800  }
0xb6: {  	[sflag:s15] =	ssyncset.done $0x0  }
0xb7: {  	[sflag:s15] =	ssyncadd.s32 $0xFFFFF800  }
0xb8: {  	_ =	swait.ge [sflag:s14], $0x800  }
0xb9: {  	[sflag:s14] =	ssyncset.done $0x0  }
0xba: {  	[sflag:s14] =	ssyncadd.s32 $0xFFFFF800  }
0xbb: {  	_ =	swait.ge [sflag:s15], $0x800  }
0xbc: {  	[sflag:s15] =	ssyncset.done $0x0  }
0xbd: {  	[sflag:s15] =	ssyncadd.s32 $0xFFFFF800  }
0xbe: {  	_ =	swait.ge [sflag:s14], $0x800  }
0xbf: {  	[sflag:s14] =	ssyncset.done $0x0  }
0xc0: {  	[sflag:s14] =	ssyncadd.s32 $0xFFFFF800  }
0xc1: {  	_ =	swait.ge [sflag:s15], $0x800  }
0xc2: {  	[sflag:s15] =	ssyncset.done $0x0  }
0xc3: {  	[sflag:s15] =	ssyncadd.s32 $0xFFFFF800  }
0xc4: {  	_ =	swait.ge [sflag:s14], $0x800  }
0xc5: {  	[sflag:s14] =	ssyncset.done $0x0  }
0xc6: {  	[sflag:s14] =	ssyncadd.s32 $0xFFFFF800  }
0xc7: {  	_ =	swait.ge [sflag:s15], $0x800  }
0xc8: {  	[sflag:s15] =	ssyncset.done $0x0  }
0xc9: {  	[sflag:s15] =	ssyncadd.s32 $0xFFFFF800  }
0xca: {  	_ =	swait.ge [sflag:s14], $0x800  }
0xcb: {  	[sflag:s14] =	ssyncset.done $0x0  }
0xcc: {  	[sflag:s14] =	ssyncadd.s32 $0xFFFFF800  }
0xcd: {  	_ =	swait.ge [sflag:s15], $0x800  }
0xce: {  	[sflag:s15] =	ssyncset.done $0x0  }
0xcf: {  	[sflag:s15] =	ssyncadd.s32 $0xFFFFF800  }
0xd0: {  	_ =	swait.ge [sflag:s14], $0x800  }
0xd1: {  	[sflag:s14] =	ssyncset.done $0x0  }
0xd2: {  	[sflag:s14] =	ssyncadd.s32 $0xFFFFF800  }
0xd3: {  	_ =	swait.ge [sflag:s15], $0x800  }
0xd4: {  	[sflag:s15] =	ssyncset.done $0x0  }
0xd5: {  	[sflag:s15] =	ssyncadd.s32 $0xFFFFF800  }
0xd6: {  	_ =	swait.ge [sflag:s14], $0x800  }
0xd7: {  	[sflag:s14] =	ssyncset.done $0x0  }
0xd8: {  	[sflag:s14] =	ssyncadd.s32 $0xFFFFF800  }
0xd9: {  	_ =	swait.ge [sflag:s15], $0x800  }
0xda: {  	[sflag:s15] =	ssyncset.done $0x0  }
0xdb: {  	[sflag:s15] =	ssyncadd.s32 $0xFFFFF800  }
0xdc: {  	_ =	swait.ge [sflag:s14], $0x800  }
0xdd: {  	[sflag:s14] =	ssyncset.done $0x0  }
0xde: {  	[sflag:s14] =	ssyncadd.s32 $0xFFFFF800  }
0xdf: {  	_ =	swait.ge [sflag:s15], $0x800  }
0xe0: {  	[sflag:s15] =	ssyncset.done $0x0  }
0xe1: {  	[sflag:s15] =	ssyncadd.s32 $0xFFFFF800  }
0xe2: {  	_ =	swait.ge [sflag:s14], $0x800  }
0xe3: {  	[sflag:s14] =	ssyncset.done $0x0  }
0xe4: {  	[sflag:s14] =	ssyncadd.s32 $0xFFFFF800  }
0xe5: {  	_ =	swait.ge [sflag:s15], $0x800  }
0xe6: {  	[sflag:s15] =	ssyncset.done $0x0  }
0xe7: {  	[sflag:s15] =	ssyncadd.s32 $0xFFFFF800  }
0xe8: {  	_ =	swait.ge [sflag:s14], $0x800  }
0xe9: {  	[sflag:s14] =	ssyncset.done $0x0  }
0xea: {  	[sflag:s14] =	ssyncadd.s32 $0xFFFFF800  }
0xeb: {  	_ =	swait.ge [sflag:s15], $0x800  }
0xec: {  	[sflag:s15] =	ssyncset.done $0x0  }
0xed: {  	[sflag:s15] =	ssyncadd.s32 $0xFFFFF800  }
0xee: {  	v17 =	vand.u32 $0x7F, v17;
	_ =	swait.ge [sflag:s14], $0x800  }
0xef: {  	v16 =	vand.u32 $0x7F, v16;
	v18 =	vor.u32 v0, v17;
	[sflag:s14] =	ssyncset.done $0x0  }
0xf0: {  	v19 =	vor.u32 v0, v16;
	[sflag:s14] =	ssyncadd.s32 $0xFFFFF800  }
0xf1: {  	v20 =	vor.u32 v1, v17;
	_ =	swait.ge [sflag:s15], $0x800  }
0xf2: {  	v21 =	vor.u32 v1, v16;
	[sflag:s15] =	ssyncset.done $0x0  }
0xf3: {  	v22 =	vor.u32 v2, v17;
	[sflag:s15] =	ssyncadd.s32 $0xFFFFF800  }
0xf4: {  	v23 =	vor.u32 v2, v16;
	v18 =	vld.idx.msk [tilespmem:v18+s12+$0x0], $0xffff  }
0xf5: {  	v24 =	vor.u32 v3, v17;
	v19 =	vld.idx.msk [tilespmem:v19+s13+$0x0], $0xffff  }
0xf6: {  	v25 =	vor.u32 v3, v16;
	v20 =	vld.idx.msk [tilespmem:v20+s12+$0x0], $0xffff  }
0xf7: {  	v27 =	vor.u32 v4, v16;
	v21 =	vld.idx.msk [tilespmem:v21+s13+$0x0], $0xffff  }
0xf8: {  	v26 =	vor.u32 v4, v17;
	v22 =	vld.idx.msk [tilespmem:v22+s12+$0x0], $0xffff  }
0xf9: {  	v28 =	vor.u32 v5, v17;
	v23 =	vld.idx.msk [tilespmem:v23+s13+$0x0], $0xffff  }
0xfa: {  	v29 =	vor.u32 v5, v16;
	v24 =	vld.idx.msk [tilespmem:v24+s12+$0x0], $0xffff  }
0xfb: {  	v18 =	vmul.f32 v19, v18;
	v19 =	vld.idx.msk [tilespmem:v25+s13+$0x0], $0xffff;
	v25 =	vor.u32 v6, v17  }
0xfc: {  	v20 =	vmul.f32 v21, v20;
	v21 =	vld.idx.msk [tilespmem:v27+s13+$0x0], $0xffff;
	v27 =	vor.u32 v7, v17  }
0xfd: {  	v30 =	vor.u32 v6, v16;
	v26 =	vld.idx.msk [tilespmem:v26+s12+$0x0], $0xffff;
	v18 =	vadd.f32 $0.0e+00, v18  }
0xfe: {  	v31 =	vor.u32 v7, v16;
	v28 =	vld.idx.msk [tilespmem:v28+s12+$0x0], $0xffff  }
0xff: {  	v18 =	vadd.f32 v20, v18;
	v20 =	vmul.f32 v23, v22;
	v22 =	vld.idx.msk [tilespmem:v29+s13+$0x0], $0xffff;
	v23 =	vor.u32 v8, v17  }
0x100: {  	v29 =	vor.u32 v8, v16;
	v25 =	vld.idx.msk [tilespmem:v25+s12+$0x0], $0xffff  }
0x101: {  	v19 =	vmul.f32 v19, v24;
	v24 =	vor.u32 v9, v17;
	v27 =	vld.idx.msk [tilespmem:v27+s12+$0x0], $0xffff;
	v18 =	vadd.f32 v20, v18  }
0x102: {  	v20 =	vld.idx.msk [tilespmem:v30+s13+$0x0], $0xffff;
	v30 =	vor.u32 v9, v16  }
0x103: {  	v18 =	vadd.f32 v19, v18;
	v19 =	vmul.f32 v21, v26;
	v21 =	vld.idx.msk [tilespmem:v31+s13+$0x0], $0xffff;
	v26 =	vor.u32 v10, v17  }
0x104: {  	v31 =	vor.u32 v10, v16;
	v23 =	vld.idx.msk [tilespmem:v23+s12+$0x0], $0xffff  }
0x105: {  	v18 =	vadd.f32 v19, v18;
	v19 =	vmul.f32 v22, v28;
	v22 =	vld.idx.msk [tilespmem:v29+s13+$0x0], $0xffff;
	v28 =	vor.u32 v11, v17  }
0x106: {  	v24 =	vld.idx.msk [tilespmem:v24+s12+$0x0], $0xffff;
	v29 =	vor.u32 v11, v16  }
0x107: {  	v18 =	vadd.f32 v19, v18;
	v19 =	vmul.f32 v20, v25;
	v20 =	vld.idx.msk [tilespmem:v30+s13+$0x0], $0xffff;
	v25 =	vor.u32 v12, v17  }
0x108: {  	v30 =	vor.u32 v12, v16;
	v26 =	vld.idx.msk [tilespmem:v26+s12+$0x0], $0xffff  }
0x109: {  	v18 =	vadd.f32 v19, v18;
	v19 =	vmul.f32 v21, v27;
	v21 =	vld.idx.msk [tilespmem:v31+s13+$0x0], $0xffff;
	v27 =	vor.u32 v13, v17  }
0x10a: {  	v31 =	vor.u32 v13, v16;
	v28 =	vld.idx.msk [tilespmem:v28+s12+$0x0], $0xffff  }
0x10b: {  	v18 =	vadd.f32 v19, v18;
	v19 =	vmul.f32 v22, v23;
	v22 =	vld.idx.msk [tilespmem:v29+s13+$0x0], $0xffff;
	v23 =	vor.u32 v14, v17  }
0x10c: {  	v17 =	vor.u32 v15, v17;
	v25 =	vld.idx.msk [tilespmem:v25+s12+$0x0], $0xffff  }
0x10d: {  	v29 =	vor.u32 v14, v16;
	v18 =	vadd.f32 v19, v18;
	v19 =	vmul.f32 v20, v24;
	v20 =	vld.idx.msk [tilespmem:v30+s13+$0x0], $0xffff  }
0x10e: {  	v16 =	vor.u32 v15, v16;
	v24 =	vld.idx.msk [tilespmem:v27+s12+$0x0], $0xffff  }
0x10f: {  	v18 =	vadd.f32 v19, v18;
	v19 =	vmul.f32 v21, v26;
	v21 =	vld.idx.msk [tilespmem:v31+s13+$0x0], $0xffff  }
0x110: {  	v23 =	vld.idx.msk [tilespmem:v23+s12+$0x0], $0xffff  }
0x111: {  	v17 =	vld.idx.msk [tilespmem:v17+s12+$0x0], $0xffff;
	v18 =	vadd.f32 v19, v18;
	v19 =	vmul.f32 v22, v28  }
0x112: {  	v22 =	vld.idx.msk [tilespmem:v29+s13+$0x0], $0xffff  }
0x113: {  	s19 =	simm.s32 $0x10;
	v16 =	vld.idx.msk [tilespmem:v16+s13+$0x0], $0xffff;
	v18 =	vadd.f32 v19, v18;
	v19 =	vmul.f32 v20, v25  }
0x114: {  	v20 =	vld [tilespmem:s19+$0x0]  }
0x115: {  	v18 =	vadd.f32 v19, v18;
	v19 =	vmul.f32 v21, v24  }
0x116: {  	v30 =	vld [tilespmem:s19+$0x200]  }
0x117: {  	v18 =	vadd.f32 v19, v18;
	v19 =	vmul.f32 v22, v23;
	_ =	sdelay $0x1  }
0x118: {  	v16 =	vmul.f32 v16, v17;
	v17 =	vand.u32 $0xFFFFFF80, v20;
	v18 =	vadd.f32 v19, v18  }
0x119: {  	v19 =	vnsel vm0, $0x0, v17  }
0x11a: {  	v31 =	vand.u32 $0xFFFFFF80, v30;
	(xrf0) =	vadd.scan.msk.s32 $0xffff, v19;
	v16 =	vadd.f32 v16, v18;
	v18 =	vsel vm1, $0x0, v17  }
0x11b: {  	v19 =	vnsel vm0, $0x0, v31;
	(xrf0) =	vadd.scan.msk.s32 $0xffff, v18  }
0x11c: {  	v18 =	vsel vm1, $0x0, v31;
	v16 =	vsub.f32 $0.0e+00, v16;
	(xrf0) =	vadd.scan.msk.s32 $0xffff, v19  }
0x11d: {  	s20 =	sld [smem:$0x7FA];
	v19 =	vsel vm2, $0x0, v17;
	(xrf0) =	vadd.scan.msk.s32 $0xffff, v18;
	v18 =	vsel vm2, $0x0, v31  }
0x11e: {  	s21 =	rddreg [dreg:$0x1f];
	v16 =	vmul.f32 $1.442695020e+00, v16;
	(xrf0) =	vadd.scan.msk.s32 $0xffff, v19;
	v19 =	vsel vm3, $0x0, v17  }
0x11f: {  	s22 =	rddreg [dreg:$0x1e];
	(xrf0) =	vadd.scan.msk.s32 $0xffff, v18  }
0x120: {  	s23 =	rddreg [dreg:$0x1c];
	(erf) = vpow2.f32 v16;
	v16 =	vsel vm3, $0x0, v31;
	v18, _, _ =	vpop (xrf0);
	(xrf0) =	vadd.scan.msk.s32 $0xffff, v19  }
0x121: {  	s25 =	rddreg [dreg:$0x1b];
	v19, _, _ =	vpop (xrf0);
	(xrf0) =	vadd.scan.msk.s32 $0xffff, v16;
	v16 =	vsel vm4, $0x0, v17  }
0x122: {  	s26 =	rddreg [dreg:$0x1a];
	v21, _, _ =	vpop (xrf0);
	(xrf0) =	vadd.scan.msk.s32 $0xffff, v16  }
0x123: {  	s31 =	rddreg [dreg:$0x19];
	v22 =	vsel vm4, $0x0, v31;
	v23, _, _ =	vpop (xrf0)  }
0x124: {  	s11 =	rddreg [dreg:$0x18];
	v16 =	vand.u32 $0x7F, v20;
	v20 =	vsel vm5, $0x0, v17;
	(xrf0) =	vadd.scan.msk.s32 $0xffff, v22;
	v32, _, _ =	vpop (xrf0)  }
0x125: {  	s29 =	rddreg [dreg:$0x17];
	v25 =	vsel vm6, $0x0, v31;
	v34 =	vsel vm7, $0x0, v31;
	v22 =	vsel vm5, $0x0, v31;
	(xrf0) =	vadd.scan.msk.s32 $0xffff, v20;
	v33, _, _ =	vpop (xrf0)  }
0x126: {  	s30 =	rddreg [dreg:$0x16];
	v38 =	vsel vm8, $0x0, v31;
	v41 =	vsel vm9, $0x0, v31;
	v24 =	vsel vm6, $0x0, v17;
	(xrf0) =	vadd.scan.msk.s32 $0xffff, v22;
	v37, _, _ =	vpop (xrf0)  }
0x127: {  	s4 =	rddreg [dreg:$0x15];
	v28 =	vsel vm10, $0x0, v31;
	v26 =	vsel vm11, $0x0, v31;
	(v2sf) =	vpush v18, $0xF;
	v40, _, _ =	vpop (xrf0);
	(xrf0) =	vadd.scan.msk.s32 $0xffff, v24  }
0x128: {  	s0 =	rddreg [dreg:$0x14];
	v36 =	vsel vm8, $0x0, v17;
	(v2sf) =	vpush v19, $0xF;
	v20 =	vsel vm7, $0x0, v17;
	(xrf0) =	vadd.scan.msk.s32 $0xffff, v25;
	v42, _, _ =	vpop (xrf0)  }
0x129: {  	s16 =	rddreg [dreg:$0x12];
	v39 =	vsel vm9, $0x0, v17;
	v29 =	vsel vm10, $0x0, v17;
	(v2sf) =	vpush v21, $0xF;
	v18 =	vpop (erf);
	(xrf0) =	vadd.scan.msk.s32 $0xffff, v20  }
0x12a: {  	s5 =	rddreg [dreg:$0x11];
	v27 =	vsel vm11, $0x0, v17;
	v19 =	vsel vm15, $0x0, v17;
	(v2sf) =	vpush v23, $0xF;
	v35, _, _ =	vpop (xrf0)  }
0x12b: {  	s6 =	rddreg [dreg:$0x10];
	v21 =	vsel vm14, $0x0, v17;
	v23 =	vsel vm13, $0x0, v17;
	(v2sf) =	vpush v32, $0xF;
	(xrf0) =	vadd.scan.msk.s32 $0xffff, v34;
	v34, _, _ =	vpop (xrf0)  }
0x12c: {  	s7 =	rddreg [dreg:$0xf];
	v22 =	vsel vm13, $0x0, v31;
	(v2sf) =	vpush v33, $0xF;
	v24 =	vsel vm12, $0x0, v31;
	(xrf0) =	vadd.scan.msk.s32 $0xffff, v36;
	v33, _, _ =	vpop (xrf0)  }
0x12d: {  	s8 =	rddreg [dreg:$0xe];
	(v2sf) =	vpush v37, $0xF;
	v25 =	vsel vm12, $0x0, v17;
	v63 =	vadd.f32 $1.000000000e+00, v18;
	(xrf0) =	vadd.scan.msk.s32 $0xffff, v38;
	v32, _, _ =	vpop (xrf0)  }
0x12e: {  	s3 =	rddreg [dreg:$0xd];
	(v2sf) =	vpush v40, $0xF;
	v20 =	vsel vm14, $0x0, v31;
	v18 =	vsel vm15, $0x0, v31;
	(xrf0) =	vadd.scan.msk.s32 $0xffff, v39;
	v31, _, _ =	vpop (xrf0)  }
0x12f: {  	s24 =	simm.s32 $0x80;
	s9 =	rddreg [dreg:$0xc];
	v17 =	vand.u32 $0x7F, v30;
	(v2sf) =	vpush v42, $0xF;
	(erf) = vrcp.f32 v63;
	(xrf0) =	vadd.scan.msk.s32 $0xffff, v41;
	v30, _, _ =	vpop (xrf0)  }
.LBB2_2:
0x130: {  	[smem:$0x7EB] =	sst s26  }
0x131: {  	[smem:$0x7ED] =	sst s23  }
0x132: {  	[smem:$0x7EC] =	sst s25  }
0x133: {  	[smem:$0x7EE] =	sst s22  }
0x134: {  	[smem:$0x7F0] =	sst s19  }
0x135: {  	[smem:$0x7EF] =	sst s21  }
0x136: {  	s17 =	rddreg [dreg:$0xb]  }
0x137: {  	s25 =	rddreg [dreg:$0x2]  }
0x138: {  	s10 =	sld [smem:$0x7F5]  }
0x139: {  	s18 =	spop (v2sf);
	[smem:$0x7F1] =	sst s20  }
0x13a: {  	s23 =	spop (v2sf);
	s1 =	smov.u32 s24;
	s20 =	rddreg [dreg:$0x9]  }
0x13b: {  	(v2sf) =	vpush v35, $0xF;
	v58, _, _ =	vpop (xrf0);
	(xrf0) =	vadd.scan.msk.s32 $0xffff, v29;
	s21 =	sadd.s32 $0x40, s24;
	p0 =	sne.s32 s24, $0x7C0;
	s24 =	rddreg [dreg:$0x6]  }
0x13c: {  	s22 =	sand.u32 $0xFFFFF80, s18;
	v29, _, _ =	vpop (xrf0);
	(xrf0) =	vadd.scan.msk.s32 $0xffff, v28;
	s13 =	spop (v2sf);
	[smem:$0x7F2] =	sst s1  }
0x13d: {  	s2 =	sadd.s32 s25, s22;
	(v2sf) =	vpush v34, $0xF;
	[smem:$0x7F3] =	sst s21;
	v28, _, _ =	vpop (xrf0);
	(xrf0) =	vadd.scan.msk.s32 $0xffff, v27;
	s13 =	sand.u32 $0xFFFFF80, s13  }
0x13e: {  	s21 =	rddreg [dreg:$0x7];
	s26 =	spop (v2sf);
	s1 =	sand.u32 $0xFFFFF80, s23;
	v27, _, _ =	vpop (xrf0);
	(xrf0) =	vadd.scan.msk.s32 $0xffff, v26  }
0x13f: {  	s28 =	spop (v2sf);
	(v2sf) =	vpush v33, $0xF;
	s22 =	sand.u32 $0xFFFFF80, s26;
	s26 =	rddreg [dreg:$0x3];
	(xrf0) =	vadd.scan.msk.s32 $0xffff, v25;
	v25 =	vpop (erf)  }
0x140: {  	s1 =	sadd.s32 s25, s1;
	s23 =	spop (v2sf);
	[tilespmem:s10+$0x10400] =	vst v25;
	s10 =	simm.s32 $0x7A1400  }
0x141: {  	(v2sf) =	vpush v32, $0xF;
	[tilespmem:s12], [sflag:$0x1] =	stream.strided.gather [hbm4b:s2+s12], $0x800, s10, s12, $0x38;
	[tilespmem:$0x10600] =	vst v63  }
0x142: {  	s2 =	sadd.s32 s26, s13;
	s13 =	sand.u32 $0xFFFFF80, s28;
	s28 =	simm.s32 $0x8400  }
0x143: {  	(v2sf) =	vpush v31, $0xF;
	[tilespmem:s28], [sflag:$0x2] =	stream.strided.gather [hbm4b:s2+s12], $0x800, s10, s12, $0x38;
	[tilespmem:$0x10600] =	vst v63  }
0x144: {  	s19 =	sand.u32 $0xFFFFF80, s23;
	s2 =	sadd.s32 s26, s22;
	s23 =	spop (v2sf)  }
0x145: {  	[tilespmem:s24], [sflag:$0x1] =	stream.strided.gather [hbm4b:s1+s12], $0x800, s10, s12, $0x38;
	(v2sf) =	vpush v58, $0xF;
	[tilespmem:$0x10600] =	vst v63  }
0x146: {  	s1 =	rddreg [dreg:$0x8];
	s22 =	sand.u32 $0xFFFFF80, s23;
	s24 =	spop (v2sf)  }
0x147: {  	(v2sf) =	vpush v29, $0xF;
	[tilespmem:s21], [sflag:$0x2] =	stream.strided.gather [hbm4b:s2+s12], $0x800, s10, s12, $0x38;
	[tilespmem:$0x10600] =	vst v63  }
0x148: {  	s21 =	sadd.s32 s25, s13;
	s13 =	sand.u32 $0xFFFFF80, s24;
	s24 =	spop (v2sf);
	(v2sf) =	vpush v28, $0xF  }
0x149: {  	[tilespmem:s1], [sflag:$0x1] =	stream.strided.gather [hbm4b:s21+s12], $0x800, s10, s12, $0x38;
	[tilespmem:$0x10600] =	vst v63  }
0x14a: {  	s23 =	sadd.s32 s26, s19;
	s2 =	sand.u32 $0xFFFFF80, s24;
	s24 =	spop (v2sf);
	(v2sf) =	vpush v30, $0xF  }
0x14b: {  	[tilespmem:s20], [sflag:$0x2] =	stream.strided.gather [hbm4b:s23+s12], $0x800, s10, s12, $0x38;
	[tilespmem:$0x10600] =	vst v63  }
0x14c: {  	s18 =	rddreg [dreg:$0xa];
	s21 =	sadd.s32 s25, s22;
	s22 =	spop (v2sf)  }
0x14d: {  	(v2sf) =	vpush v27, $0xF;
	[tilespmem:s18], [sflag:$0x1] =	stream.strided.gather [hbm4b:s21+s12], $0x800, s10, s12, $0x38;
	[tilespmem:$0x10600] =	vst v63  }
0x14e: {  	v26, _, _ =	vpop (xrf0);
	s19 =	sand.u32 $0xFFFFF80, s24;
	s23 =	sadd.s32 s26, s13;
	s24 =	spop (v2sf)  }
0x14f: {  	(v2sf) =	vpush v26, $0xF;
	[tilespmem:s17], [sflag:$0x2] =	stream.strided.gather [hbm4b:s23+s12], $0x800, s10, s12, $0x38;
	[tilespmem:$0x10600] =	vst v63  }
0x150: {  	(xrf0) =	vadd.scan.msk.s32 $0xffff, v24;
	v24, _, _ =	vpop (xrf0);
	s13 =	sand.u32 $0xFFFFF80, s22;
	s21 =	spop (v2sf);
	s17 =	sadd.s32 s25, s2  }
0x151: {  	(v2sf) =	vpush v24, $0xF;
	[tilespmem:s9], [sflag:$0x1] =	stream.strided.gather [hbm4b:s17+s12], $0x800, s10, s12, $0x38;
	[tilespmem:$0x10600] =	vst v63  }
0x152: {  	(xrf0) =	vadd.scan.msk.s32 $0xffff, v23;
	v23, _, _ =	vpop (xrf0);
	s22 =	sadd.s32 s26, s19;
	s20 =	sand.u32 $0xFFFFF80, s24;
	s24 =	spop (v2sf)  }
0x153: {  	(v2sf) =	vpush v23, $0xF;
	[tilespmem:s3], [sflag:$0x2] =	stream.strided.gather [hbm4b:s22+s12], $0x800, s10, s12, $0x38;
	[tilespmem:$0x10600] =	vst v63  }
0x154: {  	(xrf0) =	vadd.scan.msk.s32 $0xffff, v22;
	v22, _, _ =	vpop (xrf0);
	s13 =	sadd.s32 s25, s13;
	s19 =	sadd.s32 s26, s20;
	s18 =	spop (v2sf)  }
0x155: {  	(v2sf) =	vpush v22, $0xF;
	[tilespmem:s8], [sflag:$0x1] =	stream.strided.gather [hbm4b:s13+s12], $0x800, s10, s12, $0x38;
	[tilespmem:$0x10600] =	vst v63  }
0x156: {  	(xrf0) =	vadd.scan.msk.s32 $0xffff, v21;
	v21, _, _ =	vpop (xrf0);
	s23 =	sand.u32 $0xFFFFF80, s21;
	s17 =	sand.u32 $0xFFFFF80, s24;
	s21 =	spop (v2sf)  }
0x157: {  	(xrf0) =	vadd.scan.msk.s32 $0xffff, v20;
	s22 =	sadd.s32 s25, s23;
	s20 =	sand.u32 $0xFFFFF80, s18;
	(v2sf) =	vpush v21, $0xF;
	s24 =	spop (v2sf)  }
0x158: {  	v20, _, _ =	vpop (xrf0);
	[tilespmem:s7], [sflag:$0x2] =	stream.strided.gather [hbm4b:s19+s12], $0x800, s10, s12, $0x38;
	[tilespmem:$0x10600] =	vst v63  }
0x159: {  	(xrf0) =	vadd.scan.msk.s32 $0xffff, v19;
	v19, _, _ =	vpop (xrf0);
	s13 =	rddreg [dreg:$0x13];
	s23 =	sand.u32 $0xFFFFF80, s21;
	(v2sf) =	vpush v20, $0xF;
	s8 =	spop (v2sf)  }
0x15a: {  	s3 =	sand.u32 $0xFFFFF80, s24;
	(v2sf) =	vpush v19, $0xF;
	s19 =	sadd.s32 s26, s20;
	s9 =	sand.u32 $0xFFFFF80, s8  }
0x15b: {  	[tilespmem:s6], [sflag:$0x1] =	stream.strided.gather [hbm4b:s22+s12], $0x800, s10, s12, $0x38;
	[tilespmem:$0x10600] =	vst v63  }
0x15c: {  	(xrf0) =	vadd.scan.msk.s32 $0xffff, v18;
	s3 =	sadd.s32 s26, s3;
	s6 =	sadd.s32 s26, s17;
	s17 =	spop (v2sf)  }
0x15d: {  	v18, _, _ =	vpop (xrf0);
	[tilespmem:s5], [sflag:$0x2] =	stream.strided.gather [hbm4b:s6+s12], $0x800, s10, s12, $0x38;
	[tilespmem:$0x10600] =	vst v63  }
0x15e: {  	(v2sf) =	vpush v18, $0xF;
	s1 =	sadd.s32 s25, s9;
	s22 =	sadd.s32 s25, s23;
	s18 =	spop (v2sf)  }
0x15f: {  	v25, _, _ =	vpop (xrf0);
	[tilespmem:s16], [sflag:$0x1] =	stream.strided.gather [hbm4b:s1+s12], $0x800, s10, s12, $0x38;
	[tilespmem:$0x10600] =	vst v63  }
0x160: {  	s6 =	sand.u32 $0xFFFFF80, s17;
	(v2sf) =	vpush v25, $0xF;
	s20 =	sand.u32 $0xFFFFF80, s18;
	s21 =	spop (v2sf)  }
0x161: {  	v28, _, _ =	vpop (xrf0);
	[tilespmem:s13], [sflag:$0x2] =	stream.strided.gather [hbm4b:s19+s12], $0x800, s10, s12, $0x38;
	[tilespmem:$0x10600] =	vst v63  }
0x162: {  	(v2sf) =	vpush v28, $0xF;
	s18 =	sadd.s32 s26, s20;
	s23 =	sand.u32 $0xFFFFF80, s21;
	s24 =	spop (v2sf)  }
0x163: {  	v29, _, _ =	vpop (xrf0);
	[tilespmem:s0], [sflag:$0x1] =	stream.strided.gather [hbm4b:s22+s12], $0x800, s10, s12, $0x38;
	[tilespmem:$0x10600] =	vst v63  }
0x164: {  	(v2sf) =	vpush v29, $0xF;
	s8 =	sand.u32 $0xFFFFF80, s24;
	s13 =	sadd.s32 s25, s6;
	s9 =	spop (v2sf)  }
0x165: {  	[tilespmem:s4], [sflag:$0x2] =	stream.strided.gather [hbm4b:s3+s12], $0x800, s10, s12, $0x38;
	[tilespmem:$0x10600] =	vst v63  }
0x166: {  	s21 =	sadd.s32 s25, s23;
	s23 =	sadd.s32 s26, s8;
	s17 =	spop (v2sf)  }
0x167: {  	[tilespmem:s30], [sflag:$0x1] =	stream.strided.gather [hbm4b:s13+s12], $0x800, s10, s12, $0x38;
	[tilespmem:$0x10600] =	vst v63  }
0x168: {  	s16 =	sand.u32 $0xFFFFF80, s9;
	s9 =	sld [smem:$0x7EB];
	s20 =	spop (v2sf)  }
0x169: {  	v30, _, _ =	vpop (xrf0);
	s19 =	sand.u32 $0xFFFFF80, s17;
	s7 =	sadd.s32 s25, s16;
	s22 =	spop (v2sf)  }
0x16a: {  	(v2sf) =	vpush v30, $0xF;
	[tilespmem:s29], [sflag:$0x2] =	stream.strided.gather [hbm4b:s18+s12], $0x800, s10, s12, $0x38;
	[tilespmem:$0x10600] =	vst v63  }
0x16b: {  	v31, _, _ =	vpop (xrf0);
	s17 =	sld [smem:$0x7EC];
	s2 =	sand.u32 $0xFFFFF80, s20;
	s24 =	sand.u32 $0xFFFFF80, s22  }
0x16c: {  	(v2sf) =	vpush v31, $0xF;
	[tilespmem:s11], [sflag:$0x1] =	stream.strided.gather [hbm4b:s21+s12], $0x800, s10, s12, $0x38;
	[tilespmem:$0x10600] =	vst v63  }
0x16d: {  	s18 =	sadd.s32 s25, s2;
	s6 =	spop (v2sf);
	s22 =	sadd.s32 s26, s24  }
0x16e: {  	[tilespmem:s31], [sflag:$0x2] =	stream.strided.gather [hbm4b:s23+s12], $0x800, s10, s12, $0x38;
	[tilespmem:$0x10600] =	vst v63  }
0x16f: {  	s11 =	sadd.s32 s26, s19;
	s19 =	rddreg [dreg:$0x1d];
	s8 =	spop (v2sf)  }
0x170: {  	[tilespmem:s9], [sflag:$0x1] =	stream.strided.gather [hbm4b:s7+s12], $0x800, s10, s12, $0x38;
	[tilespmem:$0x10600] =	vst v63  }
0x171: {  	s4 =	sand.u32 $0xFFFFF80, s6;
	s21 =	sld [smem:$0x7ED];
	s16 =	spop (v2sf)  }
0x172: {  	[tilespmem:s17], [sflag:$0x2] =	stream.strided.gather [hbm4b:s11+s12], $0x800, s10, s12, $0x38;
	[tilespmem:$0x10600] =	vst v63  }
0x173: {  	s13 =	sand.u32 $0xFFFFF80, s8;
	s20 =	spop (v2sf);
	s9 =	sld [smem:$0x7EE]  }
0x174: {  	[tilespmem:s21], [sflag:$0x1] =	stream.strided.gather [hbm4b:s18+s12], $0x800, s10, s12, $0x38;
	[tilespmem:$0x10600] =	vst v63  }
0x175: {  	s11 =	sadd.s32 s26, s13;
	s13 =	sand.u32 $0xFFFFF80, s16;
	s16 =	sld [smem:$0x7EF]  }
0x176: {  	[tilespmem:s19], [sflag:$0x2] =	stream.strided.gather [hbm4b:s22+s12], $0x800, s10, s12, $0x38;
	[tilespmem:$0x10600] =	vst v63  }
0x177: {  	s4 =	sadd.s32 s25, s4;
	s23 =	sand.u32 $0xFFFFF80, s20;
	s18 =	sld [smem:$0x7FB]  }
0x178: {  	[tilespmem:s9], [sflag:$0x1] =	stream.strided.gather [hbm4b:s4+s12], $0x800, s10, s12, $0x38;
	[tilespmem:$0x10600] =	vst v63  }
0x179: {  	s17 =	sadd.s32 s25, s13;
	s21 =	sld [smem:$0x7F1];
	s24 =	spop (v2sf)  }
0x17a: {  	[tilespmem:s16], [sflag:$0x2] =	stream.strided.gather [hbm4b:s11+s12], $0x800, s10, s12, $0x38;
	[tilespmem:$0x10600] =	vst v63  }
0x17b: {  	s7 =	sand.u32 $0xFFFFF80, s24;
	s8 =	spop (v2sf);
	s19 =	sld [smem:$0x7F0]  }
0x17c: {  	[tilespmem:s21], [sflag:$0x1] =	stream.strided.gather [hbm4b:s17+s12], $0x800, s10, s12, $0x38;
	[tilespmem:$0x10600] =	vst v63  }
0x17d: {  	s22 =	sadd.s32 s26, s23;
	s23 =	sld [smem:$0x7FC];
	s24 =	sadd.s32 s25, s7  }
0x17e: {  	[tilespmem:s18], [sflag:$0x2] =	stream.strided.gather [hbm4b:s22+s12], $0x800, s10, s12, $0x38;
	[tilespmem:$0x10600] =	vst v63  }
0x17f: {  	s25 =	sld [smem:$0x7FD];
	s4 =	sand.u32 $0xFFFFF80, s8;
	s20 =	smov.u32 s19  }
0x180: {  	[tilespmem:s23], [sflag:$0x1] =	stream.strided.gather [hbm4b:s24+s12], $0x800, s10, s12, $0x38;
	[tilespmem:$0x10600] =	vst v63  }
0x181: {  	s26 =	sadd.s32 s26, s4;
	[smem:$0x7F5] =	sst s20  }
0x182: {  	[tilespmem:s25], [sflag:$0x2] =	stream.strided.gather [hbm4b:s26+s12], $0x800, s10, s12, $0x38;
	[tilespmem:$0x10600] =	vst v63  }
0x183: {  	_ =	swait.ge [sflag:s14], $0x800  }
0x184: {  	[sflag:s14] =	ssyncset.done $0x0  }
0x185: {  	[sflag:s14] =	ssyncadd.s32 $0xFFFFF800  }
0x186: {  	_ =	swait.ge [sflag:s15], $0x800  }
0x187: {  	[sflag:s15] =	ssyncset.done $0x0  }
0x188: {  	[sflag:s15] =	ssyncadd.s32 $0xFFFFF800  }
0x189: {  	_ =	swait.ge [sflag:s14], $0x800  }
0x18a: {  	[sflag:s14] =	ssyncset.done $0x0  }
0x18b: {  	[sflag:s14] =	ssyncadd.s32 $0xFFFFF800  }
0x18c: {  	_ =	swait.ge [sflag:s15], $0x800  }
0x18d: {  	[sflag:s15] =	ssyncset.done $0x0  }
0x18e: {  	[sflag:s15] =	ssyncadd.s32 $0xFFFFF800  }
0x18f: {  	_ =	swait.ge [sflag:s14], $0x800  }
0x190: {  	[sflag:s14] =	ssyncset.done $0x0  }
0x191: {  	[sflag:s14] =	ssyncadd.s32 $0xFFFFF800  }
0x192: {  	_ =	swait.ge [sflag:s15], $0x800  }
0x193: {  	[sflag:s15] =	ssyncset.done $0x0  }
0x194: {  	[sflag:s15] =	ssyncadd.s32 $0xFFFFF800  }
0x195: {  	_ =	swait.ge [sflag:s14], $0x800  }
0x196: {  	[sflag:s14] =	ssyncset.done $0x0  }
0x197: {  	[sflag:s14] =	ssyncadd.s32 $0xFFFFF800  }
0x198: {  	_ =	swait.ge [sflag:s15], $0x800  }
0x199: {  	[sflag:s15] =	ssyncset.done $0x0  }
0x19a: {  	[sflag:s15] =	ssyncadd.s32 $0xFFFFF800  }
0x19b: {  	_ =	swait.ge [sflag:s14], $0x800  }
0x19c: {  	[sflag:s14] =	ssyncset.done $0x0  }
0x19d: {  	[sflag:s14] =	ssyncadd.s32 $0xFFFFF800  }
0x19e: {  	_ =	swait.ge [sflag:s15], $0x800  }
0x19f: {  	[sflag:s15] =	ssyncset.done $0x0  }
0x1a0: {  	[sflag:s15] =	ssyncadd.s32 $0xFFFFF800  }
0x1a1: {  	_ =	swait.ge [sflag:s14], $0x800  }
0x1a2: {  	[sflag:s14] =	ssyncset.done $0x0  }
0x1a3: {  	[sflag:s14] =	ssyncadd.s32 $0xFFFFF800  }
0x1a4: {  	_ =	swait.ge [sflag:s15], $0x800  }
0x1a5: {  	[sflag:s15] =	ssyncset.done $0x0  }
0x1a6: {  	[sflag:s15] =	ssyncadd.s32 $0xFFFFF800  }
0x1a7: {  	_ =	swait.ge [sflag:s14], $0x800  }
0x1a8: {  	[sflag:s14] =	ssyncset.done $0x0  }
0x1a9: {  	[sflag:s14] =	ssyncadd.s32 $0xFFFFF800  }
0x1aa: {  	_ =	swait.ge [sflag:s15], $0x800  }
0x1ab: {  	[sflag:s15] =	ssyncset.done $0x0  }
0x1ac: {  	[sflag:s15] =	ssyncadd.s32 $0xFFFFF800  }
0x1ad: {  	_ =	swait.ge [sflag:s14], $0x800  }
0x1ae: {  	[sflag:s14] =	ssyncset.done $0x0  }
0x1af: {  	[sflag:s14] =	ssyncadd.s32 $0xFFFFF800  }
0x1b0: {  	_ =	swait.ge [sflag:s15], $0x800  }
0x1b1: {  	[sflag:s15] =	ssyncset.done $0x0  }
0x1b2: {  	[sflag:s15] =	ssyncadd.s32 $0xFFFFF800  }
0x1b3: {  	_ =	swait.ge [sflag:s14], $0x800  }
0x1b4: {  	[sflag:s14] =	ssyncset.done $0x0  }
0x1b5: {  	[sflag:s14] =	ssyncadd.s32 $0xFFFFF800  }
0x1b6: {  	_ =	swait.ge [sflag:s15], $0x800  }
0x1b7: {  	[sflag:s15] =	ssyncset.done $0x0  }
0x1b8: {  	[sflag:s15] =	ssyncadd.s32 $0xFFFFF800  }
0x1b9: {  	_ =	swait.ge [sflag:s14], $0x800  }
0x1ba: {  	[sflag:s14] =	ssyncset.done $0x0  }
0x1bb: {  	[sflag:s14] =	ssyncadd.s32 $0xFFFFF800  }
0x1bc: {  	_ =	swait.ge [sflag:s15], $0x800  }
0x1bd: {  	[sflag:s15] =	ssyncset.done $0x0  }
0x1be: {  	[sflag:s15] =	ssyncadd.s32 $0xFFFFF800  }
0x1bf: {  	_ =	swait.ge [sflag:s14], $0x800  }
0x1c0: {  	[sflag:s14] =	ssyncset.done $0x0  }
0x1c1: {  	[sflag:s14] =	ssyncadd.s32 $0xFFFFF800  }
0x1c2: {  	_ =	swait.ge [sflag:s15], $0x800  }
0x1c3: {  	[sflag:s15] =	ssyncset.done $0x0  }
0x1c4: {  	[sflag:s15] =	ssyncadd.s32 $0xFFFFF800  }
0x1c5: {  	_ =	swait.ge [sflag:s14], $0x800  }
0x1c6: {  	[sflag:s14] =	ssyncset.done $0x0  }
0x1c7: {  	[sflag:s14] =	ssyncadd.s32 $0xFFFFF800  }
0x1c8: {  	_ =	swait.ge [sflag:s15], $0x800  }
0x1c9: {  	[sflag:s15] =	ssyncset.done $0x0  }
0x1ca: {  	[sflag:s15] =	ssyncadd.s32 $0xFFFFF800  }
0x1cb: {  	_ =	swait.ge [sflag:s14], $0x800  }
0x1cc: {  	[sflag:s14] =	ssyncset.done $0x0  }
0x1cd: {  	[sflag:s14] =	ssyncadd.s32 $0xFFFFF800  }
0x1ce: {  	_ =	swait.ge [sflag:s15], $0x800  }
0x1cf: {  	[sflag:s15] =	ssyncset.done $0x0  }
0x1d0: {  	[sflag:s15] =	ssyncadd.s32 $0xFFFFF800  }
0x1d1: {  	_ =	swait.ge [sflag:s14], $0x800  }
0x1d2: {  	[sflag:s14] =	ssyncset.done $0x0  }
0x1d3: {  	[sflag:s14] =	ssyncadd.s32 $0xFFFFF800  }
0x1d4: {  	_ =	swait.ge [sflag:s15], $0x800  }
0x1d5: {  	[sflag:s15] =	ssyncset.done $0x0  }
0x1d6: {  	[sflag:s15] =	ssyncadd.s32 $0xFFFFF800  }
0x1d7: {  	_ =	swait.ge [sflag:s14], $0x800  }
0x1d8: {  	[sflag:s14] =	ssyncset.done $0x0  }
0x1d9: {  	[sflag:s14] =	ssyncadd.s32 $0xFFFFF800  }
0x1da: {  	_ =	swait.ge [sflag:s15], $0x800  }
0x1db: {  	[sflag:s15] =	ssyncset.done $0x0  }
0x1dc: {  	[sflag:s15] =	ssyncadd.s32 $0xFFFFF800  }
0x1dd: {  	_ =	swait.ge [sflag:s14], $0x800  }
0x1de: {  	v18 =	vor.u32 v0, v16;
	[sflag:s14] =	ssyncset.done $0x0  }
0x1df: {  	v19 =	vor.u32 v0, v17;
	[sflag:s14] =	ssyncadd.s32 $0xFFFFF800  }
0x1e0: {  	v20 =	vor.u32 v1, v16;
	_ =	swait.ge [sflag:s15], $0x800  }
0x1e1: {  	v21 =	vor.u32 v1, v17;
	[sflag:s15] =	ssyncset.done $0x0  }
0x1e2: {  	v22 =	vor.u32 v2, v16;
	[sflag:s15] =	ssyncadd.s32 $0xFFFFF800  }
0x1e3: {  	v23 =	vor.u32 v2, v17;
	v18 =	vld.idx.msk [tilespmem:v18+s12+$0x0], $0xffff  }
0x1e4: {  	v24 =	vor.u32 v3, v16;
	v19 =	vld.idx.msk [tilespmem:v19+s28+$0x0], $0xffff  }
0x1e5: {  	v25 =	vor.u32 v3, v17;
	v20 =	vld.idx.msk [tilespmem:v20+s12+$0x0], $0xffff  }
0x1e6: {  	v26 =	vor.u32 v4, v16;
	v21 =	vld.idx.msk [tilespmem:v21+s28+$0x0], $0xffff  }
0x1e7: {  	v27 =	vor.u32 v4, v17;
	v22 =	vld.idx.msk [tilespmem:v22+s12+$0x0], $0xffff  }
0x1e8: {  	v28 =	vor.u32 v5, v16;
	v23 =	vld.idx.msk [tilespmem:v23+s28+$0x0], $0xffff  }
0x1e9: {  	v29 =	vor.u32 v5, v17;
	v24 =	vld.idx.msk [tilespmem:v24+s12+$0x0], $0xffff;
	v18 =	vmul.f32 v19, v18  }
0x1ea: {  	v19 =	vld.idx.msk [tilespmem:v25+s28+$0x0], $0xffff;
	v25 =	vor.u32 v6, v16  }
0x1eb: {  	v30 =	vor.u32 v6, v17;
	v26 =	vld.idx.msk [tilespmem:v26+s12+$0x0], $0xffff;
	v20 =	vmul.f32 v21, v20;
	v18 =	vadd.f32 $0.0e+00, v18  }
0x1ec: {  	v21 =	vld.idx.msk [tilespmem:v27+s28+$0x0], $0xffff;
	v27 =	vor.u32 v7, v16  }
0x1ed: {  	v31 =	vor.u32 v7, v17;
	v28 =	vld.idx.msk [tilespmem:v28+s12+$0x0], $0xffff;
	v18 =	vadd.f32 v20, v18;
	v20 =	vmul.f32 v23, v22  }
0x1ee: {  	v22 =	vld.idx.msk [tilespmem:v29+s28+$0x0], $0xffff;
	v23 =	vor.u32 v8, v16  }
0x1ef: {  	v29 =	vor.u32 v8, v17;
	v25 =	vld.idx.msk [tilespmem:v25+s12+$0x0], $0xffff;
	v19 =	vmul.f32 v19, v24;
	v18 =	vadd.f32 v20, v18  }
0x1f0: {  	v24 =	vor.u32 v9, v16;
	v20 =	vld.idx.msk [tilespmem:v30+s28+$0x0], $0xffff  }
0x1f1: {  	v27 =	vld.idx.msk [tilespmem:v27+s12+$0x0], $0xffff;
	v30 =	vor.u32 v9, v17;
	v18 =	vadd.f32 v19, v18;
	v19 =	vmul.f32 v21, v26  }
0x1f2: {  	v21 =	vld.idx.msk [tilespmem:v31+s28+$0x0], $0xffff;
	v26 =	vor.u32 v10, v16  }
0x1f3: {  	v31 =	vor.u32 v10, v17;
	v23 =	vld.idx.msk [tilespmem:v23+s12+$0x0], $0xffff;
	v18 =	vadd.f32 v19, v18;
	v19 =	vmul.f32 v22, v28  }
0x1f4: {  	v22 =	vld.idx.msk [tilespmem:v29+s28+$0x0], $0xffff;
	v28 =	vor.u32 v11, v16  }
0x1f5: {  	v24 =	vld.idx.msk [tilespmem:v24+s12+$0x0], $0xffff;
	v29 =	vor.u32 v11, v17;
	v18 =	vadd.f32 v19, v18;
	v19 =	vmul.f32 v20, v25  }
0x1f6: {  	v20 =	vld.idx.msk [tilespmem:v30+s28+$0x0], $0xffff;
	v25 =	vor.u32 v12, v16  }
0x1f7: {  	v30 =	vor.u32 v12, v17;
	v26 =	vld.idx.msk [tilespmem:v26+s12+$0x0], $0xffff;
	v18 =	vadd.f32 v19, v18;
	v19 =	vmul.f32 v21, v27  }
0x1f8: {  	v21 =	vld.idx.msk [tilespmem:v31+s28+$0x0], $0xffff;
	v27 =	vor.u32 v13, v16  }
0x1f9: {  	v31 =	vor.u32 v13, v17;
	v28 =	vld.idx.msk [tilespmem:v28+s12+$0x0], $0xffff;
	v18 =	vadd.f32 v19, v18  }
0x1fa: {  	v19 =	vmul.f32 v22, v23;
	v22 =	vld.idx.msk [tilespmem:v29+s28+$0x0], $0xffff;
	v29 =	vor.u32 v14, v17;
	v17 =	vor.u32 v15, v17  }
0x1fb: {  	v25 =	vld.idx.msk [tilespmem:v25+s12+$0x0], $0xffff  }
0x1fc: {  	v23 =	vor.u32 v14, v16;
	v18 =	vadd.f32 v19, v18;
	v19 =	vmul.f32 v20, v24;
	v20 =	vld.idx.msk [tilespmem:v30+s28+$0x0], $0xffff  }
0x1fd: {  	v24 =	vld.idx.msk [tilespmem:v27+s12+$0x0], $0xffff  }
0x1fe: {  	v16 =	vor.u32 v15, v16;
	v18 =	vadd.f32 v19, v18;
	v19 =	vmul.f32 v21, v26;
	v21 =	vld.idx.msk [tilespmem:v31+s28+$0x0], $0xffff  }
0x1ff: {  	v17 =	vld.idx.msk [tilespmem:v17+s28+$0x0], $0xffff  }
0x200: {  	v18 =	vadd.f32 v19, v18;
	v19 =	vmul.f32 v22, v28;
	v22 =	vld.idx.msk [tilespmem:v29+s28+$0x0], $0xffff;
	s28 =	sld [smem:$0x7F2]  }
0x201: {  	v23 =	vld.idx.msk [tilespmem:v23+s12+$0x0], $0xffff  }
0x202: {  	v18 =	vadd.f32 v19, v18;
	v19 =	vmul.f32 v20, v25  }
0x203: {  	v16 =	vld.idx.msk [tilespmem:v16+s12+$0x0], $0xffff;
	s19 =	sshra.s32 s28, $0x2  }
0x204: {  	v20 =	vld [tilespmem:s19+$0x0];
	v18 =	vadd.f32 v19, v18;
	v19 =	vmul.f32 v21, v24;
	_ =	sdelay $0x1  }
0x205: {  	v30 =	vld [tilespmem:s19+$0x200];
	v18 =	vadd.f32 v19, v18;
	v19 =	vmul.f32 v22, v23;
	_ =	sdelay $0x1  }
0x206: {  	v17 =	vmul.f32 v17, v16;
	v18 =	vadd.f32 v19, v18  }
0x207: {  	v19 =	vand.u32 $0xFFFFFF80, v20  }
0x208: {  	v16 =	vand.u32 $0x7F, v20;
	v20 =	vnsel vm0, $0x0, v19;
	v17 =	vadd.f32 v17, v18  }
0x209: {  	v21 =	vsel vm1, $0x0, v19;
	v18 =	vand.u32 $0xFFFFFF80, v30;
	(xrf0) =	vadd.scan.msk.s32 $0xffff, v20  }
0x20a: {  	v20 =	vnsel vm0, $0x0, v18;
	(xrf0) =	vadd.scan.msk.s32 $0xffff, v21;
	v17 =	vsub.f32 $0.0e+00, v17  }
0x20b: {  	s20 =	sld [smem:$0x7FA];
	v24 =	vsel vm1, $0x0, v18;
	(xrf0) =	vadd.scan.msk.s32 $0xffff, v20  }
0x20c: {  	s21 =	rddreg [dreg:$0x1f];
	v22 =	vsel vm2, $0x0, v19;
	(xrf0) =	vadd.scan.msk.s32 $0xffff, v24;
	v24 =	vmul.f32 $1.442695020e+00, v17  }
0x20d: {  	s22 =	rddreg [dreg:$0x1e];
	v21 =	vsel vm2, $0x0, v18;
	(xrf0) =	vadd.scan.msk.s32 $0xffff, v22  }
0x20e: {  	s23 =	rddreg [dreg:$0x1c];
	v23 =	vsel vm3, $0x0, v19;
	(xrf0) =	vadd.scan.msk.s32 $0xffff, v21;
	(erf) = vpow2.f32 v24  }
0x20f: {  	s25 =	rddreg [dreg:$0x1b];
	v25 =	vsel vm3, $0x0, v18;
	v17, _, _ =	vpop (xrf0);
	(xrf0) =	vadd.scan.msk.s32 $0xffff, v23  }
0x210: {  	s26 =	rddreg [dreg:$0x1a];
	(v2sf) =	vpush v17, $0xF;
	v17, _, _ =	vpop (xrf0);
	(xrf0) =	vadd.scan.msk.s32 $0xffff, v25  }
0x211: {  	s31 =	rddreg [dreg:$0x19];
	v31 =	vsel vm4, $0x0, v19;
	v21, _, _ =	vpop (xrf0);
	(v2sf) =	vpush v17, $0xF  }
0x212: {  	s11 =	rddreg [dreg:$0x18];
	v20 =	vsel vm4, $0x0, v18;
	(v2sf) =	vpush v21, $0xF;
	v17, _, _ =	vpop (xrf0);
	(xrf0) =	vadd.scan.msk.s32 $0xffff, v31  }
0x213: {  	s29 =	rddreg [dreg:$0x17];
	v59 =	vsel vm5, $0x0, v19;
	(v2sf) =	vpush v17, $0xF;
	v17, _, _ =	vpop (xrf0);
	(xrf0) =	vadd.scan.msk.s32 $0xffff, v20  }
0x214: {  	s30 =	rddreg [dreg:$0x16];
	v60 =	vsel vm5, $0x0, v18;
	(v2sf) =	vpush v17, $0xF;
	v17, _, _ =	vpop (xrf0);
	(xrf0) =	vadd.scan.msk.s32 $0xffff, v59  }
0x215: {  	s4 =	rddreg [dreg:$0x15];
	v61 =	vsel vm6, $0x0, v19;
	v31, _, _ =	vpop (xrf0);
	(xrf0) =	vadd.scan.msk.s32 $0xffff, v60  }
0x216: {  	s0 =	rddreg [dreg:$0x14];
	v62 =	vsel vm6, $0x0, v18;
	(v2sf) =	vpush v17, $0xF;
	v17 =	vand.u32 $0x7F, v30;
	v30, _, _ =	vpop (xrf0);
	(xrf0) =	vadd.scan.msk.s32 $0xffff, v61  }
0x217: {  	s16 =	rddreg [dreg:$0x12];
	v36 =	vsel vm7, $0x0, v19;
	v38 =	vsel vm8, $0x0, v19;
	(xrf0) =	vadd.scan.msk.s32 $0xffff, v62;
	v63 =	vpop (erf)  }
0x218: {  	s5 =	rddreg [dreg:$0x11];
	v40 =	vsel vm9, $0x0, v19;
	v29 =	vsel vm10, $0x0, v19;
	v42, _, _ =	vpop (xrf0);
	(xrf0) =	vadd.scan.msk.s32 $0xffff, v36;
	v32 =	vadd.f32 $1.000000000e+00, v63  }
0x219: {  	s6 =	rddreg [dreg:$0x10];
	v27 =	vsel vm11, $0x0, v19;
	v37 =	vsel vm7, $0x0, v18;
	v39 =	vsel vm8, $0x0, v18;
	v35, _, _ =	vpop (xrf0)  }
.Ltmp0:
0x21a: {  	s7 =	rddreg [dreg:$0xf];
	v41 =	vsel vm9, $0x0, v18;
	v28 =	vsel vm10, $0x0, v18;
	v26 =	vsel vm11, $0x0, v18;
	(xrf0) =	vadd.scan.msk.s32 $0xffff, v37;
	v34, _, _ =	vpop (xrf0);
	(pc) =	sbr.rel @p0 .LBB2_2-.Ltmp0, $4  }
0x21b: {  	s8 =	rddreg [dreg:$0xe];
	v22 =	vsel vm13, $0x0, v18;
	v24 =	vsel vm12, $0x0, v18;
	v23 =	vsel vm13, $0x0, v19;
	(xrf0) =	vadd.scan.msk.s32 $0xffff, v38;
	v33, _, _ =	vpop (xrf0)  }
0x21c: {  	s3 =	rddreg [dreg:$0xd];
	v25 =	vsel vm12, $0x0, v19;
	(v2sf) =	vpush v31, $0xF;
	(erf) = vrcp.f32 v32;
	(xrf0) =	vadd.scan.msk.s32 $0xffff, v39;
	v32, _, _ =	vpop (xrf0)  }
0x21d: {  	s9 =	rddreg [dreg:$0xc];
	v21 =	vsel vm14, $0x0, v19;
	v19 =	vsel vm15, $0x0, v19;
	(v2sf) =	vpush v30, $0xF;
	(xrf0) =	vadd.scan.msk.s32 $0xffff, v40;
	v31, _, _ =	vpop (xrf0)  }
0x21e: {  	s24 =	sld [smem:$0x7F3];
	v20 =	vsel vm14, $0x0, v18;
	v18 =	vsel vm15, $0x0, v18;
	(v2sf) =	vpush v42, $0xF;
	v30, _, _ =	vpop (xrf0);
	(xrf0) =	vadd.scan.msk.s32 $0xffff, v41  }
0x21f: {  	_ =	sdelay $0x3  }
0x220: {  	s2 =	sld [smem:$0x7F5]  }
0x221: {  	s1 =	spop (v2sf)  }
0x222: {  	s13 =	rddreg [dreg:$0x2];
	s1 =	sand.u32 $0xFFFFF80, s1;
	v36 =	vpop (erf)  }
0x223: {  	s10 =	simm.s32 $0x7A1400;
	s1 =	sadd.s32 s13, s1;
	[tilespmem:s2+$0x10400] =	vst v36;
	s2 =	spop (v2sf)  }
0x224: {  	[tilespmem:s12], [sflag:$0x1] =	stream.strided.gather [hbm4b:s1+s12], $0x800, s10, s12, $0x38;
	[tilespmem:$0x10600] =	vst v63  }
0x225: {  	s24 =	spop (v2sf)  }
0x226: {  	s17 =	rddreg [dreg:$0x3];
	s1 =	sand.u32 $0xFFFFF80, s24  }
0x227: {  	s18 =	simm.s32 $0x8400;
	s2 =	sand.u32 $0xFFFFF80, s2;
	s1 =	sadd.s32 s17, s1  }
0x228: {  	[tilespmem:s18], [sflag:$0x2] =	stream.strided.gather [hbm4b:s1+s12], $0x800, s10, s12, $0x38;
	[tilespmem:$0x10600] =	vst v63  }
0x229: {  	s28 =	rddreg [dreg:$0x6];
	s2 =	sadd.s32 s13, s2  }
0x22a: {  	[tilespmem:s28], [sflag:$0x1] =	stream.strided.gather [hbm4b:s2+s12], $0x800, s10, s12, $0x38;
	[tilespmem:$0x10600] =	vst v63  }
0x22b: {  	s28 =	spop (v2sf)  }
0x22c: {  	s2 =	sand.u32 $0xFFFFF80, s28  }
0x22d: {  	s24 =	rddreg [dreg:$0x7];
	s2 =	sadd.s32 s17, s2  }
0x22e: {  	[tilespmem:s24], [sflag:$0x2] =	stream.strided.gather [hbm4b:s2+s12], $0x800, s10, s12, $0x38;
	[tilespmem:$0x10600] =	vst v63  }
0x22f: {  	s2 =	spop (v2sf)  }
0x230: {  	s1 =	sand.u32 $0xFFFFF80, s2  }
0x231: {  	s24 =	rddreg [dreg:$0x8];
	s1 =	sadd.s32 s13, s1  }
0x232: {  	(v2sf) =	vpush v35, $0xF;
	[tilespmem:s24], [sflag:$0x1] =	stream.strided.gather [hbm4b:s1+s12], $0x800, s10, s12, $0x38;
	[tilespmem:$0x10600] =	vst v63  }
0x233: {  	s24 =	spop (v2sf)  }
0x234: {  	s2 =	sand.u32 $0xFFFFF80, s24  }
0x235: {  	s28 =	rddreg [dreg:$0x9];
	s24 =	spop (v2sf);
	s2 =	sadd.s32 s17, s2  }
0x236: {  	(v2sf) =	vpush v34, $0xF;
	[tilespmem:s28], [sflag:$0x2] =	stream.strided.gather [hbm4b:s2+s12], $0x800, s10, s12, $0x38;
	[tilespmem:$0x10600] =	vst v63  }
0x237: {  	s2 =	sand.u32 $0xFFFFF80, s24  }
0x238: {  	s28 =	rddreg [dreg:$0xa];
	s24 =	spop (v2sf);
	s2 =	sadd.s32 s13, s2  }
0x239: {  	(v2sf) =	vpush v33, $0xF;
	[tilespmem:s28], [sflag:$0x1] =	stream.strided.gather [hbm4b:s2+s12], $0x800, s10, s12, $0x38;
	[tilespmem:$0x10600] =	vst v63  }
0x23a: {  	s2 =	sand.u32 $0xFFFFF80, s24  }
0x23b: {  	s28 =	rddreg [dreg:$0xb];
	s2 =	sadd.s32 s17, s2  }
0x23c: {  	[tilespmem:s28], [sflag:$0x2] =	stream.strided.gather [hbm4b:s2+s12], $0x800, s10, s12, $0x38;
	[tilespmem:$0x10600] =	vst v63  }
0x23d: {  	s28 =	spop (v2sf)  }
0x23e: {  	(v2sf) =	vpush v32, $0xF;
	s1 =	sand.u32 $0xFFFFF80, s28  }
0x23f: {  	s1 =	sadd.s32 s13, s1  }
0x240: {  	(v2sf) =	vpush v31, $0xF;
	[tilespmem:s9], [sflag:$0x1] =	stream.strided.gather [hbm4b:s1+s12], $0x800, s10, s12, $0x38;
	[tilespmem:$0x10600] =	vst v63  }
0x241: {  	v57, _, _ =	vpop (xrf0);
	s2 =	spop (v2sf)  }
0x242: {  	v58, _, _ =	vpop (xrf0);
	(v2sf) =	vpush v57, $0xF;
	s1 =	sand.u32 $0xFFFFF80, s2  }
0x243: {  	v59, _, _ =	vpop (xrf0);
	(v2sf) =	vpush v58, $0xF;
	s1 =	sadd.s32 s17, s1  }
0x244: {  	(v2sf) =	vpush v59, $0xF;
	[tilespmem:s3], [sflag:$0x2] =	stream.strided.gather [hbm4b:s1+s12], $0x800, s10, s12, $0x38;
	[tilespmem:$0x10600] =	vst v63  }
0x245: {  	s3 =	spop (v2sf);
	(v2sf) =	vpush v30, $0xF;
	_ =	sdelay $0x1  }
0x246: {  	s1 =	sand.u32 $0xFFFFF80, s3  }
0x247: {  	s1 =	sadd.s32 s13, s1;
	s9 =	spop (v2sf)  }
0x248: {  	[tilespmem:s8], [sflag:$0x1] =	stream.strided.gather [hbm4b:s1+s12], $0x800, s10, s12, $0x38;
	[tilespmem:$0x10600] =	vst v63  }
0x249: {  	s1 =	sand.u32 $0xFFFFF80, s9  }
0x24a: {  	s1 =	sadd.s32 s17, s1  }
0x24b: {  	[tilespmem:s7], [sflag:$0x2] =	stream.strided.gather [hbm4b:s1+s12], $0x800, s10, s12, $0x38;
	[tilespmem:$0x10600] =	vst v63  }
0x24c: {  	s24 =	spop (v2sf)  }
0x24d: {  	v60, _, _ =	vpop (xrf0);
	s1 =	sand.u32 $0xFFFFF80, s24  }
0x24e: {  	(xrf0) =	vadd.scan.msk.s32 $0xffff, v29;
	(v2sf) =	vpush v60, $0xF;
	s28 =	spop (v2sf);
	s1 =	sadd.s32 s13, s1  }
0x24f: {  	[tilespmem:s6], [sflag:$0x1] =	stream.strided.gather [hbm4b:s1+s12], $0x800, s10, s12, $0x38;
	[tilespmem:$0x10600] =	vst v63  }
0x250: {  	s6 =	spop (v2sf)  }
0x251: {  	s7 =	spop (v2sf)  }
0x252: {  	v61, _, _ =	vpop (xrf0);
	(xrf0) =	vadd.scan.msk.s32 $0xffff, v28;
	s8 =	spop (v2sf)  }
0x253: {  	s3 =	sand.u32 $0xFFFFF80, s28;
	s9 =	spop (v2sf);
	(v2sf) =	vpush v61, $0xF  }
0x254: {  	s1 =	sadd.s32 s17, s3  }
0x255: {  	v62, _, _ =	vpop (xrf0);
	[tilespmem:s5], [sflag:$0x2] =	stream.strided.gather [hbm4b:s1+s12], $0x800, s10, s12, $0x38;
	[tilespmem:$0x10600] =	vst v63  }
0x256: {  	s5 =	sand.u32 $0xFFFFF80, s9;
	(v2sf) =	vpush v62, $0xF  }
0x257: {  	(xrf0) =	vadd.scan.msk.s32 $0xffff, v27;
	s2 =	sand.u32 $0xFFFFF80, s6;
	s5 =	sadd.s32 s13, s5  }
0x258: {  	v63, _, _ =	vpop (xrf0);
	[tilespmem:s16], [sflag:$0x1] =	stream.strided.gather [hbm4b:s5+s12], $0x800, s10, s12, $0x38;
	[tilespmem:$0x10600] =	vst v63  }
0x259: {  	(xrf0) =	vadd.scan.msk.s32 $0xffff, v26;
	s24 =	rddreg [dreg:$0x13];
	s2 =	sadd.s32 s17, s2;
	s28 =	sand.u32 $0xFFFFF80, s7;
	(v2sf) =	vpush v63, $0xF  }
0x25a: {  	[tilespmem:s24], [sflag:$0x2] =	stream.strided.gather [hbm4b:s2+s12], $0x800, s10, s12, $0x38;
	[tilespmem:$0x10600] =	vst v63  }
0x25b: {  	s1 =	sand.u32 $0xFFFFF80, s8;
	s2 =	sadd.s32 s13, s28  }
0x25c: {  	[tilespmem:s0], [sflag:$0x1] =	stream.strided.gather [hbm4b:s2+s12], $0x800, s10, s12, $0x38;
	[tilespmem:$0x10600] =	vst v63  }
0x25d: {  	v30, _, _ =	vpop (xrf0);
	(xrf0) =	vadd.scan.msk.s32 $0xffff, v25;
	s1 =	sadd.s32 s17, s1;
	s0 =	spop (v2sf)  }
0x25e: {  	(v2sf) =	vpush v30, $0xF;
	[tilespmem:s4], [sflag:$0x2] =	stream.strided.gather [hbm4b:s1+s12], $0x800, s10, s12, $0x38;
	[tilespmem:$0x10600] =	vst v63  }
0x25f: {  	s1 =	sand.u32 $0xFFFFF80, s0  }
0x260: {  	v31, _, _ =	vpop (xrf0);
	(xrf0) =	vadd.scan.msk.s32 $0xffff, v24;
	s1 =	sadd.s32 s13, s1  }
0x261: {  	[tilespmem:s30], [sflag:$0x1] =	stream.strided.gather [hbm4b:s1+s12], $0x800, s10, s12, $0x38;
	[tilespmem:$0x10600] =	vst v63  }
0x262: {  	s1 =	spop (v2sf);
	(v2sf) =	vpush v31, $0xF;
	_ =	sdelay $0x1  }
0x263: {  	v32, _, _ =	vpop (xrf0)  }
0x264: {  	s2 =	spop (v2sf);
	(v2sf) =	vpush v32, $0xF  }
0x265: {  	(xrf0) =	vadd.scan.msk.s32 $0xffff, v23  }
0x266: {  	v33, _, _ =	vpop (xrf0)  }
0x267: {  	s3 =	spop (v2sf);
	(v2sf) =	vpush v33, $0xF;
	_ =	sdelay $0x1  }
0x268: {  	(xrf0) =	vadd.scan.msk.s32 $0xffff, v22;
	s0 =	sand.u32 $0xFFFFF80, s1  }
0x269: {  	s0 =	sadd.s32 s17, s0  }
0x26a: {  	v34, _, _ =	vpop (xrf0);
	[tilespmem:s29], [sflag:$0x2] =	stream.strided.gather [hbm4b:s0+s12], $0x800, s10, s12, $0x38;
	[tilespmem:$0x10600] =	vst v63  }
0x26b: {  	(xrf0) =	vadd.scan.msk.s32 $0xffff, v21;
	s0 =	sand.u32 $0xFFFFF80, s2;
	s4 =	spop (v2sf);
	(v2sf) =	vpush v34, $0xF  }
0x26c: {  	s0 =	sadd.s32 s13, s0  }
0x26d: {  	[tilespmem:s11], [sflag:$0x1] =	stream.strided.gather [hbm4b:s0+s12], $0x800, s10, s12, $0x38;
	[tilespmem:$0x10600] =	vst v63  }
0x26e: {  	v35, _, _ =	vpop (xrf0);
	(xrf0) =	vadd.scan.msk.s32 $0xffff, v20;
	s0 =	sand.u32 $0xFFFFF80, s3  }
0x26f: {  	s0 =	sadd.s32 s17, s0;
	s5 =	spop (v2sf);
	(v2sf) =	vpush v35, $0xF  }
0x270: {  	[tilespmem:s31], [sflag:$0x2] =	stream.strided.gather [hbm4b:s0+s12], $0x800, s10, s12, $0x38;
	[tilespmem:$0x10600] =	vst v63  }
0x271: {  	v36, _, _ =	vpop (xrf0);
	s0 =	sand.u32 $0xFFFFF80, s4  }
0x272: {  	(xrf0) =	vadd.scan.msk.s32 $0xffff, v19;
	s0 =	sadd.s32 s13, s0;
	s6 =	spop (v2sf);
	(v2sf) =	vpush v36, $0xF  }
0x273: {  	[tilespmem:s26], [sflag:$0x1] =	stream.strided.gather [hbm4b:s0+s12], $0x800, s10, s12, $0x38;
	[tilespmem:$0x10600] =	vst v63  }
0x274: {  	v37, _, _ =	vpop (xrf0);
	s0 =	sand.u32 $0xFFFFF80, s5  }
0x275: {  	s0 =	sadd.s32 s17, s0;
	s7 =	spop (v2sf);
	(v2sf) =	vpush v37, $0xF  }
0x276: {  	[tilespmem:s25], [sflag:$0x2] =	stream.strided.gather [hbm4b:s0+s12], $0x800, s10, s12, $0x38;
	[tilespmem:$0x10600] =	vst v63  }
0x277: {  	(xrf0) =	vadd.scan.msk.s32 $0xffff, v18;
	s0 =	sand.u32 $0xFFFFF80, s6  }
0x278: {  	s0 =	sadd.s32 s13, s0  }
0x279: {  	v38, _, _ =	vpop (xrf0);
	[tilespmem:s23], [sflag:$0x1] =	stream.strided.gather [hbm4b:s0+s12], $0x800, s10, s12, $0x38;
	[tilespmem:$0x10600] =	vst v63  }
0x27a: {  	s0 =	sand.u32 $0xFFFFF80, s7;
	s9 =	spop (v2sf);
	(v2sf) =	vpush v38, $0xF  }
0x27b: {  	s8 =	rddreg [dreg:$0x1d];
	s0 =	sadd.s32 s17, s0  }
0x27c: {  	[tilespmem:s8], [sflag:$0x2] =	stream.strided.gather [hbm4b:s0+s12], $0x800, s10, s12, $0x38;
	[tilespmem:$0x10600] =	vst v63  }
0x27d: {  	v39, _, _ =	vpop (xrf0);
	s0 =	sand.u32 $0xFFFFF80, s9  }
0x27e: {  	s0 =	sadd.s32 s13, s0;
	s11 =	spop (v2sf);
	(v2sf) =	vpush v39, $0xF  }
0x27f: {  	[tilespmem:s22], [sflag:$0x1] =	stream.strided.gather [hbm4b:s0+s12], $0x800, s10, s12, $0x38;
	[tilespmem:$0x10600] =	vst v63  }
0x280: {  	s0 =	sand.u32 $0xFFFFF80, s11  }
0x281: {  	s16 =	spop (v2sf);
	s0 =	sadd.s32 s17, s0  }
0x282: {  	[tilespmem:s21], [sflag:$0x2] =	stream.strided.gather [hbm4b:s0+s12], $0x800, s10, s12, $0x38;
	[tilespmem:$0x10600] =	vst v63  }
0x283: {  	s0 =	sand.u32 $0xFFFFF80, s16  }
0x284: {  	s22 =	sld [smem:$0x7FB];
	s21 =	spop (v2sf);
	s0 =	sadd.s32 s13, s0  }
0x285: {  	[tilespmem:s20], [sflag:$0x1] =	stream.strided.gather [hbm4b:s0+s12], $0x800, s10, s12, $0x38;
	[tilespmem:$0x10600] =	vst v63  }
0x286: {  	s0 =	sand.u32 $0xFFFFF80, s21  }
0x287: {  	s0 =	sadd.s32 s17, s0  }
0x288: {  	[tilespmem:s22], [sflag:$0x2] =	stream.strided.gather [hbm4b:s0+s12], $0x800, s10, s12, $0x38;
	[tilespmem:$0x10600] =	vst v63  }
0x289: {  	s24 =	sld [smem:$0x7FC];
	s23 =	spop (v2sf)  }
0x28a: {  	s0 =	sand.u32 $0xFFFFF80, s23  }
0x28b: {  	s0 =	sadd.s32 s13, s0  }
0x28c: {  	[tilespmem:s24], [sflag:$0x1] =	stream.strided.gather [hbm4b:s0+s12], $0x800, s10, s12, $0x38;
	[tilespmem:$0x10600] =	vst v63  }
0x28d: {  	s26 =	sld [smem:$0x7FD];
	s25 =	spop (v2sf)  }
0x28e: {  	s0 =	sand.u32 $0xFFFFF80, s25  }
0x28f: {  	s0 =	sadd.s32 s17, s0  }
0x290: {  	[tilespmem:s26], [sflag:$0x2] =	stream.strided.gather [hbm4b:s0+s12], $0x800, s10, s12, $0x38;
	[tilespmem:$0x10600] =	vst v63  }
0x291: {  	_ =	swait.ge [sflag:s14], $0x800  }
0x292: {  	[sflag:s14] =	ssyncset.done $0x0  }
0x293: {  	[sflag:s14] =	ssyncadd.s32 $0xFFFFF800  }
0x294: {  	_ =	swait.ge [sflag:s15], $0x800  }
0x295: {  	[sflag:s15] =	ssyncset.done $0x0  }
0x296: {  	[sflag:s15] =	ssyncadd.s32 $0xFFFFF800  }
0x297: {  	_ =	swait.ge [sflag:s14], $0x800  }
0x298: {  	[sflag:s14] =	ssyncset.done $0x0  }
0x299: {  	[sflag:s14] =	ssyncadd.s32 $0xFFFFF800  }
0x29a: {  	_ =	swait.ge [sflag:s15], $0x800  }
0x29b: {  	[sflag:s15] =	ssyncset.done $0x0  }
0x29c: {  	[sflag:s15] =	ssyncadd.s32 $0xFFFFF800  }
0x29d: {  	_ =	swait.ge [sflag:s14], $0x800  }
0x29e: {  	[sflag:s14] =	ssyncset.done $0x0  }
0x29f: {  	[sflag:s14] =	ssyncadd.s32 $0xFFFFF800  }
0x2a0: {  	_ =	swait.ge [sflag:s15], $0x800  }
0x2a1: {  	[sflag:s15] =	ssyncset.done $0x0  }
0x2a2: {  	[sflag:s15] =	ssyncadd.s32 $0xFFFFF800  }
0x2a3: {  	_ =	swait.ge [sflag:s14], $0x800  }
0x2a4: {  	[sflag:s14] =	ssyncset.done $0x0  }
0x2a5: {  	[sflag:s14] =	ssyncadd.s32 $0xFFFFF800  }
0x2a6: {  	_ =	swait.ge [sflag:s15], $0x800  }
0x2a7: {  	[sflag:s15] =	ssyncset.done $0x0  }
0x2a8: {  	[sflag:s15] =	ssyncadd.s32 $0xFFFFF800  }
0x2a9: {  	_ =	swait.ge [sflag:s14], $0x800  }
0x2aa: {  	[sflag:s14] =	ssyncset.done $0x0  }
0x2ab: {  	[sflag:s14] =	ssyncadd.s32 $0xFFFFF800  }
0x2ac: {  	_ =	swait.ge [sflag:s15], $0x800  }
0x2ad: {  	[sflag:s15] =	ssyncset.done $0x0  }
0x2ae: {  	[sflag:s15] =	ssyncadd.s32 $0xFFFFF800  }
0x2af: {  	_ =	swait.ge [sflag:s14], $0x800  }
0x2b0: {  	[sflag:s14] =	ssyncset.done $0x0  }
0x2b1: {  	[sflag:s14] =	ssyncadd.s32 $0xFFFFF800  }
0x2b2: {  	_ =	swait.ge [sflag:s15], $0x800  }
0x2b3: {  	[sflag:s15] =	ssyncset.done $0x0  }
0x2b4: {  	[sflag:s15] =	ssyncadd.s32 $0xFFFFF800  }
0x2b5: {  	_ =	swait.ge [sflag:s14], $0x800  }
0x2b6: {  	[sflag:s14] =	ssyncset.done $0x0  }
0x2b7: {  	[sflag:s14] =	ssyncadd.s32 $0xFFFFF800  }
0x2b8: {  	_ =	swait.ge [sflag:s15], $0x800  }
0x2b9: {  	[sflag:s15] =	ssyncset.done $0x0  }
0x2ba: {  	[sflag:s15] =	ssyncadd.s32 $0xFFFFF800  }
0x2bb: {  	_ =	swait.ge [sflag:s14], $0x800  }
0x2bc: {  	[sflag:s14] =	ssyncset.done $0x0  }
0x2bd: {  	[sflag:s14] =	ssyncadd.s32 $0xFFFFF800  }
0x2be: {  	_ =	swait.ge [sflag:s15], $0x800  }
0x2bf: {  	[sflag:s15] =	ssyncset.done $0x0  }
0x2c0: {  	[sflag:s15] =	ssyncadd.s32 $0xFFFFF800  }
0x2c1: {  	_ =	swait.ge [sflag:s14], $0x800  }
0x2c2: {  	[sflag:s14] =	ssyncset.done $0x0  }
0x2c3: {  	[sflag:s14] =	ssyncadd.s32 $0xFFFFF800  }
0x2c4: {  	_ =	swait.ge [sflag:s15], $0x800  }
0x2c5: {  	[sflag:s15] =	ssyncset.done $0x0  }
0x2c6: {  	[sflag:s15] =	ssyncadd.s32 $0xFFFFF800  }
0x2c7: {  	_ =	swait.ge [sflag:s14], $0x800  }
0x2c8: {  	[sflag:s14] =	ssyncset.done $0x0  }
0x2c9: {  	[sflag:s14] =	ssyncadd.s32 $0xFFFFF800  }
0x2ca: {  	_ =	swait.ge [sflag:s15], $0x800  }
0x2cb: {  	[sflag:s15] =	ssyncset.done $0x0  }
0x2cc: {  	[sflag:s15] =	ssyncadd.s32 $0xFFFFF800  }
0x2cd: {  	_ =	swait.ge [sflag:s14], $0x800  }
0x2ce: {  	[sflag:s14] =	ssyncset.done $0x0  }
0x2cf: {  	[sflag:s14] =	ssyncadd.s32 $0xFFFFF800  }
0x2d0: {  	_ =	swait.ge [sflag:s15], $0x800  }
0x2d1: {  	[sflag:s15] =	ssyncset.done $0x0  }
0x2d2: {  	[sflag:s15] =	ssyncadd.s32 $0xFFFFF800  }
0x2d3: {  	_ =	swait.ge [sflag:s14], $0x800  }
0x2d4: {  	[sflag:s14] =	ssyncset.done $0x0  }
0x2d5: {  	[sflag:s14] =	ssyncadd.s32 $0xFFFFF800  }
0x2d6: {  	_ =	swait.ge [sflag:s15], $0x800  }
0x2d7: {  	[sflag:s15] =	ssyncset.done $0x0  }
0x2d8: {  	[sflag:s15] =	ssyncadd.s32 $0xFFFFF800  }
0x2d9: {  	_ =	swait.ge [sflag:s14], $0x800  }
0x2da: {  	[sflag:s14] =	ssyncset.done $0x0  }
0x2db: {  	[sflag:s14] =	ssyncadd.s32 $0xFFFFF800  }
0x2dc: {  	_ =	swait.ge [sflag:s15], $0x800  }
0x2dd: {  	[sflag:s15] =	ssyncset.done $0x0  }
0x2de: {  	[sflag:s15] =	ssyncadd.s32 $0xFFFFF800  }
0x2df: {  	_ =	swait.ge [sflag:s14], $0x800  }
0x2e0: {  	[sflag:s14] =	ssyncset.done $0x0  }
0x2e1: {  	[sflag:s14] =	ssyncadd.s32 $0xFFFFF800  }
0x2e2: {  	_ =	swait.ge [sflag:s15], $0x800  }
0x2e3: {  	[sflag:s15] =	ssyncset.done $0x0  }
0x2e4: {  	[sflag:s15] =	ssyncadd.s32 $0xFFFFF800  }
0x2e5: {  	_ =	swait.ge [sflag:s14], $0x800  }
0x2e6: {  	[sflag:s14] =	ssyncset.done $0x0  }
0x2e7: {  	[sflag:s14] =	ssyncadd.s32 $0xFFFFF800  }
0x2e8: {  	_ =	swait.ge [sflag:s15], $0x800  }
0x2e9: {  	[sflag:s15] =	ssyncset.done $0x0  }
0x2ea: {  	[sflag:s15] =	ssyncadd.s32 $0xFFFFF800  }
0x2eb: {  	_ =	swait.ge [sflag:s14], $0x800  }
0x2ec: {  	v40 =	vor.u32 v0, v16;
	[sflag:s14] =	ssyncset.done $0x0  }
0x2ed: {  	v41 =	vor.u32 v0, v17;
	[sflag:s14] =	ssyncadd.s32 $0xFFFFF800  }
0x2ee: {  	v42 =	vor.u32 v1, v16;
	_ =	swait.ge [sflag:s15], $0x800  }
0x2ef: {  	v43 =	vor.u32 v1, v17;
	[sflag:s15] =	ssyncset.done $0x0  }
0x2f0: {  	v44 =	vor.u32 v2, v16;
	[sflag:s15] =	ssyncadd.s32 $0xFFFFF800  }
0x2f1: {  	v45 =	vor.u32 v2, v17;
	v18 =	vld.idx.msk [tilespmem:v40+s12+$0x0], $0xffff  }
0x2f2: {  	v46 =	vor.u32 v3, v16;
	v19 =	vld.idx.msk [tilespmem:v41+s18+$0x0], $0xffff  }
0x2f3: {  	v47 =	vor.u32 v3, v17;
	v20 =	vld.idx.msk [tilespmem:v42+s12+$0x0], $0xffff  }
0x2f4: {  	v48 =	vor.u32 v4, v16;
	v21 =	vld.idx.msk [tilespmem:v43+s18+$0x0], $0xffff  }
0x2f5: {  	v49 =	vor.u32 v4, v17;
	v22 =	vld.idx.msk [tilespmem:v44+s12+$0x0], $0xffff  }
0x2f6: {  	v50 =	vor.u32 v5, v16;
	v23 =	vld.idx.msk [tilespmem:v45+s18+$0x0], $0xffff  }
0x2f7: {  	v51 =	vor.u32 v5, v17;
	v24 =	vld.idx.msk [tilespmem:v46+s12+$0x0], $0xffff;
	v18 =	vmul.f32 v19, v18  }
0x2f8: {  	v53 =	vor.u32 v6, v16;
	v52 =	vld.idx.msk [tilespmem:v47+s18+$0x0], $0xffff  }
0x2f9: {  	v54 =	vor.u32 v6, v17;
	v26 =	vld.idx.msk [tilespmem:v48+s12+$0x0], $0xffff;
	v20 =	vmul.f32 v21, v20;
	v18 =	vadd.f32 $0.0e+00, v18  }
0x2fa: {  	v56 =	vor.u32 v7, v16;
	v55 =	vld.idx.msk [tilespmem:v49+s18+$0x0], $0xffff  }
0x2fb: {  	v57 =	vor.u32 v7, v17;
	v28 =	vld.idx.msk [tilespmem:v50+s12+$0x0], $0xffff;
	v58 =	vmul.f32 v23, v22;
	v18 =	vadd.f32 v20, v18  }
0x2fc: {  	v61 =	vor.u32 v8, v17;
	v59 =	vld.idx.msk [tilespmem:v51+s18+$0x0], $0xffff  }
0x2fd: {  	v60 =	vor.u32 v8, v16;
	v25 =	vld.idx.msk [tilespmem:v53+s12+$0x0], $0xffff;
	v19 =	vmul.f32 v52, v24;
	v18 =	vadd.f32 v58, v18  }
0x2fe: {  	v33 =	vor.u32 v9, v17;
	v62 =	vld.idx.msk [tilespmem:v54+s18+$0x0], $0xffff  }
0x2ff: {  	v63 =	vor.u32 v9, v16;
	v27 =	vld.idx.msk [tilespmem:v56+s12+$0x0], $0xffff;
	v34 =	vmul.f32 v55, v26;
	v18 =	vadd.f32 v19, v18  }
0x300: {  	v37 =	vor.u32 v10, v17;
	v35 =	vld.idx.msk [tilespmem:v57+s18+$0x0], $0xffff  }
0x301: {  	v36 =	vor.u32 v10, v16;
	v39 =	vld.idx.msk [tilespmem:v61+s18+$0x0], $0xffff;
	v38 =	vmul.f32 v59, v28;
	v18 =	vadd.f32 v34, v18  }
0x302: {  	v40 =	vor.u32 v11, v16;
	v23 =	vld.idx.msk [tilespmem:v60+s12+$0x0], $0xffff  }
0x303: {  	v41 =	vor.u32 v11, v17;
	v43 =	vld.idx.msk [tilespmem:v33+s18+$0x0], $0xffff;
	v42 =	vmul.f32 v62, v25;
	v18 =	vadd.f32 v38, v18  }
0x304: {  	v44 =	vor.u32 v12, v16;
	v24 =	vld.idx.msk [tilespmem:v63+s12+$0x0], $0xffff  }
0x305: {  	v45 =	vor.u32 v12, v17;
	v47 =	vld.idx.msk [tilespmem:v37+s18+$0x0], $0xffff;
	v46 =	vmul.f32 v35, v27;
	v18 =	vadd.f32 v42, v18  }
0x306: {  	v48 =	vor.u32 v13, v16;
	v26 =	vld.idx.msk [tilespmem:v36+s12+$0x0], $0xffff  }
0x307: {  	v49 =	vor.u32 v13, v17;
	v28 =	vld.idx.msk [tilespmem:v40+s12+$0x0], $0xffff;
	v50 =	vmul.f32 v39, v23;
	v18 =	vadd.f32 v46, v18  }
0x308: {  	v53 =	vor.u32 v14, v17;
	v51 =	vld.idx.msk [tilespmem:v41+s18+$0x0], $0xffff  }
0x309: {  	v52 =	vor.u32 v14, v16;
	v25 =	vld.idx.msk [tilespmem:v44+s12+$0x0], $0xffff;
	v54 =	vmul.f32 v43, v24;
	v18 =	vadd.f32 v50, v18  }
0x30a: {  	v17 =	vor.u32 v15, v17;
	v55 =	vld.idx.msk [tilespmem:v45+s18+$0x0], $0xffff  }
0x30b: {  	v16 =	vor.u32 v15, v16;
	v56 =	vld.idx.msk [tilespmem:v48+s12+$0x0], $0xffff;
	v57 =	vmul.f32 v47, v26;
	v18 =	vadd.f32 v54, v18  }
0x30c: {  	v58 =	vld.idx.msk [tilespmem:v49+s18+$0x0], $0xffff  }
0x30d: {  	v60 =	vld.idx.msk [tilespmem:v53+s18+$0x0], $0xffff;
	v59 =	vmul.f32 v51, v28;
	v18 =	vadd.f32 v57, v18  }
0x30e: {  	v23 =	vld.idx.msk [tilespmem:v52+s12+$0x0], $0xffff  }
0x30f: {  	v17 =	vld.idx.msk [tilespmem:v17+s18+$0x0], $0xffff;
	v61 =	vmul.f32 v55, v25;
	v18 =	vadd.f32 v59, v18  }
0x310: {  	v16 =	vld.idx.msk [tilespmem:v16+s12+$0x0], $0xffff  }
0x311: {  	v62 =	vmul.f32 v58, v56;
	v18 =	vadd.f32 v61, v18;
	_ =	sdelay $0x1  }
0x312: {  	v63 =	vmul.f32 v60, v23;
	v18 =	vadd.f32 v62, v18;
	_ =	sdelay $0x1  }
0x313: {  	v16 =	vmul.f32 v17, v16;
	v18 =	vadd.f32 v63, v18;
	_ =	sdelay $0x1  }
0x314: {  	v16 =	vadd.f32 v16, v18;
	_ =	sdelay $0x1  }
0x315: {  	v16 =	vsub.f32 $0.0e+00, v16;
	_ =	sdelay $0x1  }
0x316: {  	v16 =	vmul.f32 $1.442695020e+00, v16;
	_ =	sdelay $0x1  }
0x317: {  	(erf) = vpow2.f32 v16;
	_ =	sdelay $0x8  }
0x318: {  	v16 =	vpop (erf)  }
0x319: {  	v16 =	vadd.f32 $1.000000000e+00, v16;
	_ =	sdelay $0x1  }
0x31a: {  	(erf) = vrcp.f32 v16;
	_ =	sdelay $0x7  }
0x31b: {  	s28 =	sld [smem:$0x7F8]  }
0x31c: {  	v16 =	vpop (erf)  }
0x31d: {  	s1 =	simm.s32 $0x0;
	s29 =	simm.s32 $0x10400;
	s2 =	simm.s32 $0x3;
	[tilespmem:s19+$0x10400] =	vst v16  }
0x31e: {  	[hbm4b:s28+s1] =	stream.linear.scatter [tilespmem:s29], [sflag:$0x3], $0x200, $0x38;
	[tilespmem:$0x10600] =	vst v63  }
0x31f: {  	_ =	swait.ge [sflag:s2], $0x200  }
0x320: {  	s30 =	sld [smem:$0x7F4]  }
0x321: {  	s31 =	sld [smem:$0x7F9];
	_ =	sdelay $0x1  }
0x322: {  	s3 =	sadd.s32 $0x1, s30  }
0x323: {  	p0 =	sne.s32 s3, s31  }
.Ltmp1:
0x324: {  	_ = 	snop;
	(pc) =	sbr.rel @p0 .LBB2_1-.Ltmp1, $3  }
0x325: {  	_ =	sdelay $0x1  }
0x326: {  	[sflag:s2] =	ssyncset.done $0x0  }
0x327: {  	[sflag:s2] =	ssyncadd.s32 $0xFFFFFE00  }
0x328: {  	_ =	sfence.sel $0x180000  }
0x329: {  	[bflag:$0x0] =	sbarrier.arrive $0xFFFF  }
0x32a: {  	_ =	strace $0x90000047  }
0x32b: {  	s0 =	stileid.u32;
	[bflag:$0x2] =	sbarrier.arrive $0xFFFF  }
0x32c: {  	p0 =	sne.s32 s0, $0x0;
	s0 =	rddreg [dreg:$0x5]  }
0x32d: {  	s0 =	sadd.s32 @!p0 $0x100000, s0  }
0x32e: {  	[sflag:s0] =	ssyncadd.tile.s32 @!p0 $0x1;
	_ =	shalt  }
.Lfunc_end2:
_tile_overlayer_lowered:
.L_overlay_start_2:
0x32f: {  	(tag) =	ssettag $0x2  }
0x330: {  	s0 =	rddreg [dreg:$0x0];
	s2 =	stileid.u32  }
0x331: {  	s1 =	rddreg [dreg:$0x1];
	p0 =	sne.s32 s2, $0x0  }
0x332: {  	s3 =	rddreg [dreg:$0x2];
	[bflag:$0x3] =	sbarrier.arrive $0xFFFF;
	s2 =	simm.s32 @!p0 $0x1C03  }
0x333: {  	[timem:s3], [sflag:s2] =	dma.local @!p0 [hbm:s0], s1  }
0x334: {  	s0 =	simm.s32 @!p0 $0x3  }
0x335: {  	_ =	swait.ge @!p0 [sflag:s0], s1  }
0x336: {  	s1 =	ssub.s32 @!p0 $0x0, s1;
	[sflag:s0] =	ssyncset.done @!p0 $0x0  }
0x337: {  	[sflag:s0] =	ssyncadd.s32 @!p0 s1  }
0x338: {  	[bflag:$0x3] =	sbarrier.arrive $0xFFFF  }
0x339: {  	_ =	shalt  }

</sc_bundles>
